<compile_context>
chip_gen: v7x
topology: tpu7x:2x2x1
jax: 0.10.2.dev20260603
libtpu: 0.0.44.dev20260713+nightly
codegen_flags: <defaults>
</compile_context>

<pallas_src>
import functools

import jax
import jax.numpy as jnp
from jax import lax
from jax.experimental import pallas as pl
from jax.experimental.pallas import tpu as pltpu
from jax.experimental.pallas import tpu_sc as plsc

N = 10000
E = 320000
D = 128

NC = 2
NS = 16
B = 128
NCHUNK = E // B
PAIRS = NCHUNK // 2
P0 = PAIRS // 2
P1 = PAIRS - P0
NP = 10240
RPT = NP // NS
BM = 2000

_mesh = plsc.VectorSubcoreMesh(core_axis_name="c", subcore_axis_name="s")
_sc_params = pltpu.CompilerParams(needs_layout_passes=False)



@functools.partial(
    pl.kernel,
    mesh=_mesh,
    out_type=jax.ShapeDtypeStruct((NC * NS, NP), jnp.float32),
    scratch_types=[
        pltpu.VMEM((E // (NC * NS),), jnp.int32),
        pltpu.VMEM((NP,), jnp.float32),
    ],
    compiler_params=_sc_params,
)
def _deg_call(edge_hbm, out_hbm, idx_v, cnt_v):
    cid = lax.axis_index("c")
    sid = lax.axis_index("s")
    w = cid * NS + sid
    zero16 = jnp.zeros((16,), jnp.float32)

    def zbody(i, carry):
        cnt_v[pl.ds(i * 16, 16)] = zero16
        return carry

    lax.fori_loop(0, NP // 16, zbody, 0)
    ew = E // (NC * NS)
    pltpu.sync_copy(edge_hbm.at[pl.ds(E + w * ew, ew)], idx_v)
    ones = jnp.ones((16,), jnp.float32)

    def body(k, carry):
        idx = idx_v[pl.ds(k * 16, 16)]
        plsc.addupdate_scatter(cnt_v, [idx], ones)
        return carry

    lax.fori_loop(0, ew // 16, body, 0)
    pltpu.sync_copy(cnt_v, out_hbm.at[w])



@functools.partial(
    pl.kernel,
    mesh=_mesh,
    out_type=jax.ShapeDtypeStruct((NC, NP, D), jnp.float32),
    scratch_types=[
        pltpu.VMEM((B,), jnp.int32),
        pltpu.VMEM((B,), jnp.int32),
        pltpu.VMEM((B,), jnp.int32),
        pltpu.VMEM((B,), jnp.int32),
        pltpu.VMEM((B,), jnp.int32),
        pltpu.VMEM((B,), jnp.int32),
        pltpu.VMEM((B, D), jnp.float32),
        pltpu.VMEM((B, D), jnp.float32),
        pltpu.VMEM_SHARED((NP, D), jnp.float32),
        pltpu.SemaphoreType.DMA,
        pltpu.SemaphoreType.DMA,
        pltpu.SemaphoreType.DMA,
        pltpu.SemaphoreType.DMA,
        pltpu.SemaphoreType.DMA,
        pltpu.SemaphoreType.DMA,
        pltpu.SemaphoreType.DMA,
        pltpu.SemaphoreType.DMA,
        pltpu.SemaphoreType.DMA,
        pltpu.SemaphoreType.DMA,
    ],
    compiler_params=_sc_params,
)
def _edge_call(g_hbm, edge_hbm, out_hbm,
               si0, si1, di0, di1, di2, di3, rows0, rows1, acc,
               ss0, ss1, sd0, sd1, sd2, sd3, sg0, sg1, sc0, sc1):
    cid = lax.axis_index("c")
    sid = lax.axis_index("s")
    zero16 = jnp.zeros((16,), jnp.float32)

    QUADS = NCHUNK // 4
    Q0 = QUADS // 2
    qc = jnp.where(cid == 0, Q0, QUADS - Q0)
    qbase = jnp.where(cid == 0, 0, Q0)
    qlo = qbase + (sid * qc) // NS
    qhi = qbase + ((sid + 1) * qc) // NS
    nquad = qhi - qlo
    k0 = 4 * qlo
    klast = 4 * qhi - 1

    def fetch_src(k, si, ssem):
        pltpu.async_copy(edge_hbm.at[pl.ds(k * B, B)], si, ssem)

    def wait_src(k, si, ssem):
        pltpu.make_async_copy(edge_hbm.at[pl.ds(k * B, B)], si, ssem).wait()

    def fetch_dst(k, di, dsem):
        pltpu.async_copy(edge_hbm.at[pl.ds(E + k * B, B)], di, dsem)

    def wait_dst(k, di, dsem):
        pltpu.make_async_copy(edge_hbm.at[pl.ds(E + k * B, B)], di,
                              dsem).wait()

    fetch_src(k0, si0, ss0)
    fetch_src(k0 + 1, si1, ss1)
    fetch_dst(k0, di0, sd0)
    fetch_dst(k0 + 1, di1, sd1)
    fetch_dst(k0 + 2, di2, sd2)

    def zbody(i, carry):
        for j in range(D // 16):
            rows1[i, pl.ds(j * 16, 16)] = zero16
        return carry

    lax.fori_loop(0, B, zbody, 0)
    wait_src(k0, si0, ss0)
    pltpu.async_copy(g_hbm.at[si0], rows0, sg0)
    for t in range(RPT // B):
        pltpu.async_copy(rows1, acc.at[pl.ds(sid * RPT + t * B, B)], sc0)
    for t in range(RPT // B):
        pltpu.make_async_copy(rows1, acc.at[pl.ds(sid * RPT + t * B, B)],
                              sc0).wait()
    plsc.subcore_barrier()

    SIB = (si0, si1)
    SSB = (ss0, ss1)
    DIB = (di0, di1, di2, di3)
    SDB = (sd0, sd1, sd2, sd3)
    RWB = (rows0, rows1)
    SGB = (sg0, sg1)
    SCB = (sc0, sc1)

    def half(k, m, wait_prev):
        wait_src(jnp.minimum(k + 1, klast), SIB[(m + 1) % 2], SSB[(m + 1) % 2])
        wait_dst(jnp.minimum(k + 1, klast), DIB[(m + 1) % 4], SDB[(m + 1) % 4])

        @pl.when(wait_prev)
        def _():
            pltpu.make_async_copy(RWB[(m + 1) % 2],
                                  acc.at[DIB[(m + 3) % 4]],
                                  SCB[(m + 1) % 2]).wait()

        pltpu.async_copy(g_hbm.at[SIB[(m + 1) % 2]], RWB[(m + 1) % 2],
                         SGB[(m + 1) % 2])
        pltpu.make_async_copy(g_hbm.at[SIB[m % 2]], RWB[m % 2],
                              SGB[m % 2]).wait()
        pltpu.async_copy(RWB[m % 2], acc.at[DIB[m % 4]], SCB[m % 2],
                         add=True)
        fetch_src(jnp.minimum(k + 2, klast), SIB[m % 2], SSB[m % 2])
        fetch_dst(jnp.minimum(k + 3, klast), DIB[(m + 3) % 4],
                  SDB[(m + 3) % 4])

    def body(j, carry):
        k = k0 + 4 * j
        half(k, 0, j > 0)
        half(k + 1, 1, j >= 0)
        half(k + 2, 2, j >= 0)
        half(k + 3, 3, j >= 0)
        return carry

    lax.fori_loop(0, nquad, body, 0)
    pltpu.make_async_copy(rows1, acc.at[di3], sc1).wait()
    pltpu.make_async_copy(g_hbm.at[si0], rows0, sg0).wait()
    wait_src(klast, si1, ss1)
    wait_dst(klast, di1, sd1)
    wait_dst(klast, di2, sd2)
    plsc.subcore_barrier()
    pltpu.sync_copy(acc.at[pl.ds(sid * RPT, RPT)],
                    out_hbm.at[cid, pl.ds(sid * RPT, RPT)])



def _dinv_body(dp_ref, out_ref):
    s = lax.rsqrt(jnp.sum(dp_ref[...], axis=0) + 1.0)
    out_ref[...] = s.reshape(NP, 1)


def _tc_dinv(parts):
    return pl.pallas_call(
        _dinv_body,
        grid=(1,),
        in_specs=[pl.BlockSpec((NC * NS, NP), lambda i: (0, 0))],
        out_specs=pl.BlockSpec((NP, 1), lambda i: (0, 0)),
        out_shape=jax.ShapeDtypeStruct((NP, 1), jnp.float32),
    )(parts)


def _mm1_body(x_ref, w_ref, dinv_ref, g_ref):
    g_ref[...] = jnp.dot(x_ref[...], w_ref[...],
                         precision=lax.Precision.HIGHEST,
                         preferred_element_type=jnp.float32) * dinv_ref[...]


def _mm2_body(s_ref, g_ref, dinv_ref, b_ref, w_ref, out_ref):
    s = s_ref[...]
    dinv = dinv_ref[...]
    h = jnp.maximum(dinv * (s[0] + s[1] + g_ref[...]) + b_ref[...], 0.0)
    out_ref[...] = jnp.dot(h, w_ref[...],
                           precision=lax.Precision.HIGHEST,
                           preferred_element_type=jnp.float32) * dinv


def _out_body(s_ref, g_ref, dinv_ref, b_ref, out_ref):
    s = s_ref[...]
    out_ref[...] = dinv_ref[...] * (s[0] + s[1] + g_ref[...]) + b_ref[...]


def _tc_mm1(x, W1, dinv):
    return pl.pallas_call(
        _mm1_body,
        grid=(N // BM,),
        in_specs=[
            pl.BlockSpec((BM, D), lambda i: (i, 0)),
            pl.BlockSpec((D, D), lambda i: (0, 0)),
            pl.BlockSpec((BM, 1), lambda i: (i, 0)),
        ],
        out_specs=pl.BlockSpec((BM, D), lambda i: (i, 0)),
        out_shape=jax.ShapeDtypeStruct((N, D), jnp.float32),
    )(x, W1, dinv)


def _tc_mm2(s1, g1, dinv, b1, W2):
    return pl.pallas_call(
        _mm2_body,
        grid=(N // BM,),
        in_specs=[
            pl.BlockSpec((NC, BM, D), lambda i: (0, i, 0)),
            pl.BlockSpec((BM, D), lambda i: (i, 0)),
            pl.BlockSpec((BM, 1), lambda i: (i, 0)),
            pl.BlockSpec((1, D), lambda i: (0, 0)),
            pl.BlockSpec((D, D), lambda i: (0, 0)),
        ],
        out_specs=pl.BlockSpec((BM, D), lambda i: (i, 0)),
        out_shape=jax.ShapeDtypeStruct((N, D), jnp.float32),
    )(s1, g1, dinv, b1, W2)


def _tc_out(s2, g2, dinv, b2):
    return pl.pallas_call(
        _out_body,
        grid=(N // BM,),
        in_specs=[
            pl.BlockSpec((NC, BM, D), lambda i: (0, i, 0)),
            pl.BlockSpec((BM, D), lambda i: (i, 0)),
            pl.BlockSpec((BM, 1), lambda i: (i, 0)),
            pl.BlockSpec((1, D), lambda i: (0, 0)),
        ],
        out_specs=pl.BlockSpec((BM, D), lambda i: (i, 0)),
        out_shape=jax.ShapeDtypeStruct((N, D), jnp.float32),
    )(s2, g2, dinv, b2)


def kernel(x, edge_index, W1, b1, W2, b2):
    edge_flat = edge_index.reshape(2 * E)
    parts = _deg_call(edge_flat)
    dinv = _tc_dinv(parts)[:N]
    g1 = _tc_mm1(x, W1, dinv)
    s1 = _edge_call(g1, edge_flat)
    g2 = _tc_mm2(s1, g1, dinv, b1.reshape(1, D), W2)
    s2 = _edge_call(g2, edge_flat)
    out = _tc_out(s2, g2, dinv, b2.reshape(1, D))
    return out

# --- scband reference (transcript-rebuilt; emitter-appended) ---
"""Pipeline reference for scband-encoder-10350871183497 (READ-ONLY COPY).

The authoritative reference and input builder live on the scoring server;
editing this copy changes nothing except your own understanding.
"""

import jax, jax.numpy as jnp
import numpy as np

N = 10000
E = 320000
D_IN = 128
D_HID = 128
D_OUT = 128


def setup_inputs(seed: int = 0) -> dict:
    key = jax.random.key(seed)
    k1, k2, k3, k4, k5, k6 = jax.random.split(key, 6)
    x = jax.random.normal(k1, (N, D_IN), dtype=jnp.float32)
    edge_index = jax.random.randint(k2, (2, E), 0, N, dtype=jnp.int32)
    # GCNConv learned params: lin weight (glorot) + bias (zeros-init)
    W1 = jax.random.normal(k3, (D_IN, D_HID), dtype=jnp.float32) * (1.0 / np.sqrt(D_IN))
    b1 = jnp.zeros((D_HID,), dtype=jnp.float32)
    W2 = jax.random.normal(k4, (D_HID, D_OUT), dtype=jnp.float32) * (1.0 / np.sqrt(D_HID))
    b2 = jnp.zeros((D_OUT,), dtype=jnp.float32)
    return {"x": x, "edge_index": edge_index, "W1": W1, "b1": b1, "W2": W2, "b2": b2}


def _gcn_conv(x, edge_index, W, b):
    # PyG GCNConv: add self-loops, symmetric normalization D^-1/2 (A+I) D^-1/2, x @ W, scatter-add, + bias
    src = edge_index[0]
    dst = edge_index[1]
    loop = jnp.arange(N, dtype=src.dtype)
    src = jnp.concatenate([src, loop])
    dst = jnp.concatenate([dst, loop])
    deg = jnp.zeros((N,), dtype=x.dtype).at[dst].add(1.0)
    deg_inv_sqrt = jnp.where(deg > 0, 1.0 / jnp.sqrt(deg), 0.0)
    norm = deg_inv_sqrt[src] * deg_inv_sqrt[dst]
    h = x @ W
    msg = h[src] * norm[:, None]
    out = jax.ops.segment_sum(msg, dst, num_segments=N)
    return out + b


def reference(x, edge_index, W1, b1, W2, b2):
    h = jax.nn.relu(_gcn_conv(x, edge_index, W1, b1))
    # dropout is identity in eval mode (training=False)
    out = _gcn_conv(h, edge_index, W2, b2)
    return out

if __name__ == "__main__":
    import jax
    _d = setup_inputs()
    print(jax.jit(kernel)(*tuple(_d.values())))

</pallas_src>

<mosaic_0001>
#map = affine_map<(d0, d1) -> (0, 0)>
#map1 = affine_map<(d0, d1) -> (0)>
#map2 = affine_map<(d0, d1) -> (0, 0, 0)>
module attributes {stable_mosaic.version = 14 : i64} {
  func.func @_edge_call(%arg0: i32, %arg1: i32, %arg2: memref<10000x128xf32, #tpu.memory_space<hbm>>, %arg3: memref<640000xi32, #tpu.memory_space<hbm>>, %arg4: memref<2x10240x128xf32, #tpu.memory_space<hbm>>, %arg5: memref<128xi32, #tpu.memory_space<vmem>>, %arg6: memref<128xi32, #tpu.memory_space<vmem>>, %arg7: memref<128xi32, #tpu.memory_space<vmem>>, %arg8: memref<128xi32, #tpu.memory_space<vmem>>, %arg9: memref<128xi32, #tpu.memory_space<vmem>>, %arg10: memref<128xi32, #tpu.memory_space<vmem>>, %arg11: memref<128x128xf32, #tpu.memory_space<vmem>>, %arg12: memref<128x128xf32, #tpu.memory_space<vmem>>, %arg13: memref<10240x128xf32, #tpu.memory_space<vmem_shared>>, %arg14: memref<!tpu.dma_semaphore, #tpu.memory_space<semaphore_mem>>, %arg15: memref<!tpu.dma_semaphore, #tpu.memory_space<semaphore_mem>>, %arg16: memref<!tpu.dma_semaphore, #tpu.memory_space<semaphore_mem>>, %arg17: memref<!tpu.dma_semaphore, #tpu.memory_space<semaphore_mem>>, %arg18: memref<!tpu.dma_semaphore, #tpu.memory_space<semaphore_mem>>, %arg19: memref<!tpu.dma_semaphore, #tpu.memory_space<semaphore_mem>>, %arg20: memref<!tpu.dma_semaphore, #tpu.memory_space<semaphore_mem>>, %arg21: memref<!tpu.dma_semaphore, #tpu.memory_space<semaphore_mem>>, %arg22: memref<!tpu.dma_semaphore, #tpu.memory_space<semaphore_mem>>, %arg23: memref<!tpu.dma_semaphore, #tpu.memory_space<semaphore_mem>>) attributes {dimension_semantics = [#tpu.dimension_semantics<core_parallel>, #tpu.dimension_semantics<subcore_parallel>], iteration_bounds = array<i64: 2, 16>, scalar_prefetch = 0 : i64, scratch_operands = 19 : i64, tpu.core_type = #tpu.core_type<sc_vector_subcore>, window_params = [{transform_indices = #map}, {transform_indices = #map1}, {transform_indices = #map2}]} {
    %broadcast_in_dim3A = arith.constant 0.000000e+00 : f32
    %broadcast_in_dim3A_0 = vector.broadcast %broadcast_in_dim3A : f32 to vector<16xf32>
    %eq3A = arith.constant 0 : i32
    %eq3A_1 = arith.cmpi eq, %arg0, %eq3A : i32
    %jit3A = arith.constant 312 : i32
    %jit3A_2 = arith.constant 313 : i32
    %select_n3A = arith.select %eq3A_1, %jit3A, %jit3A_2 : i32
    %eq3A_3 = arith.constant 0 : i32
    %eq3A_4 = arith.cmpi eq, %arg0, %eq3A_3 : i32
    %jit3A_5 = arith.constant 0 : i32
    %jit3A_6 = arith.constant 312 : i32
    %select_n3A_7 = arith.select %eq3A_4, %jit3A_5, %jit3A_6 : i32
    %mul3A = arith.muli %arg1, %select_n3A : i32
    %jit3A_8 = arith.constant 16 : i32
    %div3A = arith.divsi %mul3A, %jit3A_8 : i32
    %sign3A = arith.constant 0 : i32
    %sign3A_9 = arith.cmpi sgt, %mul3A, %sign3A : i32
    %sign3A_10 = arith.extui %sign3A_9 : i1 to i32
    %sign3A_11 = arith.constant 0 : i32
    %sign3A_12 = arith.cmpi slt, %mul3A, %sign3A_11 : i32
    %sign3A_13 = arith.extui %sign3A_12 : i1 to i32
    %sign3A_14 = arith.subi %sign3A_10, %sign3A_13 : i32
    %sign3A_15 = arith.constant 0 : i32
    %sign3A_16 = arith.cmpi sgt, %jit3A_8, %sign3A_15 : i32
    %sign3A_17 = arith.extui %sign3A_16 : i1 to i32
    %sign3A_18 = arith.constant 0 : i32
    %sign3A_19 = arith.cmpi slt, %jit3A_8, %sign3A_18 : i32
    %sign3A_20 = arith.extui %sign3A_19 : i1 to i32
    %sign3A_21 = arith.subi %sign3A_17, %sign3A_20 : i32
    %ne3A = arith.cmpi ne, %sign3A_14, %sign3A_21 : i32
    %rem3A = arith.remsi %mul3A, %jit3A_8 : i32
    %ne3A_22 = arith.constant 0 : i32
    %ne3A_23 = arith.cmpi ne, %rem3A, %ne3A_22 : i32
    %and3A = arith.andi %ne3A, %ne3A_23 : i1
    %sub3A = arith.constant 1 : i32
    %sub3A_24 = arith.subi %div3A, %sub3A : i32
    %select_n3A_25 = arith.select %and3A, %sub3A_24, %div3A : i32
    %add3A = arith.addi %select_n3A_7, %select_n3A_25 : i32
    %add3A_26 = arith.constant 1 : i32
    %add3A_27 = arith.addi %arg1, %add3A_26 : i32
    %mul3A_28 = arith.muli %add3A_27, %select_n3A : i32
    %jit3A_29 = arith.constant 16 : i32
    %div3A_30 = arith.divsi %mul3A_28, %jit3A_29 : i32
    %sign3A_31 = arith.constant 0 : i32
    %sign3A_32 = arith.cmpi sgt, %mul3A_28, %sign3A_31 : i32
    %sign3A_33 = arith.extui %sign3A_32 : i1 to i32
    %sign3A_34 = arith.constant 0 : i32
    %sign3A_35 = arith.cmpi slt, %mul3A_28, %sign3A_34 : i32
    %sign3A_36 = arith.extui %sign3A_35 : i1 to i32
    %sign3A_37 = arith.subi %sign3A_33, %sign3A_36 : i32
    %sign3A_38 = arith.constant 0 : i32
    %sign3A_39 = arith.cmpi sgt, %jit3A_29, %sign3A_38 : i32
    %sign3A_40 = arith.extui %sign3A_39 : i1 to i32
    %sign3A_41 = arith.constant 0 : i32
    %sign3A_42 = arith.cmpi slt, %jit3A_29, %sign3A_41 : i32
    %sign3A_43 = arith.extui %sign3A_42 : i1 to i32
    %sign3A_44 = arith.subi %sign3A_40, %sign3A_43 : i32
    %ne3A_45 = arith.cmpi ne, %sign3A_37, %sign3A_44 : i32
    %rem3A_46 = arith.remsi %mul3A_28, %jit3A_29 : i32
    %ne3A_47 = arith.constant 0 : i32
    %ne3A_48 = arith.cmpi ne, %rem3A_46, %ne3A_47 : i32
    %and3A_49 = arith.andi %ne3A_45, %ne3A_48 : i1
    %sub3A_50 = arith.constant 1 : i32
    %sub3A_51 = arith.subi %div3A_30, %sub3A_50 : i32
    %select_n3A_52 = arith.select %and3A_49, %sub3A_51, %div3A_30 : i32
    %add3A_53 = arith.addi %select_n3A_7, %select_n3A_52 : i32
    %sub3A_54 = arith.subi %add3A_53, %add3A : i32
    %mul3A_55 = arith.constant 4 : i32
    %mul3A_56 = arith.muli %mul3A_55, %add3A : i32
    %mul3A_57 = arith.constant 4 : i32
    %mul3A_58 = arith.muli %mul3A_57, %add3A_53 : i32
    %sub3A_59 = arith.constant 1 : i32
    %sub3A_60 = arith.subi %mul3A_58, %sub3A_59 : i32
    %mul3A_61 = arith.constant 128 : i32
    %mul3A_62 = arith.muli %mul3A_56, %mul3A_61 : i32
    %dma_start3A = tpu.memref_slice %arg3[%mul3A_62] : memref<640000xi32, #tpu.memory_space<hbm>> -> memref<128xi32, #tpu.memory_space<hbm>>
    %dma_start3A_63 = tpu.memref_slice %arg3[%mul3A_62] : memref<640000xi32, #tpu.memory_space<hbm>> -> memref<128xi32, #tpu.memory_space<hbm>>
    tpu.enqueue_dma source(%dma_start3A_63 : memref<128xi32, #tpu.memory_space<hbm>>) target(%arg5 : memref<128xi32, #tpu.memory_space<vmem>>) target_semaphore(%arg14 : memref<!tpu.dma_semaphore, #tpu.memory_space<semaphore_mem>>)
    %add3A_64 = arith.constant 1 : i32
    %add3A_65 = arith.addi %mul3A_56, %add3A_64 : i32
    %mul3A_66 = arith.constant 128 : i32
    %mul3A_67 = arith.muli %add3A_65, %mul3A_66 : i32
    %dma_start3A_68 = tpu.memref_slice %arg3[%mul3A_67] : memref<640000xi32, #tpu.memory_space<hbm>> -> memref<128xi32, #tpu.memory_space<hbm>>
    %dma_start3A_69 = tpu.memref_slice %arg3[%mul3A_67] : memref<640000xi32, #tpu.memory_space<hbm>> -> memref<128xi32, #tpu.memory_space<hbm>>
    tpu.enqueue_dma source(%dma_start3A_69 : memref<128xi32, #tpu.memory_space<hbm>>) target(%arg6 : memref<128xi32, #tpu.memory_space<vmem>>) target_semaphore(%arg15 : memref<!tpu.dma_semaphore, #tpu.memory_space<semaphore_mem>>)
    %mul3A_70 = arith.constant 128 : i32
    %mul3A_71 = arith.muli %mul3A_56, %mul3A_70 : i32
    %add3A_72 = arith.constant 320000 : i32
    %add3A_73 = arith.addi %add3A_72, %mul3A_71 : i32
    %dma_start3A_74 = tpu.memref_slice %arg3[%add3A_73] : memref<640000xi32, #tpu.memory_space<hbm>> -> memref<128xi32, #tpu.memory_space<hbm>>
    %dma_start3A_75 = tpu.memref_slice %arg3[%add3A_73] : memref<640000xi32, #tpu.memory_space<hbm>> -> memref<128xi32, #tpu.memory_space<hbm>>
    tpu.enqueue_dma source(%dma_start3A_75 : memref<128xi32, #tpu.memory_space<hbm>>) target(%arg7 : memref<128xi32, #tpu.memory_space<vmem>>) target_semaphore(%arg16 : memref<!tpu.dma_semaphore, #tpu.memory_space<semaphore_mem>>)
    %add3A_76 = arith.constant 1 : i32
    %add3A_77 = arith.addi %mul3A_56, %add3A_76 : i32
    %mul3A_78 = arith.constant 128 : i32
    %mul3A_79 = arith.muli %add3A_77, %mul3A_78 : i32
    %add3A_80 = arith.constant 320000 : i32
    %add3A_81 = arith.addi %add3A_80, %mul3A_79 : i32
    %dma_start3A_82 = tpu.memref_slice %arg3[%add3A_81] : memref<640000xi32, #tpu.memory_space<hbm>> -> memref<128xi32, #tpu.memory_space<hbm>>
    %dma_start3A_83 = tpu.memref_slice %arg3[%add3A_81] : memref<640000xi32, #tpu.memory_space<hbm>> -> memref<128xi32, #tpu.memory_space<hbm>>
    tpu.enqueue_dma source(%dma_start3A_83 : memref<128xi32, #tpu.memory_space<hbm>>) target(%arg8 : memref<128xi32, #tpu.memory_space<vmem>>) target_semaphore(%arg17 : memref<!tpu.dma_semaphore, #tpu.memory_space<semaphore_mem>>)
    %add3A_84 = arith.constant 2 : i32
    %add3A_85 = arith.addi %mul3A_56, %add3A_84 : i32
    %mul3A_86 = arith.constant 128 : i32
    %mul3A_87 = arith.muli %add3A_85, %mul3A_86 : i32
    %add3A_88 = arith.constant 320000 : i32
    %add3A_89 = arith.addi %add3A_88, %mul3A_87 : i32
    %dma_start3A_90 = tpu.memref_slice %arg3[%add3A_89] : memref<640000xi32, #tpu.memory_space<hbm>> -> memref<128xi32, #tpu.memory_space<hbm>>
    %dma_start3A_91 = tpu.memref_slice %arg3[%add3A_89] : memref<640000xi32, #tpu.memory_space<hbm>> -> memref<128xi32, #tpu.memory_space<hbm>>
    tpu.enqueue_dma source(%dma_start3A_91 : memref<128xi32, #tpu.memory_space<hbm>>) target(%arg9 : memref<128xi32, #tpu.memory_space<vmem>>) target_semaphore(%arg18 : memref<!tpu.dma_semaphore, #tpu.memory_space<semaphore_mem>>)
    %scan3A = arith.constant 0 : i32
    %scan3A_92 = arith.constant 0 : i32
    %scan3A_93 = arith.constant 128 : i32
    %scan3A_94 = arith.addi %scan3A_92, %scan3A_93 : i32
    %scan3A_95 = arith.constant 1 : i32
    scf.for %scan3A_219 = %scan3A_92 to %scan3A_94 step %scan3A_95  : i32 {
      %swap3A = arith.index_cast %scan3A_219 : i32 to index
      %swap3A_220 = arith.constant 0 : index
      %swap3A_221 = tpu.vector_load %arg12[%swap3A, %swap3A_220] {strides = array<i32>} : memref<128x128xf32, #tpu.memory_space<vmem>>, vector<16xf32>,
      tpu.vector_store %arg12[%swap3A, %swap3A_220], %broadcast_in_dim3A_0 {strides = array<i32>} : memref<128x128xf32, #tpu.memory_space<vmem>>, vector<16xf32>,
      %swap3A_222 = arith.index_cast %scan3A_219 : i32 to index
      %swap3A_223 = arith.constant 16 : index
      %swap3A_224 = tpu.vector_load %arg12[%swap3A_222, %swap3A_223] {strides = array<i32>} : memref<128x128xf32, #tpu.memory_space<vmem>>, vector<16xf32>,
      tpu.vector_store %arg12[%swap3A_222, %swap3A_223], %broadcast_in_dim3A_0 {strides = array<i32>} : memref<128x128xf32, #tpu.memory_space<vmem>>, vector<16xf32>,
      %swap3A_225 = arith.index_cast %scan3A_219 : i32 to index
      %swap3A_226 = arith.constant 32 : index
      %swap3A_227 = tpu.vector_load %arg12[%swap3A_225, %swap3A_226] {strides = array<i32>} : memref<128x128xf32, #tpu.memory_space<vmem>>, vector<16xf32>,
      tpu.vector_store %arg12[%swap3A_225, %swap3A_226], %broadcast_in_dim3A_0 {strides = array<i32>} : memref<128x128xf32, #tpu.memory_space<vmem>>, vector<16xf32>,
      %swap3A_228 = arith.index_cast %scan3A_219 : i32 to index
      %swap3A_229 = arith.constant 48 : index
      %swap3A_230 = tpu.vector_load %arg12[%swap3A_228, %swap3A_229] {strides = array<i32>} : memref<128x128xf32, #tpu.memory_space<vmem>>, vector<16xf32>,
      tpu.vector_store %arg12[%swap3A_228, %swap3A_229], %broadcast_in_dim3A_0 {strides = array<i32>} : memref<128x128xf32, #tpu.memory_space<vmem>>, vector<16xf32>,
      %swap3A_231 = arith.index_cast %scan3A_219 : i32 to index
      %swap3A_232 = arith.constant 64 : index
      %swap3A_233 = tpu.vector_load %arg12[%swap3A_231, %swap3A_232] {strides = array<i32>} : memref<128x128xf32, #tpu.memory_space<vmem>>, vector<16xf32>,
      tpu.vector_store %arg12[%swap3A_231, %swap3A_232], %broadcast_in_dim3A_0 {strides = array<i32>} : memref<128x128xf32, #tpu.memory_space<vmem>>, vector<16xf32>,
      %swap3A_234 = arith.index_cast %scan3A_219 : i32 to index
      %swap3A_235 = arith.constant 80 : index
      %swap3A_236 = tpu.vector_load %arg12[%swap3A_234, %swap3A_235] {strides = array<i32>} : memref<128x128xf32, #tpu.memory_space<vmem>>, vector<16xf32>,
      tpu.vector_store %arg12[%swap3A_234, %swap3A_235], %broadcast_in_dim3A_0 {strides = array<i32>} : memref<128x128xf32, #tpu.memory_space<vmem>>, vector<16xf32>,
      %swap3A_237 = arith.index_cast %scan3A_219 : i32 to index
      %swap3A_238 = arith.constant 96 : index
      %swap3A_239 = tpu.vector_load %arg12[%swap3A_237, %swap3A_238] {strides = array<i32>} : memref<128x128xf32, #tpu.memory_space<vmem>>, vector<16xf32>,
      tpu.vector_store %arg12[%swap3A_237, %swap3A_238], %broadcast_in_dim3A_0 {strides = array<i32>} : memref<128x128xf32, #tpu.memory_space<vmem>>, vector<16xf32>,
      %swap3A_240 = arith.index_cast %scan3A_219 : i32 to index
      %swap3A_241 = arith.constant 112 : index
      %swap3A_242 = tpu.vector_load %arg12[%swap3A_240, %swap3A_241] {strides = array<i32>} : memref<128x128xf32, #tpu.memory_space<vmem>>, vector<16xf32>,
      tpu.vector_store %arg12[%swap3A_240, %swap3A_241], %broadcast_in_dim3A_0 {strides = array<i32>} : memref<128x128xf32, #tpu.memory_space<vmem>>, vector<16xf32>,
    }
    %scan3A_96 = arith.constant 128 : i32
    %mul3A_97 = arith.constant 128 : i32
    %mul3A_98 = arith.muli %mul3A_56, %mul3A_97 : i32
    %dma_wait3A = tpu.memref_slice %arg3[%mul3A_98] : memref<640000xi32, #tpu.memory_space<hbm>> -> memref<128xi32, #tpu.memory_space<hbm>>
    %dma_wait3A_99 = tpu.memref_slice %arg3[%mul3A_98] : memref<640000xi32, #tpu.memory_space<hbm>> -> memref<128xi32, #tpu.memory_space<hbm>>
    tpu.wait_dma2 semaphore(%arg14 : memref<!tpu.dma_semaphore, #tpu.memory_space<semaphore_mem>>) src(%dma_wait3A_99 : memref<128xi32, #tpu.memory_space<hbm>>) dst(%arg5 : memref<128xi32, #tpu.memory_space<vmem>>)
    %dma_start3A_100 = arith.constant 0 : i32
    %dma_start3A_101 = arith.constant 0 : i32
    %dma_start3A_102 = tpu.memref_slice %arg2[%dma_start3A_100, %dma_start3A_101] : memref<10000x128xf32, #tpu.memory_space<hbm>> -> memref<10000x128xf32, #tpu.memory_space<hbm>>
    tpu.enqueue_indirect_dma source(%dma_start3A_102 : memref<10000x128xf32, #tpu.memory_space<hbm>>) target(%arg11 : memref<128x128xf32, #tpu.memory_space<vmem>>) offsets(%arg5 : memref<128xi32, #tpu.memory_space<vmem>>) semaphore(%arg20 : memref<!tpu.dma_semaphore, #tpu.memory_space<semaphore_mem>>)
    %mul3A_103 = arith.constant 640 : i32
    %mul3A_104 = arith.muli %arg1, %mul3A_103 : i32
    %add3A_105 = arith.constant 0 : i32
    %add3A_106 = arith.addi %mul3A_104, %add3A_105 : i32
    %dma_start3A_107 = arith.constant 0 : i32
    %dma_start3A_108 = tpu.memref_slice %arg13[%add3A_106, %dma_start3A_107] : memref<10240x128xf32, #tpu.memory_space<vmem_shared>> -> memref<128x128xf32, #tpu.memory_space<vmem_shared>>
    %dma_start3A_109 = arith.constant 0 : i32
    %dma_start3A_110 = tpu.memref_slice %arg13[%add3A_106, %dma_start3A_109] : memref<10240x128xf32, #tpu.memory_space<vmem_shared>> -> memref<128x128xf32, #tpu.memory_space<vmem_shared>>
    tpu.enqueue_dma source(%arg12 : memref<128x128xf32, #tpu.memory_space<vmem>>) target(%dma_start3A_110 : memref<128x128xf32, #tpu.memory_space<vmem_shared>>) target_semaphore(%arg22 : memref<!tpu.dma_semaphore, #tpu.memory_space<semaphore_mem>>)
    %mul3A_111 = arith.constant 640 : i32
    %mul3A_112 = arith.muli %arg1, %mul3A_111 : i32
    %add3A_113 = arith.constant 128 : i32
    %add3A_114 = arith.addi %mul3A_112, %add3A_113 : i32
    %dma_start3A_115 = arith.constant 0 : i32
    %dma_start3A_116 = tpu.memref_slice %arg13[%add3A_114, %dma_start3A_115] : memref<10240x128xf32, #tpu.memory_space<vmem_shared>> -> memref<128x128xf32, #tpu.memory_space<vmem_shared>>
    %dma_start3A_117 = arith.constant 0 : i32
    %dma_start3A_118 = tpu.memref_slice %arg13[%add3A_114, %dma_start3A_117] : memref<10240x128xf32, #tpu.memory_space<vmem_shared>> -> memref<128x128xf32, #tpu.memory_space<vmem_shared>>
    tpu.enqueue_dma source(%arg12 : memref<128x128xf32, #tpu.memory_space<vmem>>) target(%dma_start3A_118 : memref<128x128xf32, #tpu.memory_space<vmem_shared>>) target_semaphore(%arg22 : memref<!tpu.dma_semaphore, #tpu.memory_space<semaphore_mem>>)
    %mul3A_119 = arith.constant 640 : i32
    %mul3A_120 = arith.muli %arg1, %mul3A_119 : i32
    %add3A_121 = arith.constant 256 : i32
    %add3A_122 = arith.addi %mul3A_120, %add3A_121 : i32
    %dma_start3A_123 = arith.constant 0 : i32
    %dma_start3A_124 = tpu.memref_slice %arg13[%add3A_122, %dma_start3A_123] : memref<10240x128xf32, #tpu.memory_space<vmem_shared>> -> memref<128x128xf32, #tpu.memory_space<vmem_shared>>
    %dma_start3A_125 = arith.constant 0 : i32
    %dma_start3A_126 = tpu.memref_slice %arg13[%add3A_122, %dma_start3A_125] : memref<10240x128xf32, #tpu.memory_space<vmem_shared>> -> memref<128x128xf32, #tpu.memory_space<vmem_shared>>
    tpu.enqueue_dma source(%arg12 : memref<128x128xf32, #tpu.memory_space<vmem>>) target(%dma_start3A_126 : memref<128x128xf32, #tpu.memory_space<vmem_shared>>) target_semaphore(%arg22 : memref<!tpu.dma_semaphore, #tpu.memory_space<semaphore_mem>>)
    %mul3A_127 = arith.constant 640 : i32
    %mul3A_128 = arith.muli %arg1, %mul3A_127 : i32
    %add3A_129 = arith.constant 384 : i32
    %add3A_130 = arith.addi %mul3A_128, %add3A_129 : i32
    %dma_start3A_131 = arith.constant 0 : i32
    %dma_start3A_132 = tpu.memref_slice %arg13[%add3A_130, %dma_start3A_131] : memref<10240x128xf32, #tpu.memory_space<vmem_shared>> -> memref<128x128xf32, #tpu.memory_space<vmem_shared>>
    %dma_start3A_133 = arith.constant 0 : i32
    %dma_start3A_134 = tpu.memref_slice %arg13[%add3A_130, %dma_start3A_133] : memref<10240x128xf32, #tpu.memory_space<vmem_shared>> -> memref<128x128xf32, #tpu.memory_space<vmem_shared>>
    tpu.enqueue_dma source(%arg12 : memref<128x128xf32, #tpu.memory_space<vmem>>) target(%dma_start3A_134 : memref<128x128xf32, #tpu.memory_space<vmem_shared>>) target_semaphore(%arg22 : memref<!tpu.dma_semaphore, #tpu.memory_space<semaphore_mem>>)
    %mul3A_135 = arith.constant 640 : i32
    %mul3A_136 = arith.muli %arg1, %mul3A_135 : i32
    %add3A_137 = arith.constant 512 : i32
    %add3A_138 = arith.addi %mul3A_136, %add3A_137 : i32
    %dma_start3A_139 = arith.constant 0 : i32
    %dma_start3A_140 = tpu.memref_slice %arg13[%add3A_138, %dma_start3A_139] : memref<10240x128xf32, #tpu.memory_space<vmem_shared>> -> memref<128x128xf32, #tpu.memory_space<vmem_shared>>
    %dma_start3A_141 = arith.constant 0 : i32
    %dma_start3A_142 = tpu.memref_slice %arg13[%add3A_138, %dma_start3A_141] : memref<10240x128xf32, #tpu.memory_space<vmem_shared>> -> memref<128x128xf32, #tpu.memory_space<vmem_shared>>
    tpu.enqueue_dma source(%arg12 : memref<128x128xf32, #tpu.memory_space<vmem>>) target(%dma_start3A_142 : memref<128x128xf32, #tpu.memory_space<vmem_shared>>) target_semaphore(%arg22 : memref<!tpu.dma_semaphore, #tpu.memory_space<semaphore_mem>>)
    %mul3A_143 = arith.constant 640 : i32
    %mul3A_144 = arith.muli %arg1, %mul3A_143 : i32
    %add3A_145 = arith.constant 0 : i32
    %add3A_146 = arith.addi %mul3A_144, %add3A_145 : i32
    %dma_wait3A_147 = arith.constant 0 : i32
    %dma_wait3A_148 = tpu.memref_slice %arg13[%add3A_146, %dma_wait3A_147] : memref<10240x128xf32, #tpu.memory_space<vmem_shared>> -> memref<128x128xf32, #tpu.memory_space<vmem_shared>>
    %dma_wait3A_149 = arith.constant 0 : i32
    %dma_wait3A_150 = tpu.memref_slice %arg13[%add3A_146, %dma_wait3A_149] : memref<10240x128xf32, #tpu.memory_space<vmem_shared>> -> memref<128x128xf32, #tpu.memory_space<vmem_shared>>
    tpu.wait_dma2 semaphore(%arg22 : memref<!tpu.dma_semaphore, #tpu.memory_space<semaphore_mem>>) src(%arg12 : memref<128x128xf32, #tpu.memory_space<vmem>>) dst(%dma_wait3A_150 : memref<128x128xf32, #tpu.memory_space<vmem_shared>>)
    %mul3A_151 = arith.constant 640 : i32
    %mul3A_152 = arith.muli %arg1, %mul3A_151 : i32
    %add3A_153 = arith.constant 128 : i32
    %add3A_154 = arith.addi %mul3A_152, %add3A_153 : i32
    %dma_wait3A_155 = arith.constant 0 : i32
    %dma_wait3A_156 = tpu.memref_slice %arg13[%add3A_154, %dma_wait3A_155] : memref<10240x128xf32, #tpu.memory_space<vmem_shared>> -> memref<128x128xf32, #tpu.memory_space<vmem_shared>>
    %dma_wait3A_157 = arith.constant 0 : i32
    %dma_wait3A_158 = tpu.memref_slice %arg13[%add3A_154, %dma_wait3A_157] : memref<10240x128xf32, #tpu.memory_space<vmem_shared>> -> memref<128x128xf32, #tpu.memory_space<vmem_shared>>
    tpu.wait_dma2 semaphore(%arg22 : memref<!tpu.dma_semaphore, #tpu.memory_space<semaphore_mem>>) src(%arg12 : memref<128x128xf32, #tpu.memory_space<vmem>>) dst(%dma_wait3A_158 : memref<128x128xf32, #tpu.memory_space<vmem_shared>>)
    %mul3A_159 = arith.constant 640 : i32
    %mul3A_160 = arith.muli %arg1, %mul3A_159 : i32
    %add3A_161 = arith.constant 256 : i32
    %add3A_162 = arith.addi %mul3A_160, %add3A_161 : i32
    %dma_wait3A_163 = arith.constant 0 : i32
    %dma_wait3A_164 = tpu.memref_slice %arg13[%add3A_162, %dma_wait3A_163] : memref<10240x128xf32, #tpu.memory_space<vmem_shared>> -> memref<128x128xf32, #tpu.memory_space<vmem_shared>>
    %dma_wait3A_165 = arith.constant 0 : i32
    %dma_wait3A_166 = tpu.memref_slice %arg13[%add3A_162, %dma_wait3A_165] : memref<10240x128xf32, #tpu.memory_space<vmem_shared>> -> memref<128x128xf32, #tpu.memory_space<vmem_shared>>
    tpu.wait_dma2 semaphore(%arg22 : memref<!tpu.dma_semaphore, #tpu.memory_space<semaphore_mem>>) src(%arg12 : memref<128x128xf32, #tpu.memory_space<vmem>>) dst(%dma_wait3A_166 : memref<128x128xf32, #tpu.memory_space<vmem_shared>>)
    %mul3A_167 = arith.constant 640 : i32
    %mul3A_168 = arith.muli %arg1, %mul3A_167 : i32
    %add3A_169 = arith.constant 384 : i32
    %add3A_170 = arith.addi %mul3A_168, %add3A_169 : i32
    %dma_wait3A_171 = arith.constant 0 : i32
    %dma_wait3A_172 = tpu.memref_slice %arg13[%add3A_170, %dma_wait3A_171] : memref<10240x128xf32, #tpu.memory_space<vmem_shared>> -> memref<128x128xf32, #tpu.memory_space<vmem_shared>>
    %dma_wait3A_173 = arith.constant 0 : i32
    %dma_wait3A_174 = tpu.memref_slice %arg13[%add3A_170, %dma_wait3A_173] : memref<10240x128xf32, #tpu.memory_space<vmem_shared>> -> memref<128x128xf32, #tpu.memory_space<vmem_shared>>
    tpu.wait_dma2 semaphore(%arg22 : memref<!tpu.dma_semaphore, #tpu.memory_space<semaphore_mem>>) src(%arg12 : memref<128x128xf32, #tpu.memory_space<vmem>>) dst(%dma_wait3A_174 : memref<128x128xf32, #tpu.memory_space<vmem_shared>>)
    %mul3A_175 = arith.constant 640 : i32
    %mul3A_176 = arith.muli %arg1, %mul3A_175 : i32
    %add3A_177 = arith.constant 512 : i32
    %add3A_178 = arith.addi %mul3A_176, %add3A_177 : i32
    %dma_wait3A_179 = arith.constant 0 : i32
    %dma_wait3A_180 = tpu.memref_slice %arg13[%add3A_178, %dma_wait3A_179] : memref<10240x128xf32, #tpu.memory_space<vmem_shared>> -> memref<128x128xf32, #tpu.memory_space<vmem_shared>>
    %dma_wait3A_181 = arith.constant 0 : i32
    %dma_wait3A_182 = tpu.memref_slice %arg13[%add3A_178, %dma_wait3A_181] : memref<10240x128xf32, #tpu.memory_space<vmem_shared>> -> memref<128x128xf32, #tpu.memory_space<vmem_shared>>
    tpu.wait_dma2 semaphore(%arg22 : memref<!tpu.dma_semaphore, #tpu.memory_space<semaphore_mem>>) src(%arg12 : memref<128x128xf32, #tpu.memory_space<vmem>>) dst(%dma_wait3A_182 : memref<128x128xf32, #tpu.memory_space<vmem_shared>>)
    %barrier3A = arith.constant 0 : index
    tpu.barrier barrier_id(%barrier3A)
    %while3A = arith.constant 0 : i32
    %while3A_183 = arith.constant 0 : i32
    %while3A_184 = arith.subi %sub3A_54, %while3A_183 : i32
    %while3A_185 = arith.addi %while3A_183, %while3A_184 : i32
    %while3A_186 = arith.constant 1 : i32
    %while3A_187 = arith.divsi %while3A_184, %while3A_186 : i32
    %while3A_188 = arith.muli %while3A_187, %while3A_186 : i32
    %while3A_189 = arith.addi %while3A_183, %while3A_188 : i32
    %while3A_190 = arith.constant 1 : i32
    scf.for %while3A_219 = %while3A_183 to %while3A_189 step %while3A_190  : i32 {
      %mul3A_220 = arith.constant 4 : i32
      %mul3A_221 = arith.muli %mul3A_220, %while3A_219 : i32
      %add3A_222 = arith.addi %mul3A_56, %mul3A_221 : i32
      %gt3A = arith.constant 0 : i32
      %gt3A_223 = arith.cmpi sgt, %while3A_219, %gt3A : i32
      %add3A_224 = arith.constant 1 : i32
      %add3A_225 = arith.addi %add3A_222, %add3A_224 : i32
      %min3A = arith.minsi %add3A_225, %sub3A_60 : i32
      %mul3A_226 = arith.constant 128 : i32
      %mul3A_227 = arith.muli %min3A, %mul3A_226 : i32
      %dma_wait3A_228 = tpu.memref_slice %arg3[%mul3A_227] : memref<640000xi32, #tpu.memory_space<hbm>> -> memref<128xi32, #tpu.memory_space<hbm>>
      %dma_wait3A_229 = tpu.memref_slice %arg3[%mul3A_227] : memref<640000xi32, #tpu.memory_space<hbm>> -> memref<128xi32, #tpu.memory_space<hbm>>
      tpu.wait_dma2 semaphore(%arg15 : memref<!tpu.dma_semaphore, #tpu.memory_space<semaphore_mem>>) src(%dma_wait3A_229 : memref<128xi32, #tpu.memory_space<hbm>>) dst(%arg6 : memref<128xi32, #tpu.memory_space<vmem>>)
      %add3A_230 = arith.constant 1 : i32
      %add3A_231 = arith.addi %add3A_222, %add3A_230 : i32
      %min3A_232 = arith.minsi %add3A_231, %sub3A_60 : i32
      %mul3A_233 = arith.constant 128 : i32
      %mul3A_234 = arith.muli %min3A_232, %mul3A_233 : i32
      %add3A_235 = arith.constant 320000 : i32
      %add3A_236 = arith.addi %add3A_235, %mul3A_234 : i32
      %dma_wait3A_237 = tpu.memref_slice %arg3[%add3A_236] : memref<640000xi32, #tpu.memory_space<hbm>> -> memref<128xi32, #tpu.memory_space<hbm>>
      %dma_wait3A_238 = tpu.memref_slice %arg3[%add3A_236] : memref<640000xi32, #tpu.memory_space<hbm>> -> memref<128xi32, #tpu.memory_space<hbm>>
      tpu.wait_dma2 semaphore(%arg17 : memref<!tpu.dma_semaphore, #tpu.memory_space<semaphore_mem>>) src(%dma_wait3A_238 : memref<128xi32, #tpu.memory_space<hbm>>) dst(%arg8 : memref<128xi32, #tpu.memory_space<vmem>>)
      %convert_element_type3A = arith.extui %gt3A_223 : i1 to i32
      %cond3A = arith.constant 0 : i32
      %cond3A_239 = arith.cmpi ne, %convert_element_type3A, %cond3A : i32
      scf.if %cond3A_239 {
        %dma_wait3A_408 = arith.constant 0 : i32
        %dma_wait3A_409 = arith.constant 0 : i32
        %dma_wait3A_410 = tpu.memref_slice %arg13[%dma_wait3A_408, %dma_wait3A_409] : memref<10240x128xf32, #tpu.memory_space<vmem_shared>> -> memref<10240x128xf32, #tpu.memory_space<vmem_shared>>
        tpu.wait_indirect_dma semaphore(%arg23 : memref<!tpu.dma_semaphore, #tpu.memory_space<semaphore_mem>>) src(%arg12 : memref<128x128xf32, #tpu.memory_space<vmem>>) dst(%dma_wait3A_410 : memref<10240x128xf32, #tpu.memory_space<vmem_shared>>)
      } else {
      }
      %dma_start3A_240 = arith.constant 0 : i32
      %dma_start3A_241 = arith.constant 0 : i32
      %dma_start3A_242 = tpu.memref_slice %arg2[%dma_start3A_240, %dma_start3A_241] : memref<10000x128xf32, #tpu.memory_space<hbm>> -> memref<10000x128xf32, #tpu.memory_space<hbm>>
      tpu.enqueue_indirect_dma source(%dma_start3A_242 : memref<10000x128xf32, #tpu.memory_space<hbm>>) target(%arg12 : memref<128x128xf32, #tpu.memory_space<vmem>>) offsets(%arg6 : memref<128xi32, #tpu.memory_space<vmem>>) semaphore(%arg21 : memref<!tpu.dma_semaphore, #tpu.memory_space<semaphore_mem>>)
      %dma_wait3A_243 = arith.constant 0 : i32
      %dma_wait3A_244 = arith.constant 0 : i32
      %dma_wait3A_245 = tpu.memref_slice %arg2[%dma_wait3A_243, %dma_wait3A_244] : memref<10000x128xf32, #tpu.memory_space<hbm>> -> memref<10000x128xf32, #tpu.memory_space<hbm>>
      tpu.wait_indirect_dma semaphore(%arg20 : memref<!tpu.dma_semaphore, #tpu.memory_space<semaphore_mem>>) src(%dma_wait3A_245 : memref<10000x128xf32, #tpu.memory_space<hbm>>) dst(%arg11 : memref<128x128xf32, #tpu.memory_space<vmem>>)
      %dma_start3A_246 = arith.constant 0 : i32
      %dma_start3A_247 = arith.constant 0 : i32
      %dma_start3A_248 = tpu.memref_slice %arg13[%dma_start3A_246, %dma_start3A_247] : memref<10240x128xf32, #tpu.memory_space<vmem_shared>> -> memref<10240x128xf32, #tpu.memory_space<vmem_shared>>
      tpu.enqueue_indirect_dma source(%arg11 : memref<128x128xf32, #tpu.memory_space<vmem>>) target(%dma_start3A_248 : memref<10240x128xf32, #tpu.memory_space<vmem_shared>>) offsets(%arg7 : memref<128xi32, #tpu.memory_space<vmem>>) semaphore(%arg22 : memref<!tpu.dma_semaphore, #tpu.memory_space<semaphore_mem>>) {add = true}
      %add3A_249 = arith.constant 2 : i32
      %add3A_250 = arith.addi %add3A_222, %add3A_249 : i32
      %min3A_251 = arith.minsi %add3A_250, %sub3A_60 : i32
      %mul3A_252 = arith.constant 128 : i32
      %mul3A_253 = arith.muli %min3A_251, %mul3A_252 : i32
      %dma_start3A_254 = tpu.memref_slice %arg3[%mul3A_253] : memref<640000xi32, #tpu.memory_space<hbm>> -> memref<128xi32, #tpu.memory_space<hbm>>
      %dma_start3A_255 = tpu.memref_slice %arg3[%mul3A_253] : memref<640000xi32, #tpu.memory_space<hbm>> -> memref<128xi32, #tpu.memory_space<hbm>>
      tpu.enqueue_dma source(%dma_start3A_255 : memref<128xi32, #tpu.memory_space<hbm>>) target(%arg5 : memref<128xi32, #tpu.memory_space<vmem>>) target_semaphore(%arg14 : memref<!tpu.dma_semaphore, #tpu.memory_space<semaphore_mem>>)
      %add3A_256 = arith.constant 3 : i32
      %add3A_257 = arith.addi %add3A_222, %add3A_256 : i32
      %min3A_258 = arith.minsi %add3A_257, %sub3A_60 : i32
      %mul3A_259 = arith.constant 128 : i32
      %mul3A_260 = arith.muli %min3A_258, %mul3A_259 : i32
      %add3A_261 = arith.constant 320000 : i32
      %add3A_262 = arith.addi %add3A_261, %mul3A_260 : i32
      %dma_start3A_263 = tpu.memref_slice %arg3[%add3A_262] : memref<640000xi32, #tpu.memory_space<hbm>> -> memref<128xi32, #tpu.memory_space<hbm>>
      %dma_start3A_264 = tpu.memref_slice %arg3[%add3A_262] : memref<640000xi32, #tpu.memory_space<hbm>> -> memref<128xi32, #tpu.memory_space<hbm>>
      tpu.enqueue_dma source(%dma_start3A_264 : memref<128xi32, #tpu.memory_space<hbm>>) target(%arg10 : memref<128xi32, #tpu.memory_space<vmem>>) target_semaphore(%arg19 : memref<!tpu.dma_semaphore, #tpu.memory_space<semaphore_mem>>)
      %add3A_265 = arith.constant 1 : i32
      %add3A_266 = arith.addi %add3A_222, %add3A_265 : i32
      %ge3A = arith.constant 0 : i32
      %ge3A_267 = arith.cmpi sge, %while3A_219, %ge3A : i32
      %add3A_268 = arith.constant 1 : i32
      %add3A_269 = arith.addi %add3A_266, %add3A_268 : i32
      %min3A_270 = arith.minsi %add3A_269, %sub3A_60 : i32
      %mul3A_271 = arith.constant 128 : i32
      %mul3A_272 = arith.muli %min3A_270, %mul3A_271 : i32
      %dma_wait3A_273 = tpu.memref_slice %arg3[%mul3A_272] : memref<640000xi32, #tpu.memory_space<hbm>> -> memref<128xi32, #tpu.memory_space<hbm>>
      %dma_wait3A_274 = tpu.memref_slice %arg3[%mul3A_272] : memref<640000xi32, #tpu.memory_space<hbm>> -> memref<128xi32, #tpu.memory_space<hbm>>
      tpu.wait_dma2 semaphore(%arg14 : memref<!tpu.dma_semaphore, #tpu.memory_space<semaphore_mem>>) src(%dma_wait3A_274 : memref<128xi32, #tpu.memory_space<hbm>>) dst(%arg5 : memref<128xi32, #tpu.memory_space<vmem>>)
      %add3A_275 = arith.constant 1 : i32
      %add3A_276 = arith.addi %add3A_266, %add3A_275 : i32
      %min3A_277 = arith.minsi %add3A_276, %sub3A_60 : i32
      %mul3A_278 = arith.constant 128 : i32
      %mul3A_279 = arith.muli %min3A_277, %mul3A_278 : i32
      %add3A_280 = arith.constant 320000 : i32
      %add3A_281 = arith.addi %add3A_280, %mul3A_279 : i32
      %dma_wait3A_282 = tpu.memref_slice %arg3[%add3A_281] : memref<640000xi32, #tpu.memory_space<hbm>> -> memref<128xi32, #tpu.memory_space<hbm>>
      %dma_wait3A_283 = tpu.memref_slice %arg3[%add3A_281] : memref<640000xi32, #tpu.memory_space<hbm>> -> memref<128xi32, #tpu.memory_space<hbm>>
      tpu.wait_dma2 semaphore(%arg18 : memref<!tpu.dma_semaphore, #tpu.memory_space<semaphore_mem>>) src(%dma_wait3A_283 : memref<128xi32, #tpu.memory_space<hbm>>) dst(%arg9 : memref<128xi32, #tpu.memory_space<vmem>>)
      %convert_element_type3A_284 = arith.extui %ge3A_267 : i1 to i32
      %cond3A_285 = arith.constant 0 : i32
      %cond3A_286 = arith.cmpi ne, %convert_element_type3A_284, %cond3A_285 : i32
      scf.if %cond3A_286 {
        %dma_wait3A_408 = arith.constant 0 : i32
        %dma_wait3A_409 = arith.constant 0 : i32
        %dma_wait3A_410 = tpu.memref_slice %arg13[%dma_wait3A_408, %dma_wait3A_409] : memref<10240x128xf32, #tpu.memory_space<vmem_shared>> -> memref<10240x128xf32, #tpu.memory_space<vmem_shared>>
        tpu.wait_indirect_dma semaphore(%arg22 : memref<!tpu.dma_semaphore, #tpu.memory_space<semaphore_mem>>) src(%arg11 : memref<128x128xf32, #tpu.memory_space<vmem>>) dst(%dma_wait3A_410 : memref<10240x128xf32, #tpu.memory_space<vmem_shared>>)
      } else {
      }
      %dma_start3A_287 = arith.constant 0 : i32
      %dma_start3A_288 = arith.constant 0 : i32
      %dma_start3A_289 = tpu.memref_slice %arg2[%dma_start3A_287, %dma_start3A_288] : memref<10000x128xf32, #tpu.memory_space<hbm>> -> memref<10000x128xf32, #tpu.memory_space<hbm>>
      tpu.enqueue_indirect_dma source(%dma_start3A_289 : memref<10000x128xf32, #tpu.memory_space<hbm>>) target(%arg11 : memref<128x128xf32, #tpu.memory_space<vmem>>) offsets(%arg5 : memref<128xi32, #tpu.memory_space<vmem>>) semaphore(%arg20 : memref<!tpu.dma_semaphore, #tpu.memory_space<semaphore_mem>>)
      %dma_wait3A_290 = arith.constant 0 : i32
      %dma_wait3A_291 = arith.constant 0 : i32
      %dma_wait3A_292 = tpu.memref_slice %arg2[%dma_wait3A_290, %dma_wait3A_291] : memref<10000x128xf32, #tpu.memory_space<hbm>> -> memref<10000x128xf32, #tpu.memory_space<hbm>>
      tpu.wait_indirect_dma semaphore(%arg21 : memref<!tpu.dma_semaphore, #tpu.memory_space<semaphore_mem>>) src(%dma_wait3A_292 : memref<10000x128xf32, #tpu.memory_space<hbm>>) dst(%arg12 : memref<128x128xf32, #tpu.memory_space<vmem>>)
      %dma_start3A_293 = arith.constant 0 : i32
      %dma_start3A_294 = arith.constant 0 : i32
      %dma_start3A_295 = tpu.memref_slice %arg13[%dma_start3A_293, %dma_start3A_294] : memref<10240x128xf32, #tpu.memory_space<vmem_shared>> -> memref<10240x128xf32, #tpu.memory_space<vmem_shared>>
      tpu.enqueue_indirect_dma source(%arg12 : memref<128x128xf32, #tpu.memory_space<vmem>>) target(%dma_start3A_295 : memref<10240x128xf32, #tpu.memory_space<vmem_shared>>) offsets(%arg8 : memref<128xi32, #tpu.memory_space<vmem>>) semaphore(%arg23 : memref<!tpu.dma_semaphore, #tpu.memory_space<semaphore_mem>>) {add = true}
      %add3A_296 = arith.constant 2 : i32
      %add3A_297 = arith.addi %add3A_266, %add3A_296 : i32
      %min3A_298 = arith.minsi %add3A_297, %sub3A_60 : i32
      %mul3A_299 = arith.constant 128 : i32
      %mul3A_300 = arith.muli %min3A_298, %mul3A_299 : i32
      %dma_start3A_301 = tpu.memref_slice %arg3[%mul3A_300] : memref<640000xi32, #tpu.memory_space<hbm>> -> memref<128xi32, #tpu.memory_space<hbm>>
      %dma_start3A_302 = tpu.memref_slice %arg3[%mul3A_300] : memref<640000xi32, #tpu.memory_space<hbm>> -> memref<128xi32, #tpu.memory_space<hbm>>
      tpu.enqueue_dma source(%dma_start3A_302 : memref<128xi32, #tpu.memory_space<hbm>>) target(%arg6 : memref<128xi32, #tpu.memory_space<vmem>>) target_semaphore(%arg15 : memref<!tpu.dma_semaphore, #tpu.memory_space<semaphore_mem>>)
      %add3A_303 = arith.constant 3 : i32
      %add3A_304 = arith.addi %add3A_266, %add3A_303 : i32
      %min3A_305 = arith.minsi %add3A_304, %sub3A_60 : i32
      %mul3A_306 = arith.constant 128 : i32
      %mul3A_307 = arith.muli %min3A_305, %mul3A_306 : i32
      %add3A_308 = arith.constant 320000 : i32
      %add3A_309 = arith.addi %add3A_308, %mul3A_307 : i32
      %dma_start3A_310 = tpu.memref_slice %arg3[%add3A_309] : memref<640000xi32, #tpu.memory_space<hbm>> -> memref<128xi32, #tpu.memory_space<hbm>>
      %dma_start3A_311 = tpu.memref_slice %arg3[%add3A_309] : memref<640000xi32, #tpu.memory_space<hbm>> -> memref<128xi32, #tpu.memory_space<hbm>>
      tpu.enqueue_dma source(%dma_start3A_311 : memref<128xi32, #tpu.memory_space<hbm>>) target(%arg7 : memref<128xi32, #tpu.memory_space<vmem>>) target_semaphore(%arg16 : memref<!tpu.dma_semaphore, #tpu.memory_space<semaphore_mem>>)
      %add3A_312 = arith.constant 2 : i32
      %add3A_313 = arith.addi %add3A_222, %add3A_312 : i32
      %ge3A_314 = arith.constant 0 : i32
      %ge3A_315 = arith.cmpi sge, %while3A_219, %ge3A_314 : i32
      %add3A_316 = arith.constant 1 : i32
      %add3A_317 = arith.addi %add3A_313, %add3A_316 : i32
      %min3A_318 = arith.minsi %add3A_317, %sub3A_60 : i32
      %mul3A_319 = arith.constant 128 : i32
      %mul3A_320 = arith.muli %min3A_318, %mul3A_319 : i32
      %dma_wait3A_321 = tpu.memref_slice %arg3[%mul3A_320] : memref<640000xi32, #tpu.memory_space<hbm>> -> memref<128xi32, #tpu.memory_space<hbm>>
      %dma_wait3A_322 = tpu.memref_slice %arg3[%mul3A_320] : memref<640000xi32, #tpu.memory_space<hbm>> -> memref<128xi32, #tpu.memory_space<hbm>>
      tpu.wait_dma2 semaphore(%arg15 : memref<!tpu.dma_semaphore, #tpu.memory_space<semaphore_mem>>) src(%dma_wait3A_322 : memref<128xi32, #tpu.memory_space<hbm>>) dst(%arg6 : memref<128xi32, #tpu.memory_space<vmem>>)
      %add3A_323 = arith.constant 1 : i32
      %add3A_324 = arith.addi %add3A_313, %add3A_323 : i32
      %min3A_325 = arith.minsi %add3A_324, %sub3A_60 : i32
      %mul3A_326 = arith.constant 128 : i32
      %mul3A_327 = arith.muli %min3A_325, %mul3A_326 : i32
      %add3A_328 = arith.constant 320000 : i32
      %add3A_329 = arith.addi %add3A_328, %mul3A_327 : i32
      %dma_wait3A_330 = tpu.memref_slice %arg3[%add3A_329] : memref<640000xi32, #tpu.memory_space<hbm>> -> memref<128xi32, #tpu.memory_space<hbm>>
      %dma_wait3A_331 = tpu.memref_slice %arg3[%add3A_329] : memref<640000xi32, #tpu.memory_space<hbm>> -> memref<128xi32, #tpu.memory_space<hbm>>
      tpu.wait_dma2 semaphore(%arg19 : memref<!tpu.dma_semaphore, #tpu.memory_space<semaphore_mem>>) src(%dma_wait3A_331 : memref<128xi32, #tpu.memory_space<hbm>>) dst(%arg10 : memref<128xi32, #tpu.memory_space<vmem>>)
      %convert_element_type3A_332 = arith.extui %ge3A_315 : i1 to i32
      %cond3A_333 = arith.constant 0 : i32
      %cond3A_334 = arith.cmpi ne, %convert_element_type3A_332, %cond3A_333 : i32
      scf.if %cond3A_334 {
        %dma_wait3A_408 = arith.constant 0 : i32
        %dma_wait3A_409 = arith.constant 0 : i32
        %dma_wait3A_410 = tpu.memref_slice %arg13[%dma_wait3A_408, %dma_wait3A_409] : memref<10240x128xf32, #tpu.memory_space<vmem_shared>> -> memref<10240x128xf32, #tpu.memory_space<vmem_shared>>
        tpu.wait_indirect_dma semaphore(%arg23 : memref<!tpu.dma_semaphore, #tpu.memory_space<semaphore_mem>>) src(%arg12 : memref<128x128xf32, #tpu.memory_space<vmem>>) dst(%dma_wait3A_410 : memref<10240x128xf32, #tpu.memory_space<vmem_shared>>)
      } else {
      }
      %dma_start3A_335 = arith.constant 0 : i32
      %dma_start3A_336 = arith.constant 0 : i32
      %dma_start3A_337 = tpu.memref_slice %arg2[%dma_start3A_335, %dma_start3A_336] : memref<10000x128xf32, #tpu.memory_space<hbm>> -> memref<10000x128xf32, #tpu.memory_space<hbm>>
      tpu.enqueue_indirect_dma source(%dma_start3A_337 : memref<10000x128xf32, #tpu.memory_space<hbm>>) target(%arg12 : memref<128x128xf32, #tpu.memory_space<vmem>>) offsets(%arg6 : memref<128xi32, #tpu.memory_space<vmem>>) semaphore(%arg21 : memref<!tpu.dma_semaphore, #tpu.memory_space<semaphore_mem>>)
      %dma_wait3A_338 = arith.constant 0 : i32
      %dma_wait3A_339 = arith.constant 0 : i32
      %dma_wait3A_340 = tpu.memref_slice %arg2[%dma_wait3A_338, %dma_wait3A_339] : memref<10000x128xf32, #tpu.memory_space<hbm>> -> memref<10000x128xf32, #tpu.memory_space<hbm>>
      tpu.wait_indirect_dma semaphore(%arg20 : memref<!tpu.dma_semaphore, #tpu.memory_space<semaphore_mem>>) src(%dma_wait3A_340 : memref<10000x128xf32, #tpu.memory_space<hbm>>) dst(%arg11 : memref<128x128xf32, #tpu.memory_space<vmem>>)
      %dma_start3A_341 = arith.constant 0 : i32
      %dma_start3A_342 = arith.constant 0 : i32
      %dma_start3A_343 = tpu.memref_slice %arg13[%dma_start3A_341, %dma_start3A_342] : memref<10240x128xf32, #tpu.memory_space<vmem_shared>> -> memref<10240x128xf32, #tpu.memory_space<vmem_shared>>
      tpu.enqueue_indirect_dma source(%arg11 : memref<128x128xf32, #tpu.memory_space<vmem>>) target(%dma_start3A_343 : memref<10240x128xf32, #tpu.memory_space<vmem_shared>>) offsets(%arg9 : memref<128xi32, #tpu.memory_space<vmem>>) semaphore(%arg22 : memref<!tpu.dma_semaphore, #tpu.memory_space<semaphore_mem>>) {add = true}
      %add3A_344 = arith.constant 2 : i32
      %add3A_345 = arith.addi %add3A_313, %add3A_344 : i32
      %min3A_346 = arith.minsi %add3A_345, %sub3A_60 : i32
      %mul3A_347 = arith.constant 128 : i32
      %mul3A_348 = arith.muli %min3A_346, %mul3A_347 : i32
      %dma_start3A_349 = tpu.memref_slice %arg3[%mul3A_348] : memref<640000xi32, #tpu.memory_space<hbm>> -> memref<128xi32, #tpu.memory_space<hbm>>
      %dma_start3A_350 = tpu.memref_slice %arg3[%mul3A_348] : memref<640000xi32, #tpu.memory_space<hbm>> -> memref<128xi32, #tpu.memory_space<hbm>>
      tpu.enqueue_dma source(%dma_start3A_350 : memref<128xi32, #tpu.memory_space<hbm>>) target(%arg5 : memref<128xi32, #tpu.memory_space<vmem>>) target_semaphore(%arg14 : memref<!tpu.dma_semaphore, #tpu.memory_space<semaphore_mem>>)
      %add3A_351 = arith.constant 3 : i32
      %add3A_352 = arith.addi %add3A_313, %add3A_351 : i32
      %min3A_353 = arith.minsi %add3A_352, %sub3A_60 : i32
      %mul3A_354 = arith.constant 128 : i32
      %mul3A_355 = arith.muli %min3A_353, %mul3A_354 : i32
      %add3A_356 = arith.constant 320000 : i32
      %add3A_357 = arith.addi %add3A_356, %mul3A_355 : i32
      %dma_start3A_358 = tpu.memref_slice %arg3[%add3A_357] : memref<640000xi32, #tpu.memory_space<hbm>> -> memref<128xi32, #tpu.memory_space<hbm>>
      %dma_start3A_359 = tpu.memref_slice %arg3[%add3A_357] : memref<640000xi32, #tpu.memory_space<hbm>> -> memref<128xi32, #tpu.memory_space<hbm>>
      tpu.enqueue_dma source(%dma_start3A_359 : memref<128xi32, #tpu.memory_space<hbm>>) target(%arg8 : memref<128xi32, #tpu.memory_space<vmem>>) target_semaphore(%arg17 : memref<!tpu.dma_semaphore, #tpu.memory_space<semaphore_mem>>)
      %add3A_360 = arith.constant 3 : i32
      %add3A_361 = arith.addi %add3A_222, %add3A_360 : i32
      %ge3A_362 = arith.constant 0 : i32
      %ge3A_363 = arith.cmpi sge, %while3A_219, %ge3A_362 : i32
      %add3A_364 = arith.constant 1 : i32
      %add3A_365 = arith.addi %add3A_361, %add3A_364 : i32
      %min3A_366 = arith.minsi %add3A_365, %sub3A_60 : i32
      %mul3A_367 = arith.constant 128 : i32
      %mul3A_368 = arith.muli %min3A_366, %mul3A_367 : i32
      %dma_wait3A_369 = tpu.memref_slice %arg3[%mul3A_368] : memref<640000xi32, #tpu.memory_space<hbm>> -> memref<128xi32, #tpu.memory_space<hbm>>
      %dma_wait3A_370 = tpu.memref_slice %arg3[%mul3A_368] : memref<640000xi32, #tpu.memory_space<hbm>> -> memref<128xi32, #tpu.memory_space<hbm>>
      tpu.wait_dma2 semaphore(%arg14 : memref<!tpu.dma_semaphore, #tpu.memory_space<semaphore_mem>>) src(%dma_wait3A_370 : memref<128xi32, #tpu.memory_space<hbm>>) dst(%arg5 : memref<128xi32, #tpu.memory_space<vmem>>)
      %add3A_371 = arith.constant 1 : i32
      %add3A_372 = arith.addi %add3A_361, %add3A_371 : i32
      %min3A_373 = arith.minsi %add3A_372, %sub3A_60 : i32
      %mul3A_374 = arith.constant 128 : i32
      %mul3A_375 = arith.muli %min3A_373, %mul3A_374 : i32
      %add3A_376 = arith.constant 320000 : i32
      %add3A_377 = arith.addi %add3A_376, %mul3A_375 : i32
      %dma_wait3A_378 = tpu.memref_slice %arg3[%add3A_377] : memref<640000xi32, #tpu.memory_space<hbm>> -> memref<128xi32, #tpu.memory_space<hbm>>
      %dma_wait3A_379 = tpu.memref_slice %arg3[%add3A_377] : memref<640000xi32, #tpu.memory_space<hbm>> -> memref<128xi32, #tpu.memory_space<hbm>>
      tpu.wait_dma2 semaphore(%arg16 : memref<!tpu.dma_semaphore, #tpu.memory_space<semaphore_mem>>) src(%dma_wait3A_379 : memref<128xi32, #tpu.memory_space<hbm>>) dst(%arg7 : memref<128xi32, #tpu.memory_space<vmem>>)
      %convert_element_type3A_380 = arith.extui %ge3A_363 : i1 to i32
      %cond3A_381 = arith.constant 0 : i32
      %cond3A_382 = arith.cmpi ne, %convert_element_type3A_380, %cond3A_381 : i32
      scf.if %cond3A_382 {
        %dma_wait3A_408 = arith.constant 0 : i32
        %dma_wait3A_409 = arith.constant 0 : i32
        %dma_wait3A_410 = tpu.memref_slice %arg13[%dma_wait3A_408, %dma_wait3A_409] : memref<10240x128xf32, #tpu.memory_space<vmem_shared>> -> memref<10240x128xf32, #tpu.memory_space<vmem_shared>>
        tpu.wait_indirect_dma semaphore(%arg22 : memref<!tpu.dma_semaphore, #tpu.memory_space<semaphore_mem>>) src(%arg11 : memref<128x128xf32, #tpu.memory_space<vmem>>) dst(%dma_wait3A_410 : memref<10240x128xf32, #tpu.memory_space<vmem_shared>>)
      } else {
      }
      %dma_start3A_383 = arith.constant 0 : i32
      %dma_start3A_384 = arith.constant 0 : i32
      %dma_start3A_385 = tpu.memref_slice %arg2[%dma_start3A_383, %dma_start3A_384] : memref<10000x128xf32, #tpu.memory_space<hbm>> -> memref<10000x128xf32, #tpu.memory_space<hbm>>
      tpu.enqueue_indirect_dma source(%dma_start3A_385 : memref<10000x128xf32, #tpu.memory_space<hbm>>) target(%arg11 : memref<128x128xf32, #tpu.memory_space<vmem>>) offsets(%arg5 : memref<128xi32, #tpu.memory_space<vmem>>) semaphore(%arg20 : memref<!tpu.dma_semaphore, #tpu.memory_space<semaphore_mem>>)
      %dma_wait3A_386 = arith.constant 0 : i32
      %dma_wait3A_387 = arith.constant 0 : i32
      %dma_wait3A_388 = tpu.memref_slice %arg2[%dma_wait3A_386, %dma_wait3A_387] : memref<10000x128xf32, #tpu.memory_space<hbm>> -> memref<10000x128xf32, #tpu.memory_space<hbm>>
      tpu.wait_indirect_dma semaphore(%arg21 : memref<!tpu.dma_semaphore, #tpu.memory_space<semaphore_mem>>) src(%dma_wait3A_388 : memref<10000x128xf32, #tpu.memory_space<hbm>>) dst(%arg12 : memref<128x128xf32, #tpu.memory_space<vmem>>)
      %dma_start3A_389 = arith.constant 0 : i32
      %dma_start3A_390 = arith.constant 0 : i32
      %dma_start3A_391 = tpu.memref_slice %arg13[%dma_start3A_389, %dma_start3A_390] : memref<10240x128xf32, #tpu.memory_space<vmem_shared>> -> memref<10240x128xf32, #tpu.memory_space<vmem_shared>>
      tpu.enqueue_indirect_dma source(%arg12 : memref<128x128xf32, #tpu.memory_space<vmem>>) target(%dma_start3A_391 : memref<10240x128xf32, #tpu.memory_space<vmem_shared>>) offsets(%arg10 : memref<128xi32, #tpu.memory_space<vmem>>) semaphore(%arg23 : memref<!tpu.dma_semaphore, #tpu.memory_space<semaphore_mem>>) {add = true}
      %add3A_392 = arith.constant 2 : i32
      %add3A_393 = arith.addi %add3A_361, %add3A_392 : i32
      %min3A_394 = arith.minsi %add3A_393, %sub3A_60 : i32
      %mul3A_395 = arith.constant 128 : i32
      %mul3A_396 = arith.muli %min3A_394, %mul3A_395 : i32
      %dma_start3A_397 = tpu.memref_slice %arg3[%mul3A_396] : memref<640000xi32, #tpu.memory_space<hbm>> -> memref<128xi32, #tpu.memory_space<hbm>>
      %dma_start3A_398 = tpu.memref_slice %arg3[%mul3A_396] : memref<640000xi32, #tpu.memory_space<hbm>> -> memref<128xi32, #tpu.memory_space<hbm>>
      tpu.enqueue_dma source(%dma_start3A_398 : memref<128xi32, #tpu.memory_space<hbm>>) target(%arg6 : memref<128xi32, #tpu.memory_space<vmem>>) target_semaphore(%arg15 : memref<!tpu.dma_semaphore, #tpu.memory_space<semaphore_mem>>)
      %add3A_399 = arith.constant 3 : i32
      %add3A_400 = arith.addi %add3A_361, %add3A_399 : i32
      %min3A_401 = arith.minsi %add3A_400, %sub3A_60 : i32
      %mul3A_402 = arith.constant 128 : i32
      %mul3A_403 = arith.muli %min3A_401, %mul3A_402 : i32
      %add3A_404 = arith.constant 320000 : i32
      %add3A_405 = arith.addi %add3A_404, %mul3A_403 : i32
      %dma_start3A_406 = tpu.memref_slice %arg3[%add3A_405] : memref<640000xi32, #tpu.memory_space<hbm>> -> memref<128xi32, #tpu.memory_space<hbm>>
      %dma_start3A_407 = tpu.memref_slice %arg3[%add3A_405] : memref<640000xi32, #tpu.memory_space<hbm>> -> memref<128xi32, #tpu.memory_space<hbm>>
      tpu.enqueue_dma source(%dma_start3A_407 : memref<128xi32, #tpu.memory_space<hbm>>) target(%arg9 : memref<128xi32, #tpu.memory_space<vmem>>) target_semaphore(%arg18 : memref<!tpu.dma_semaphore, #tpu.memory_space<semaphore_mem>>)
    }
    %while3A_191 = arith.constant 1 : i32
    scf.for %while3A_219 = %while3A_189 to %while3A_185 step %while3A_191  : i32 {
      %mul3A_220 = arith.constant 4 : i32
      %mul3A_221 = arith.muli %mul3A_220, %while3A_219 : i32
      %add3A_222 = arith.addi %mul3A_56, %mul3A_221 : i32
      %gt3A = arith.constant 0 : i32
      %gt3A_223 = arith.cmpi sgt, %while3A_219, %gt3A : i32
      %add3A_224 = arith.constant 1 : i32
      %add3A_225 = arith.addi %add3A_222, %add3A_224 : i32
      %min3A = arith.minsi %add3A_225, %sub3A_60 : i32
      %mul3A_226 = arith.constant 128 : i32
      %mul3A_227 = arith.muli %min3A, %mul3A_226 : i32
      %dma_wait3A_228 = tpu.memref_slice %arg3[%mul3A_227] : memref<640000xi32, #tpu.memory_space<hbm>> -> memref<128xi32, #tpu.memory_space<hbm>>
      %dma_wait3A_229 = tpu.memref_slice %arg3[%mul3A_227] : memref<640000xi32, #tpu.memory_space<hbm>> -> memref<128xi32, #tpu.memory_space<hbm>>
      tpu.wait_dma2 semaphore(%arg15 : memref<!tpu.dma_semaphore, #tpu.memory_space<semaphore_mem>>) src(%dma_wait3A_229 : memref<128xi32, #tpu.memory_space<hbm>>) dst(%arg6 : memref<128xi32, #tpu.memory_space<vmem>>)
      %add3A_230 = arith.constant 1 : i32
      %add3A_231 = arith.addi %add3A_222, %add3A_230 : i32
      %min3A_232 = arith.minsi %add3A_231, %sub3A_60 : i32
      %mul3A_233 = arith.constant 128 : i32
      %mul3A_234 = arith.muli %min3A_232, %mul3A_233 : i32
      %add3A_235 = arith.constant 320000 : i32
      %add3A_236 = arith.addi %add3A_235, %mul3A_234 : i32
      %dma_wait3A_237 = tpu.memref_slice %arg3[%add3A_236] : memref<640000xi32, #tpu.memory_space<hbm>> -> memref<128xi32, #tpu.memory_space<hbm>>
      %dma_wait3A_238 = tpu.memref_slice %arg3[%add3A_236] : memref<640000xi32, #tpu.memory_space<hbm>> -> memref<128xi32, #tpu.memory_space<hbm>>
      tpu.wait_dma2 semaphore(%arg17 : memref<!tpu.dma_semaphore, #tpu.memory_space<semaphore_mem>>) src(%dma_wait3A_238 : memref<128xi32, #tpu.memory_space<hbm>>) dst(%arg8 : memref<128xi32, #tpu.memory_space<vmem>>)
      %convert_element_type3A = arith.extui %gt3A_223 : i1 to i32
      %cond3A = arith.constant 0 : i32
      %cond3A_239 = arith.cmpi ne, %convert_element_type3A, %cond3A : i32
      scf.if %cond3A_239 {
        %dma_wait3A_408 = arith.constant 0 : i32
        %dma_wait3A_409 = arith.constant 0 : i32
        %dma_wait3A_410 = tpu.memref_slice %arg13[%dma_wait3A_408, %dma_wait3A_409] : memref<10240x128xf32, #tpu.memory_space<vmem_shared>> -> memref<10240x128xf32, #tpu.memory_space<vmem_shared>>
        tpu.wait_indirect_dma semaphore(%arg23 : memref<!tpu.dma_semaphore, #tpu.memory_space<semaphore_mem>>) src(%arg12 : memref<128x128xf32, #tpu.memory_space<vmem>>) dst(%dma_wait3A_410 : memref<10240x128xf32, #tpu.memory_space<vmem_shared>>)
      } else {
      }
      %dma_start3A_240 = arith.constant 0 : i32
      %dma_start3A_241 = arith.constant 0 : i32
      %dma_start3A_242 = tpu.memref_slice %arg2[%dma_start3A_240, %dma_start3A_241] : memref<10000x128xf32, #tpu.memory_space<hbm>> -> memref<10000x128xf32, #tpu.memory_space<hbm>>
      tpu.enqueue_indirect_dma source(%dma_start3A_242 : memref<10000x128xf32, #tpu.memory_space<hbm>>) target(%arg12 : memref<128x128xf32, #tpu.memory_space<vmem>>) offsets(%arg6 : memref<128xi32, #tpu.memory_space<vmem>>) semaphore(%arg21 : memref<!tpu.dma_semaphore, #tpu.memory_space<semaphore_mem>>)
      %dma_wait3A_243 = arith.constant 0 : i32
      %dma_wait3A_244 = arith.constant 0 : i32
      %dma_wait3A_245 = tpu.memref_slice %arg2[%dma_wait3A_243, %dma_wait3A_244] : memref<10000x128xf32, #tpu.memory_space<hbm>> -> memref<10000x128xf32, #tpu.memory_space<hbm>>
      tpu.wait_indirect_dma semaphore(%arg20 : memref<!tpu.dma_semaphore, #tpu.memory_space<semaphore_mem>>) src(%dma_wait3A_245 : memref<10000x128xf32, #tpu.memory_space<hbm>>) dst(%arg11 : memref<128x128xf32, #tpu.memory_space<vmem>>)
      %dma_start3A_246 = arith.constant 0 : i32
      %dma_start3A_247 = arith.constant 0 : i32
      %dma_start3A_248 = tpu.memref_slice %arg13[%dma_start3A_246, %dma_start3A_247] : memref<10240x128xf32, #tpu.memory_space<vmem_shared>> -> memref<10240x128xf32, #tpu.memory_space<vmem_shared>>
      tpu.enqueue_indirect_dma source(%arg11 : memref<128x128xf32, #tpu.memory_space<vmem>>) target(%dma_start3A_248 : memref<10240x128xf32, #tpu.memory_space<vmem_shared>>) offsets(%arg7 : memref<128xi32, #tpu.memory_space<vmem>>) semaphore(%arg22 : memref<!tpu.dma_semaphore, #tpu.memory_space<semaphore_mem>>) {add = true}
      %add3A_249 = arith.constant 2 : i32
      %add3A_250 = arith.addi %add3A_222, %add3A_249 : i32
      %min3A_251 = arith.minsi %add3A_250, %sub3A_60 : i32
      %mul3A_252 = arith.constant 128 : i32
      %mul3A_253 = arith.muli %min3A_251, %mul3A_252 : i32
      %dma_start3A_254 = tpu.memref_slice %arg3[%mul3A_253] : memref<640000xi32, #tpu.memory_space<hbm>> -> memref<128xi32, #tpu.memory_space<hbm>>
      %dma_start3A_255 = tpu.memref_slice %arg3[%mul3A_253] : memref<640000xi32, #tpu.memory_space<hbm>> -> memref<128xi32, #tpu.memory_space<hbm>>
      tpu.enqueue_dma source(%dma_start3A_255 : memref<128xi32, #tpu.memory_space<hbm>>) target(%arg5 : memref<128xi32, #tpu.memory_space<vmem>>) target_semaphore(%arg14 : memref<!tpu.dma_semaphore, #tpu.memory_space<semaphore_mem>>)
      %add3A_256 = arith.constant 3 : i32
      %add3A_257 = arith.addi %add3A_222, %add3A_256 : i32
      %min3A_258 = arith.minsi %add3A_257, %sub3A_60 : i32
      %mul3A_259 = arith.constant 128 : i32
      %mul3A_260 = arith.muli %min3A_258, %mul3A_259 : i32
      %add3A_261 = arith.constant 320000 : i32
      %add3A_262 = arith.addi %add3A_261, %mul3A_260 : i32
      %dma_start3A_263 = tpu.memref_slice %arg3[%add3A_262] : memref<640000xi32, #tpu.memory_space<hbm>> -> memref<128xi32, #tpu.memory_space<hbm>>
      %dma_start3A_264 = tpu.memref_slice %arg3[%add3A_262] : memref<640000xi32, #tpu.memory_space<hbm>> -> memref<128xi32, #tpu.memory_space<hbm>>
      tpu.enqueue_dma source(%dma_start3A_264 : memref<128xi32, #tpu.memory_space<hbm>>) target(%arg10 : memref<128xi32, #tpu.memory_space<vmem>>) target_semaphore(%arg19 : memref<!tpu.dma_semaphore, #tpu.memory_space<semaphore_mem>>)
      %add3A_265 = arith.constant 1 : i32
      %add3A_266 = arith.addi %add3A_222, %add3A_265 : i32
      %ge3A = arith.constant 0 : i32
      %ge3A_267 = arith.cmpi sge, %while3A_219, %ge3A : i32
      %add3A_268 = arith.constant 1 : i32
      %add3A_269 = arith.addi %add3A_266, %add3A_268 : i32
      %min3A_270 = arith.minsi %add3A_269, %sub3A_60 : i32
      %mul3A_271 = arith.constant 128 : i32
      %mul3A_272 = arith.muli %min3A_270, %mul3A_271 : i32
      %dma_wait3A_273 = tpu.memref_slice %arg3[%mul3A_272] : memref<640000xi32, #tpu.memory_space<hbm>> -> memref<128xi32, #tpu.memory_space<hbm>>
      %dma_wait3A_274 = tpu.memref_slice %arg3[%mul3A_272] : memref<640000xi32, #tpu.memory_space<hbm>> -> memref<128xi32, #tpu.memory_space<hbm>>
      tpu.wait_dma2 semaphore(%arg14 : memref<!tpu.dma_semaphore, #tpu.memory_space<semaphore_mem>>) src(%dma_wait3A_274 : memref<128xi32, #tpu.memory_space<hbm>>) dst(%arg5 : memref<128xi32, #tpu.memory_space<vmem>>)
      %add3A_275 = arith.constant 1 : i32
      %add3A_276 = arith.addi %add3A_266, %add3A_275 : i32
      %min3A_277 = arith.minsi %add3A_276, %sub3A_60 : i32
      %mul3A_278 = arith.constant 128 : i32
      %mul3A_279 = arith.muli %min3A_277, %mul3A_278 : i32
      %add3A_280 = arith.constant 320000 : i32
      %add3A_281 = arith.addi %add3A_280, %mul3A_279 : i32
      %dma_wait3A_282 = tpu.memref_slice %arg3[%add3A_281] : memref<640000xi32, #tpu.memory_space<hbm>> -> memref<128xi32, #tpu.memory_space<hbm>>
      %dma_wait3A_283 = tpu.memref_slice %arg3[%add3A_281] : memref<640000xi32, #tpu.memory_space<hbm>> -> memref<128xi32, #tpu.memory_space<hbm>>
      tpu.wait_dma2 semaphore(%arg18 : memref<!tpu.dma_semaphore, #tpu.memory_space<semaphore_mem>>) src(%dma_wait3A_283 : memref<128xi32, #tpu.memory_space<hbm>>) dst(%arg9 : memref<128xi32, #tpu.memory_space<vmem>>)
      %convert_element_type3A_284 = arith.extui %ge3A_267 : i1 to i32
      %cond3A_285 = arith.constant 0 : i32
      %cond3A_286 = arith.cmpi ne, %convert_element_type3A_284, %cond3A_285 : i32
      scf.if %cond3A_286 {
        %dma_wait3A_408 = arith.constant 0 : i32
        %dma_wait3A_409 = arith.constant 0 : i32
        %dma_wait3A_410 = tpu.memref_slice %arg13[%dma_wait3A_408, %dma_wait3A_409] : memref<10240x128xf32, #tpu.memory_space<vmem_shared>> -> memref<10240x128xf32, #tpu.memory_space<vmem_shared>>
        tpu.wait_indirect_dma semaphore(%arg22 : memref<!tpu.dma_semaphore, #tpu.memory_space<semaphore_mem>>) src(%arg11 : memref<128x128xf32, #tpu.memory_space<vmem>>) dst(%dma_wait3A_410 : memref<10240x128xf32, #tpu.memory_space<vmem_shared>>)
      } else {
      }
      %dma_start3A_287 = arith.constant 0 : i32
      %dma_start3A_288 = arith.constant 0 : i32
      %dma_start3A_289 = tpu.memref_slice %arg2[%dma_start3A_287, %dma_start3A_288] : memref<10000x128xf32, #tpu.memory_space<hbm>> -> memref<10000x128xf32, #tpu.memory_space<hbm>>
      tpu.enqueue_indirect_dma source(%dma_start3A_289 : memref<10000x128xf32, #tpu.memory_space<hbm>>) target(%arg11 : memref<128x128xf32, #tpu.memory_space<vmem>>) offsets(%arg5 : memref<128xi32, #tpu.memory_space<vmem>>) semaphore(%arg20 : memref<!tpu.dma_semaphore, #tpu.memory_space<semaphore_mem>>)
      %dma_wait3A_290 = arith.constant 0 : i32
      %dma_wait3A_291 = arith.constant 0 : i32
      %dma_wait3A_292 = tpu.memref_slice %arg2[%dma_wait3A_290, %dma_wait3A_291] : memref<10000x128xf32, #tpu.memory_space<hbm>> -> memref<10000x128xf32, #tpu.memory_space<hbm>>
      tpu.wait_indirect_dma semaphore(%arg21 : memref<!tpu.dma_semaphore, #tpu.memory_space<semaphore_mem>>) src(%dma_wait3A_292 : memref<10000x128xf32, #tpu.memory_space<hbm>>) dst(%arg12 : memref<128x128xf32, #tpu.memory_space<vmem>>)
      %dma_start3A_293 = arith.constant 0 : i32
      %dma_start3A_294 = arith.constant 0 : i32
      %dma_start3A_295 = tpu.memref_slice %arg13[%dma_start3A_293, %dma_start3A_294] : memref<10240x128xf32, #tpu.memory_space<vmem_shared>> -> memref<10240x128xf32, #tpu.memory_space<vmem_shared>>
      tpu.enqueue_indirect_dma source(%arg12 : memref<128x128xf32, #tpu.memory_space<vmem>>) target(%dma_start3A_295 : memref<10240x128xf32, #tpu.memory_space<vmem_shared>>) offsets(%arg8 : memref<128xi32, #tpu.memory_space<vmem>>) semaphore(%arg23 : memref<!tpu.dma_semaphore, #tpu.memory_space<semaphore_mem>>) {add = true}
      %add3A_296 = arith.constant 2 : i32
      %add3A_297 = arith.addi %add3A_266, %add3A_296 : i32
      %min3A_298 = arith.minsi %add3A_297, %sub3A_60 : i32
      %mul3A_299 = arith.constant 128 : i32
      %mul3A_300 = arith.muli %min3A_298, %mul3A_299 : i32
      %dma_start3A_301 = tpu.memref_slice %arg3[%mul3A_300] : memref<640000xi32, #tpu.memory_space<hbm>> -> memref<128xi32, #tpu.memory_space<hbm>>
      %dma_start3A_302 = tpu.memref_slice %arg3[%mul3A_300] : memref<640000xi32, #tpu.memory_space<hbm>> -> memref<128xi32, #tpu.memory_space<hbm>>
      tpu.enqueue_dma source(%dma_start3A_302 : memref<128xi32, #tpu.memory_space<hbm>>) target(%arg6 : memref<128xi32, #tpu.memory_space<vmem>>) target_semaphore(%arg15 : memref<!tpu.dma_semaphore, #tpu.memory_space<semaphore_mem>>)
      %add3A_303 = arith.constant 3 : i32
      %add3A_304 = arith.addi %add3A_266, %add3A_303 : i32
      %min3A_305 = arith.minsi %add3A_304, %sub3A_60 : i32
      %mul3A_306 = arith.constant 128 : i32
      %mul3A_307 = arith.muli %min3A_305, %mul3A_306 : i32
      %add3A_308 = arith.constant 320000 : i32
      %add3A_309 = arith.addi %add3A_308, %mul3A_307 : i32
      %dma_start3A_310 = tpu.memref_slice %arg3[%add3A_309] : memref<640000xi32, #tpu.memory_space<hbm>> -> memref<128xi32, #tpu.memory_space<hbm>>
      %dma_start3A_311 = tpu.memref_slice %arg3[%add3A_309] : memref<640000xi32, #tpu.memory_space<hbm>> -> memref<128xi32, #tpu.memory_space<hbm>>
      tpu.enqueue_dma source(%dma_start3A_311 : memref<128xi32, #tpu.memory_space<hbm>>) target(%arg7 : memref<128xi32, #tpu.memory_space<vmem>>) target_semaphore(%arg16 : memref<!tpu.dma_semaphore, #tpu.memory_space<semaphore_mem>>)
      %add3A_312 = arith.constant 2 : i32
      %add3A_313 = arith.addi %add3A_222, %add3A_312 : i32
      %ge3A_314 = arith.constant 0 : i32
      %ge3A_315 = arith.cmpi sge, %while3A_219, %ge3A_314 : i32
      %add3A_316 = arith.constant 1 : i32
      %add3A_317 = arith.addi %add3A_313, %add3A_316 : i32
      %min3A_318 = arith.minsi %add3A_317, %sub3A_60 : i32
      %mul3A_319 = arith.constant 128 : i32
      %mul3A_320 = arith.muli %min3A_318, %mul3A_319 : i32
      %dma_wait3A_321 = tpu.memref_slice %arg3[%mul3A_320] : memref<640000xi32, #tpu.memory_space<hbm>> -> memref<128xi32, #tpu.memory_space<hbm>>
      %dma_wait3A_322 = tpu.memref_slice %arg3[%mul3A_320] : memref<640000xi32, #tpu.memory_space<hbm>> -> memref<128xi32, #tpu.memory_space<hbm>>
      tpu.wait_dma2 semaphore(%arg15 : memref<!tpu.dma_semaphore, #tpu.memory_space<semaphore_mem>>) src(%dma_wait3A_322 : memref<128xi32, #tpu.memory_space<hbm>>) dst(%arg6 : memref<128xi32, #tpu.memory_space<vmem>>)
      %add3A_323 = arith.constant 1 : i32
      %add3A_324 = arith.addi %add3A_313, %add3A_323 : i32
      %min3A_325 = arith.minsi %add3A_324, %sub3A_60 : i32
      %mul3A_326 = arith.constant 128 : i32
      %mul3A_327 = arith.muli %min3A_325, %mul3A_326 : i32
      %add3A_328 = arith.constant 320000 : i32
      %add3A_329 = arith.addi %add3A_328, %mul3A_327 : i32
      %dma_wait3A_330 = tpu.memref_slice %arg3[%add3A_329] : memref<640000xi32, #tpu.memory_space<hbm>> -> memref<128xi32, #tpu.memory_space<hbm>>
      %dma_wait3A_331 = tpu.memref_slice %arg3[%add3A_329] : memref<640000xi32, #tpu.memory_space<hbm>> -> memref<128xi32, #tpu.memory_space<hbm>>
      tpu.wait_dma2 semaphore(%arg19 : memref<!tpu.dma_semaphore, #tpu.memory_space<semaphore_mem>>) src(%dma_wait3A_331 : memref<128xi32, #tpu.memory_space<hbm>>) dst(%arg10 : memref<128xi32, #tpu.memory_space<vmem>>)
      %convert_element_type3A_332 = arith.extui %ge3A_315 : i1 to i32
      %cond3A_333 = arith.constant 0 : i32
      %cond3A_334 = arith.cmpi ne, %convert_element_type3A_332, %cond3A_333 : i32
      scf.if %cond3A_334 {
        %dma_wait3A_408 = arith.constant 0 : i32
        %dma_wait3A_409 = arith.constant 0 : i32
        %dma_wait3A_410 = tpu.memref_slice %arg13[%dma_wait3A_408, %dma_wait3A_409] : memref<10240x128xf32, #tpu.memory_space<vmem_shared>> -> memref<10240x128xf32, #tpu.memory_space<vmem_shared>>
        tpu.wait_indirect_dma semaphore(%arg23 : memref<!tpu.dma_semaphore, #tpu.memory_space<semaphore_mem>>) src(%arg12 : memref<128x128xf32, #tpu.memory_space<vmem>>) dst(%dma_wait3A_410 : memref<10240x128xf32, #tpu.memory_space<vmem_shared>>)
      } else {
      }
      %dma_start3A_335 = arith.constant 0 : i32
      %dma_start3A_336 = arith.constant 0 : i32
      %dma_start3A_337 = tpu.memref_slice %arg2[%dma_start3A_335, %dma_start3A_336] : memref<10000x128xf32, #tpu.memory_space<hbm>> -> memref<10000x128xf32, #tpu.memory_space<hbm>>
      tpu.enqueue_indirect_dma source(%dma_start3A_337 : memref<10000x128xf32, #tpu.memory_space<hbm>>) target(%arg12 : memref<128x128xf32, #tpu.memory_space<vmem>>) offsets(%arg6 : memref<128xi32, #tpu.memory_space<vmem>>) semaphore(%arg21 : memref<!tpu.dma_semaphore, #tpu.memory_space<semaphore_mem>>)
      %dma_wait3A_338 = arith.constant 0 : i32
      %dma_wait3A_339 = arith.constant 0 : i32
      %dma_wait3A_340 = tpu.memref_slice %arg2[%dma_wait3A_338, %dma_wait3A_339] : memref<10000x128xf32, #tpu.memory_space<hbm>> -> memref<10000x128xf32, #tpu.memory_space<hbm>>
      tpu.wait_indirect_dma semaphore(%arg20 : memref<!tpu.dma_semaphore, #tpu.memory_space<semaphore_mem>>) src(%dma_wait3A_340 : memref<10000x128xf32, #tpu.memory_space<hbm>>) dst(%arg11 : memref<128x128xf32, #tpu.memory_space<vmem>>)
      %dma_start3A_341 = arith.constant 0 : i32
      %dma_start3A_342 = arith.constant 0 : i32
      %dma_start3A_343 = tpu.memref_slice %arg13[%dma_start3A_341, %dma_start3A_342] : memref<10240x128xf32, #tpu.memory_space<vmem_shared>> -> memref<10240x128xf32, #tpu.memory_space<vmem_shared>>
      tpu.enqueue_indirect_dma source(%arg11 : memref<128x128xf32, #tpu.memory_space<vmem>>) target(%dma_start3A_343 : memref<10240x128xf32, #tpu.memory_space<vmem_shared>>) offsets(%arg9 : memref<128xi32, #tpu.memory_space<vmem>>) semaphore(%arg22 : memref<!tpu.dma_semaphore, #tpu.memory_space<semaphore_mem>>) {add = true}
      %add3A_344 = arith.constant 2 : i32
      %add3A_345 = arith.addi %add3A_313, %add3A_344 : i32
      %min3A_346 = arith.minsi %add3A_345, %sub3A_60 : i32
      %mul3A_347 = arith.constant 128 : i32
      %mul3A_348 = arith.muli %min3A_346, %mul3A_347 : i32
      %dma_start3A_349 = tpu.memref_slice %arg3[%mul3A_348] : memref<640000xi32, #tpu.memory_space<hbm>> -> memref<128xi32, #tpu.memory_space<hbm>>
      %dma_start3A_350 = tpu.memref_slice %arg3[%mul3A_348] : memref<640000xi32, #tpu.memory_space<hbm>> -> memref<128xi32, #tpu.memory_space<hbm>>
      tpu.enqueue_dma source(%dma_start3A_350 : memref<128xi32, #tpu.memory_space<hbm>>) target(%arg5 : memref<128xi32, #tpu.memory_space<vmem>>) target_semaphore(%arg14 : memref<!tpu.dma_semaphore, #tpu.memory_space<semaphore_mem>>)
      %add3A_351 = arith.constant 3 : i32
      %add3A_352 = arith.addi %add3A_313, %add3A_351 : i32
      %min3A_353 = arith.minsi %add3A_352, %sub3A_60 : i32
      %mul3A_354 = arith.constant 128 : i32
      %mul3A_355 = arith.muli %min3A_353, %mul3A_354 : i32
      %add3A_356 = arith.constant 320000 : i32
      %add3A_357 = arith.addi %add3A_356, %mul3A_355 : i32
      %dma_start3A_358 = tpu.memref_slice %arg3[%add3A_357] : memref<640000xi32, #tpu.memory_space<hbm>> -> memref<128xi32, #tpu.memory_space<hbm>>
      %dma_start3A_359 = tpu.memref_slice %arg3[%add3A_357] : memref<640000xi32, #tpu.memory_space<hbm>> -> memref<128xi32, #tpu.memory_space<hbm>>
      tpu.enqueue_dma source(%dma_start3A_359 : memref<128xi32, #tpu.memory_space<hbm>>) target(%arg8 : memref<128xi32, #tpu.memory_space<vmem>>) target_semaphore(%arg17 : memref<!tpu.dma_semaphore, #tpu.memory_space<semaphore_mem>>)
      %add3A_360 = arith.constant 3 : i32
      %add3A_361 = arith.addi %add3A_222, %add3A_360 : i32
      %ge3A_362 = arith.constant 0 : i32
      %ge3A_363 = arith.cmpi sge, %while3A_219, %ge3A_362 : i32
      %add3A_364 = arith.constant 1 : i32
      %add3A_365 = arith.addi %add3A_361, %add3A_364 : i32
      %min3A_366 = arith.minsi %add3A_365, %sub3A_60 : i32
      %mul3A_367 = arith.constant 128 : i32
      %mul3A_368 = arith.muli %min3A_366, %mul3A_367 : i32
      %dma_wait3A_369 = tpu.memref_slice %arg3[%mul3A_368] : memref<640000xi32, #tpu.memory_space<hbm>> -> memref<128xi32, #tpu.memory_space<hbm>>
      %dma_wait3A_370 = tpu.memref_slice %arg3[%mul3A_368] : memref<640000xi32, #tpu.memory_space<hbm>> -> memref<128xi32, #tpu.memory_space<hbm>>
      tpu.wait_dma2 semaphore(%arg14 : memref<!tpu.dma_semaphore, #tpu.memory_space<semaphore_mem>>) src(%dma_wait3A_370 : memref<128xi32, #tpu.memory_space<hbm>>) dst(%arg5 : memref<128xi32, #tpu.memory_space<vmem>>)
      %add3A_371 = arith.constant 1 : i32
      %add3A_372 = arith.addi %add3A_361, %add3A_371 : i32
      %min3A_373 = arith.minsi %add3A_372, %sub3A_60 : i32
      %mul3A_374 = arith.constant 128 : i32
      %mul3A_375 = arith.muli %min3A_373, %mul3A_374 : i32
      %add3A_376 = arith.constant 320000 : i32
      %add3A_377 = arith.addi %add3A_376, %mul3A_375 : i32
      %dma_wait3A_378 = tpu.memref_slice %arg3[%add3A_377] : memref<640000xi32, #tpu.memory_space<hbm>> -> memref<128xi32, #tpu.memory_space<hbm>>
      %dma_wait3A_379 = tpu.memref_slice %arg3[%add3A_377] : memref<640000xi32, #tpu.memory_space<hbm>> -> memref<128xi32, #tpu.memory_space<hbm>>
      tpu.wait_dma2 semaphore(%arg16 : memref<!tpu.dma_semaphore, #tpu.memory_space<semaphore_mem>>) src(%dma_wait3A_379 : memref<128xi32, #tpu.memory_space<hbm>>) dst(%arg7 : memref<128xi32, #tpu.memory_space<vmem>>)
      %convert_element_type3A_380 = arith.extui %ge3A_363 : i1 to i32
      %cond3A_381 = arith.constant 0 : i32
      %cond3A_382 = arith.cmpi ne, %convert_element_type3A_380, %cond3A_381 : i32
      scf.if %cond3A_382 {
        %dma_wait3A_408 = arith.constant 0 : i32
        %dma_wait3A_409 = arith.constant 0 : i32
        %dma_wait3A_410 = tpu.memref_slice %arg13[%dma_wait3A_408, %dma_wait3A_409] : memref<10240x128xf32, #tpu.memory_space<vmem_shared>> -> memref<10240x128xf32, #tpu.memory_space<vmem_shared>>
        tpu.wait_indirect_dma semaphore(%arg22 : memref<!tpu.dma_semaphore, #tpu.memory_space<semaphore_mem>>) src(%arg11 : memref<128x128xf32, #tpu.memory_space<vmem>>) dst(%dma_wait3A_410 : memref<10240x128xf32, #tpu.memory_space<vmem_shared>>)
      } else {
      }
      %dma_start3A_383 = arith.constant 0 : i32
      %dma_start3A_384 = arith.constant 0 : i32
      %dma_start3A_385 = tpu.memref_slice %arg2[%dma_start3A_383, %dma_start3A_384] : memref<10000x128xf32, #tpu.memory_space<hbm>> -> memref<10000x128xf32, #tpu.memory_space<hbm>>
      tpu.enqueue_indirect_dma source(%dma_start3A_385 : memref<10000x128xf32, #tpu.memory_space<hbm>>) target(%arg11 : memref<128x128xf32, #tpu.memory_space<vmem>>) offsets(%arg5 : memref<128xi32, #tpu.memory_space<vmem>>) semaphore(%arg20 : memref<!tpu.dma_semaphore, #tpu.memory_space<semaphore_mem>>)
      %dma_wait3A_386 = arith.constant 0 : i32
      %dma_wait3A_387 = arith.constant 0 : i32
      %dma_wait3A_388 = tpu.memref_slice %arg2[%dma_wait3A_386, %dma_wait3A_387] : memref<10000x128xf32, #tpu.memory_space<hbm>> -> memref<10000x128xf32, #tpu.memory_space<hbm>>
      tpu.wait_indirect_dma semaphore(%arg21 : memref<!tpu.dma_semaphore, #tpu.memory_space<semaphore_mem>>) src(%dma_wait3A_388 : memref<10000x128xf32, #tpu.memory_space<hbm>>) dst(%arg12 : memref<128x128xf32, #tpu.memory_space<vmem>>)
      %dma_start3A_389 = arith.constant 0 : i32
      %dma_start3A_390 = arith.constant 0 : i32
      %dma_start3A_391 = tpu.memref_slice %arg13[%dma_start3A_389, %dma_start3A_390] : memref<10240x128xf32, #tpu.memory_space<vmem_shared>> -> memref<10240x128xf32, #tpu.memory_space<vmem_shared>>
      tpu.enqueue_indirect_dma source(%arg12 : memref<128x128xf32, #tpu.memory_space<vmem>>) target(%dma_start3A_391 : memref<10240x128xf32, #tpu.memory_space<vmem_shared>>) offsets(%arg10 : memref<128xi32, #tpu.memory_space<vmem>>) semaphore(%arg23 : memref<!tpu.dma_semaphore, #tpu.memory_space<semaphore_mem>>) {add = true}
      %add3A_392 = arith.constant 2 : i32
      %add3A_393 = arith.addi %add3A_361, %add3A_392 : i32
      %min3A_394 = arith.minsi %add3A_393, %sub3A_60 : i32
      %mul3A_395 = arith.constant 128 : i32
      %mul3A_396 = arith.muli %min3A_394, %mul3A_395 : i32
      %dma_start3A_397 = tpu.memref_slice %arg3[%mul3A_396] : memref<640000xi32, #tpu.memory_space<hbm>> -> memref<128xi32, #tpu.memory_space<hbm>>
      %dma_start3A_398 = tpu.memref_slice %arg3[%mul3A_396] : memref<640000xi32, #tpu.memory_space<hbm>> -> memref<128xi32, #tpu.memory_space<hbm>>
      tpu.enqueue_dma source(%dma_start3A_398 : memref<128xi32, #tpu.memory_space<hbm>>) target(%arg6 : memref<128xi32, #tpu.memory_space<vmem>>) target_semaphore(%arg15 : memref<!tpu.dma_semaphore, #tpu.memory_space<semaphore_mem>>)
      %add3A_399 = arith.constant 3 : i32
      %add3A_400 = arith.addi %add3A_361, %add3A_399 : i32
      %min3A_401 = arith.minsi %add3A_400, %sub3A_60 : i32
      %mul3A_402 = arith.constant 128 : i32
      %mul3A_403 = arith.muli %min3A_401, %mul3A_402 : i32
      %add3A_404 = arith.constant 320000 : i32
      %add3A_405 = arith.addi %add3A_404, %mul3A_403 : i32
      %dma_start3A_406 = tpu.memref_slice %arg3[%add3A_405] : memref<640000xi32, #tpu.memory_space<hbm>> -> memref<128xi32, #tpu.memory_space<hbm>>
      %dma_start3A_407 = tpu.memref_slice %arg3[%add3A_405] : memref<640000xi32, #tpu.memory_space<hbm>> -> memref<128xi32, #tpu.memory_space<hbm>>
      tpu.enqueue_dma source(%dma_start3A_407 : memref<128xi32, #tpu.memory_space<hbm>>) target(%arg9 : memref<128xi32, #tpu.memory_space<vmem>>) target_semaphore(%arg18 : memref<!tpu.dma_semaphore, #tpu.memory_space<semaphore_mem>>)
    }
    %dma_wait3A_192 = arith.constant 0 : i32
    %dma_wait3A_193 = arith.constant 0 : i32
    %dma_wait3A_194 = tpu.memref_slice %arg13[%dma_wait3A_192, %dma_wait3A_193] : memref<10240x128xf32, #tpu.memory_space<vmem_shared>> -> memref<10240x128xf32, #tpu.memory_space<vmem_shared>>
    tpu.wait_indirect_dma semaphore(%arg23 : memref<!tpu.dma_semaphore, #tpu.memory_space<semaphore_mem>>) src(%arg12 : memref<128x128xf32, #tpu.memory_space<vmem>>) dst(%dma_wait3A_194 : memref<10240x128xf32, #tpu.memory_space<vmem_shared>>)
    %dma_wait3A_195 = arith.constant 0 : i32
    %dma_wait3A_196 = arith.constant 0 : i32
    %dma_wait3A_197 = tpu.memref_slice %arg2[%dma_wait3A_195, %dma_wait3A_196] : memref<10000x128xf32, #tpu.memory_space<hbm>> -> memref<10000x128xf32, #tpu.memory_space<hbm>>
    tpu.wait_indirect_dma semaphore(%arg20 : memref<!tpu.dma_semaphore, #tpu.memory_space<semaphore_mem>>) src(%dma_wait3A_197 : memref<10000x128xf32, #tpu.memory_space<hbm>>) dst(%arg11 : memref<128x128xf32, #tpu.memory_space<vmem>>)
    %mul3A_198 = arith.constant 128 : i32
    %mul3A_199 = arith.muli %sub3A_60, %mul3A_198 : i32
    %dma_wait3A_200 = tpu.memref_slice %arg3[%mul3A_199] : memref<640000xi32, #tpu.memory_space<hbm>> -> memref<128xi32, #tpu.memory_space<hbm>>
    %dma_wait3A_201 = tpu.memref_slice %arg3[%mul3A_199] : memref<640000xi32, #tpu.memory_space<hbm>> -> memref<128xi32, #tpu.memory_space<hbm>>
    tpu.wait_dma2 semaphore(%arg15 : memref<!tpu.dma_semaphore, #tpu.memory_space<semaphore_mem>>) src(%dma_wait3A_201 : memref<128xi32, #tpu.memory_space<hbm>>) dst(%arg6 : memref<128xi32, #tpu.memory_space<vmem>>)
    %mul3A_202 = arith.constant 128 : i32
    %mul3A_203 = arith.muli %sub3A_60, %mul3A_202 : i32
    %add3A_204 = arith.constant 320000 : i32
    %add3A_205 = arith.addi %add3A_204, %mul3A_203 : i32
    %dma_wait3A_206 = tpu.memref_slice %arg3[%add3A_205] : memref<640000xi32, #tpu.memory_space<hbm>> -> memref<128xi32, #tpu.memory_space<hbm>>
    %dma_wait3A_207 = tpu.memref_slice %arg3[%add3A_205] : memref<640000xi32, #tpu.memory_space<hbm>> -> memref<128xi32, #tpu.memory_space<hbm>>
    tpu.wait_dma2 semaphore(%arg17 : memref<!tpu.dma_semaphore, #tpu.memory_space<semaphore_mem>>) src(%dma_wait3A_207 : memref<128xi32, #tpu.memory_space<hbm>>) dst(%arg8 : memref<128xi32, #tpu.memory_space<vmem>>)
    %mul3A_208 = arith.constant 128 : i32
    %mul3A_209 = arith.muli %sub3A_60, %mul3A_208 : i32
    %add3A_210 = arith.constant 320000 : i32
    %add3A_211 = arith.addi %add3A_210, %mul3A_209 : i32
    %dma_wait3A_212 = tpu.memref_slice %arg3[%add3A_211] : memref<640000xi32, #tpu.memory_space<hbm>> -> memref<128xi32, #tpu.memory_space<hbm>>
    %dma_wait3A_213 = tpu.memref_slice %arg3[%add3A_211] : memref<640000xi32, #tpu.memory_space<hbm>> -> memref<128xi32, #tpu.memory_space<hbm>>
    tpu.wait_dma2 semaphore(%arg18 : memref<!tpu.dma_semaphore, #tpu.memory_space<semaphore_mem>>) src(%dma_wait3A_213 : memref<128xi32, #tpu.memory_space<hbm>>) dst(%arg9 : memref<128xi32, #tpu.memory_space<vmem>>)
    %barrier3A_214 = arith.constant 0 : index
    tpu.barrier barrier_id(%barrier3A_214)
    %mul3A_215 = arith.constant 640 : i32
    %mul3A_216 = arith.muli %arg1, %mul3A_215 : i32
    %mul3A_217 = arith.constant 640 : i32
    %mul3A_218 = arith.muli %arg1, %mul3A_217 : i32
    "tpu.region"() ({
      %run_scoped3A = tpu.sem_alloc : memref<!tpu.dma_semaphore, #tpu.memory_space<semaphore_mem>>
      %dma_start3A_219 = arith.constant 0 : i32
      %dma_start3A_220 = tpu.memref_slice %arg4[%arg0, %mul3A_218, %dma_start3A_219] : memref<2x10240x128xf32, #tpu.memory_space<hbm>> -> memref<1x640x128xf32, #tpu.memory_space<hbm>>
      %dma_start3A_221 = tpu.memref_squeeze %dma_start3A_220 : memref<1x640x128xf32, #tpu.memory_space<hbm>> -> memref<640x128xf32, #tpu.memory_space<hbm>>
      %dma_start3A_222 = arith.constant 0 : i32
      %dma_start3A_223 = tpu.memref_slice %arg13[%mul3A_216, %dma_start3A_222] : memref<10240x128xf32, #tpu.memory_space<vmem_shared>> -> memref<640x128xf32, #tpu.memory_space<vmem_shared>>
      tpu.enqueue_dma source(%dma_start3A_223 : memref<640x128xf32, #tpu.memory_space<vmem_shared>>) target(%dma_start3A_221 : memref<640x128xf32, #tpu.memory_space<hbm>>) target_semaphore(%run_scoped3A : memref<!tpu.dma_semaphore, #tpu.memory_space<semaphore_mem>>)
      %dma_wait3A_224 = arith.constant 0 : i32
      %dma_wait3A_225 = tpu.memref_slice %arg4[%arg0, %mul3A_218, %dma_wait3A_224] : memref<2x10240x128xf32, #tpu.memory_space<hbm>> -> memref<1x640x128xf32, #tpu.memory_space<hbm>>
      %dma_wait3A_226 = tpu.memref_squeeze %dma_wait3A_225 : memref<1x640x128xf32, #tpu.memory_space<hbm>> -> memref<640x128xf32, #tpu.memory_space<hbm>>
      %dma_wait3A_227 = arith.constant 0 : i32
      %dma_wait3A_228 = tpu.memref_slice %arg13[%mul3A_216, %dma_wait3A_227] : memref<10240x128xf32, #tpu.memory_space<vmem_shared>> -> memref<640x128xf32, #tpu.memory_space<vmem_shared>>
      tpu.wait_dma2 semaphore(%run_scoped3A : memref<!tpu.dma_semaphore, #tpu.memory_space<semaphore_mem>>) src(%dma_wait3A_228 : memref<640x128xf32, #tpu.memory_space<vmem_shared>>) dst(%dma_wait3A_226 : memref<640x128xf32, #tpu.memory_space<hbm>>)
      tpu.yield
    }) : () -> ()
    return
  }
}

#map = affine_map<(d0, d1) -> (0)>
#map1 = affine_map<(d0, d1) -> (0, 0)>
module attributes {stable_mosaic.version = 14 : i64} {
  func.func @_deg_call(%arg0: i32, %arg1: i32, %arg2: memref<640000xi32, #tpu.memory_space<hbm>>, %arg3: memref<32x10240xf32, #tpu.memory_space<hbm>>, %arg4: memref<10000xi32, #tpu.memory_space<vmem>>, %arg5: memref<10240xf32, #tpu.memory_space<vmem>>) attributes {dimension_semantics = [#tpu.dimension_semantics<core_parallel>, #tpu.dimension_semantics<subcore_parallel>], iteration_bounds = array<i64: 2, 16>, scalar_prefetch = 0 : i64, scratch_operands = 2 : i64, tpu.core_type = #tpu.core_type<sc_vector_subcore>, window_params = [{transform_indices = #map}, {transform_indices = #map1}]} {
    %mul3A = arith.constant 16 : i32
    %mul3A_0 = arith.muli %arg0, %mul3A : i32
    %add3A = arith.addi %mul3A_0, %arg1 : i32
    %broadcast_in_dim3A = arith.constant 0.000000e+00 : f32
    %broadcast_in_dim3A_1 = vector.broadcast %broadcast_in_dim3A : f32 to vector<16xf32>
    %scan3A = arith.constant 0 : i32
    %scan3A_2 = arith.constant 0 : i32
    %scan3A_3 = arith.constant 640 : i32
    %scan3A_4 = arith.addi %scan3A_2, %scan3A_3 : i32
    %scan3A_5 = arith.constant 1 : i32
    scf.for %scan3A_19 = %scan3A_2 to %scan3A_4 step %scan3A_5  : i32 {
      %mul3A_20 = arith.constant 16 : i32
      %mul3A_21 = arith.muli %scan3A_19, %mul3A_20 : i32
      %swap3A = arith.index_cast %mul3A_21 : i32 to index
      %swap3A_22 = tpu.vector_load %arg5[%swap3A] {strides = array<i32>} : memref<10240xf32, #tpu.memory_space<vmem>>, vector<16xf32>,
      tpu.vector_store %arg5[%swap3A], %broadcast_in_dim3A_1 {strides = array<i32>} : memref<10240xf32, #tpu.memory_space<vmem>>, vector<16xf32>,
    }
    %scan3A_6 = arith.constant 640 : i32
    %mul3A_7 = arith.constant 10000 : i32
    %mul3A_8 = arith.muli %add3A, %mul3A_7 : i32
    %add3A_9 = arith.constant 320000 : i32
    %add3A_10 = arith.addi %add3A_9, %mul3A_8 : i32
    "tpu.region"() ({
      %run_scoped3A = tpu.sem_alloc : memref<!tpu.dma_semaphore, #tpu.memory_space<semaphore_mem>>
      %dma_start3A = tpu.memref_slice %arg2[%add3A_10] : memref<640000xi32, #tpu.memory_space<hbm>> -> memref<10000xi32, #tpu.memory_space<hbm>>
      %dma_start3A_19 = tpu.memref_slice %arg2[%add3A_10] : memref<640000xi32, #tpu.memory_space<hbm>> -> memref<10000xi32, #tpu.memory_space<hbm>>
      tpu.enqueue_dma source(%dma_start3A_19 : memref<10000xi32, #tpu.memory_space<hbm>>) target(%arg4 : memref<10000xi32, #tpu.memory_space<vmem>>) target_semaphore(%run_scoped3A : memref<!tpu.dma_semaphore, #tpu.memory_space<semaphore_mem>>)
      %dma_wait3A = tpu.memref_slice %arg2[%add3A_10] : memref<640000xi32, #tpu.memory_space<hbm>> -> memref<10000xi32, #tpu.memory_space<hbm>>
      %dma_wait3A_20 = tpu.memref_slice %arg2[%add3A_10] : memref<640000xi32, #tpu.memory_space<hbm>> -> memref<10000xi32, #tpu.memory_space<hbm>>
      tpu.wait_dma2 semaphore(%run_scoped3A : memref<!tpu.dma_semaphore, #tpu.memory_space<semaphore_mem>>) src(%dma_wait3A_20 : memref<10000xi32, #tpu.memory_space<hbm>>) dst(%arg4 : memref<10000xi32, #tpu.memory_space<vmem>>)
      tpu.yield
    }) : () -> ()
    %broadcast_in_dim3A_11 = arith.constant 1.000000e+00 : f32
    %broadcast_in_dim3A_12 = vector.broadcast %broadcast_in_dim3A_11 : f32 to vector<16xf32>
    %scan3A_13 = arith.constant 0 : i32
    %scan3A_14 = arith.constant 0 : i32
    %scan3A_15 = arith.constant 625 : i32
    %scan3A_16 = arith.addi %scan3A_14, %scan3A_15 : i32
    %scan3A_17 = arith.constant 1 : i32
    scf.for %scan3A_19 = %scan3A_14 to %scan3A_16 step %scan3A_17  : i32 {
      %mul3A_20 = arith.constant 16 : i32
      %mul3A_21 = arith.muli %scan3A_19, %mul3A_20 : i32
      %get3A = arith.index_cast %mul3A_21 : i32 to index
      %get3A_22 = tpu.vector_load %arg4[%get3A] {strides = array<i32>} : memref<10000xi32, #tpu.memory_space<vmem>>, vector<16xi32>,
      tpu.vector_store_idx %arg5[%get3A_22], %broadcast_in_dim3A_12 {add = true} : memref<10240xf32, #tpu.memory_space<vmem>>[vector<16xi32>], vector<16xf32>,
    }
    %scan3A_18 = arith.constant 625 : i32
    "tpu.region"() ({
      %run_scoped3A = tpu.sem_alloc : memref<!tpu.dma_semaphore, #tpu.memory_space<semaphore_mem>>
      %dma_start3A = arith.constant 0 : i32
      %dma_start3A_19 = tpu.memref_slice %arg3[%add3A, %dma_start3A] : memref<32x10240xf32, #tpu.memory_space<hbm>> -> memref<1x10240xf32, #tpu.memory_space<hbm>>
      %dma_start3A_20 = tpu.memref_squeeze %dma_start3A_19 : memref<1x10240xf32, #tpu.memory_space<hbm>> -> memref<10240xf32, #tpu.memory_space<hbm>>
      %dma_start3A_21 = arith.constant 0 : i32
      %dma_start3A_22 = tpu.memref_slice %arg3[%add3A, %dma_start3A_21] : memref<32x10240xf32, #tpu.memory_space<hbm>> -> memref<1x10240xf32, #tpu.memory_space<hbm>>
      %dma_start3A_23 = tpu.memref_squeeze %dma_start3A_22 : memref<1x10240xf32, #tpu.memory_space<hbm>> -> memref<10240xf32, #tpu.memory_space<hbm>>
      tpu.enqueue_dma source(%arg5 : memref<10240xf32, #tpu.memory_space<vmem>>) target(%dma_start3A_23 : memref<10240xf32, #tpu.memory_space<hbm>>) target_semaphore(%run_scoped3A : memref<!tpu.dma_semaphore, #tpu.memory_space<semaphore_mem>>)
      %dma_wait3A = arith.constant 0 : i32
      %dma_wait3A_24 = tpu.memref_slice %arg3[%add3A, %dma_wait3A] : memref<32x10240xf32, #tpu.memory_space<hbm>> -> memref<1x10240xf32, #tpu.memory_space<hbm>>
      %dma_wait3A_25 = tpu.memref_squeeze %dma_wait3A_24 : memref<1x10240xf32, #tpu.memory_space<hbm>> -> memref<10240xf32, #tpu.memory_space<hbm>>
      %dma_wait3A_26 = arith.constant 0 : i32
      %dma_wait3A_27 = tpu.memref_slice %arg3[%add3A, %dma_wait3A_26] : memref<32x10240xf32, #tpu.memory_space<hbm>> -> memref<1x10240xf32, #tpu.memory_space<hbm>>
      %dma_wait3A_28 = tpu.memref_squeeze %dma_wait3A_27 : memref<1x10240xf32, #tpu.memory_space<hbm>> -> memref<10240xf32, #tpu.memory_space<hbm>>
      tpu.wait_dma2 semaphore(%run_scoped3A : memref<!tpu.dma_semaphore, #tpu.memory_space<semaphore_mem>>) src(%arg5 : memref<10240xf32, #tpu.memory_space<vmem>>) dst(%dma_wait3A_28 : memref<10240xf32, #tpu.memory_space<hbm>>)
      tpu.yield
    }) : () -> ()
    return
  }
}

#map = affine_map<(d0, d1) -> (0, 0)>
#map1 = affine_map<(d0, d1) -> (0)>
#map2 = affine_map<(d0, d1) -> (0, 0, 0)>
module attributes {stable_mosaic.version = 14 : i64} {
  func.func @_edge_call(%arg0: i32, %arg1: i32, %arg2: memref<10000x128xf32, #tpu.memory_space<hbm>>, %arg3: memref<640000xi32, #tpu.memory_space<hbm>>, %arg4: memref<2x10240x128xf32, #tpu.memory_space<hbm>>, %arg5: memref<128xi32, #tpu.memory_space<vmem>>, %arg6: memref<128xi32, #tpu.memory_space<vmem>>, %arg7: memref<128xi32, #tpu.memory_space<vmem>>, %arg8: memref<128xi32, #tpu.memory_space<vmem>>, %arg9: memref<128xi32, #tpu.memory_space<vmem>>, %arg10: memref<128xi32, #tpu.memory_space<vmem>>, %arg11: memref<128x128xf32, #tpu.memory_space<vmem>>, %arg12: memref<128x128xf32, #tpu.memory_space<vmem>>, %arg13: memref<10240x128xf32, #tpu.memory_space<vmem_shared>>, %arg14: memref<!tpu.dma_semaphore, #tpu.memory_space<semaphore_mem>>, %arg15: memref<!tpu.dma_semaphore, #tpu.memory_space<semaphore_mem>>, %arg16: memref<!tpu.dma_semaphore, #tpu.memory_space<semaphore_mem>>, %arg17: memref<!tpu.dma_semaphore, #tpu.memory_space<semaphore_mem>>, %arg18: memref<!tpu.dma_semaphore, #tpu.memory_space<semaphore_mem>>, %arg19: memref<!tpu.dma_semaphore, #tpu.memory_space<semaphore_mem>>, %arg20: memref<!tpu.dma_semaphore, #tpu.memory_space<semaphore_mem>>, %arg21: memref<!tpu.dma_semaphore, #tpu.memory_space<semaphore_mem>>, %arg22: memref<!tpu.dma_semaphore, #tpu.memory_space<semaphore_mem>>, %arg23: memref<!tpu.dma_semaphore, #tpu.memory_space<semaphore_mem>>) attributes {dimension_semantics = [#tpu.dimension_semantics<core_parallel>, #tpu.dimension_semantics<subcore_parallel>], iteration_bounds = array<i64: 2, 16>, scalar_prefetch = 0 : i64, scratch_operands = 19 : i64, tpu.core_type = #tpu.core_type<sc_vector_subcore>, window_params = [{transform_indices = #map}, {transform_indices = #map1}, {transform_indices = #map2}]} {
    %broadcast_in_dim3A = arith.constant 0.000000e+00 : f32
    %broadcast_in_dim3A_0 = vector.broadcast %broadcast_in_dim3A : f32 to vector<16xf32>
    %eq3A = arith.constant 0 : i32
    %eq3A_1 = arith.cmpi eq, %arg0, %eq3A : i32
    %jit3A = arith.constant 312 : i32
    %jit3A_2 = arith.constant 313 : i32
    %select_n3A = arith.select %eq3A_1, %jit3A, %jit3A_2 : i32
    %eq3A_3 = arith.constant 0 : i32
    %eq3A_4 = arith.cmpi eq, %arg0, %eq3A_3 : i32
    %jit3A_5 = arith.constant 0 : i32
    %jit3A_6 = arith.constant 312 : i32
    %select_n3A_7 = arith.select %eq3A_4, %jit3A_5, %jit3A_6 : i32
    %mul3A = arith.muli %arg1, %select_n3A : i32
    %jit3A_8 = arith.constant 16 : i32
    %div3A = arith.divsi %mul3A, %jit3A_8 : i32
    %sign3A = arith.constant 0 : i32
    %sign3A_9 = arith.cmpi sgt, %mul3A, %sign3A : i32
    %sign3A_10 = arith.extui %sign3A_9 : i1 to i32
    %sign3A_11 = arith.constant 0 : i32
    %sign3A_12 = arith.cmpi slt, %mul3A, %sign3A_11 : i32
    %sign3A_13 = arith.extui %sign3A_12 : i1 to i32
    %sign3A_14 = arith.subi %sign3A_10, %sign3A_13 : i32
    %sign3A_15 = arith.constant 0 : i32
    %sign3A_16 = arith.cmpi sgt, %jit3A_8, %sign3A_15 : i32
    %sign3A_17 = arith.extui %sign3A_16 : i1 to i32
    %sign3A_18 = arith.constant 0 : i32
    %sign3A_19 = arith.cmpi slt, %jit3A_8, %sign3A_18 : i32
    %sign3A_20 = arith.extui %sign3A_19 : i1 to i32
    %sign3A_21 = arith.subi %sign3A_17, %sign3A_20 : i32
    %ne3A = arith.cmpi ne, %sign3A_14, %sign3A_21 : i32
    %rem3A = arith.remsi %mul3A, %jit3A_8 : i32
    %ne3A_22 = arith.constant 0 : i32
    %ne3A_23 = arith.cmpi ne, %rem3A, %ne3A_22 : i32
    %and3A = arith.andi %ne3A, %ne3A_23 : i1
    %sub3A = arith.constant 1 : i32
    %sub3A_24 = arith.subi %div3A, %sub3A : i32
    %select_n3A_25 = arith.select %and3A, %sub3A_24, %div3A : i32
    %add3A = arith.addi %select_n3A_7, %select_n3A_25 : i32
    %add3A_26 = arith.constant 1 : i32
    %add3A_27 = arith.addi %arg1, %add3A_26 : i32
    %mul3A_28 = arith.muli %add3A_27, %select_n3A : i32
    %jit3A_29 = arith.constant 16 : i32
    %div3A_30 = arith.divsi %mul3A_28, %jit3A_29 : i32
    %sign3A_31 = arith.constant 0 : i32
    %sign3A_32 = arith.cmpi sgt, %mul3A_28, %sign3A_31 : i32
    %sign3A_33 = arith.extui %sign3A_32 : i1 to i32
    %sign3A_34 = arith.constant 0 : i32
    %sign3A_35 = arith.cmpi slt, %mul3A_28, %sign3A_34 : i32
    %sign3A_36 = arith.extui %sign3A_35 : i1 to i32
    %sign3A_37 = arith.subi %sign3A_33, %sign3A_36 : i32
    %sign3A_38 = arith.constant 0 : i32
    %sign3A_39 = arith.cmpi sgt, %jit3A_29, %sign3A_38 : i32
    %sign3A_40 = arith.extui %sign3A_39 : i1 to i32
    %sign3A_41 = arith.constant 0 : i32
    %sign3A_42 = arith.cmpi slt, %jit3A_29, %sign3A_41 : i32
    %sign3A_43 = arith.extui %sign3A_42 : i1 to i32
    %sign3A_44 = arith.subi %sign3A_40, %sign3A_43 : i32
    %ne3A_45 = arith.cmpi ne, %sign3A_37, %sign3A_44 : i32
    %rem3A_46 = arith.remsi %mul3A_28, %jit3A_29 : i32
    %ne3A_47 = arith.constant 0 : i32
    %ne3A_48 = arith.cmpi ne, %rem3A_46, %ne3A_47 : i32
    %and3A_49 = arith.andi %ne3A_45, %ne3A_48 : i1
    %sub3A_50 = arith.constant 1 : i32
    %sub3A_51 = arith.subi %div3A_30, %sub3A_50 : i32
    %select_n3A_52 = arith.select %and3A_49, %sub3A_51, %div3A_30 : i32
    %add3A_53 = arith.addi %select_n3A_7, %select_n3A_52 : i32
    %sub3A_54 = arith.subi %add3A_53, %add3A : i32
    %mul3A_55 = arith.constant 4 : i32
    %mul3A_56 = arith.muli %mul3A_55, %add3A : i32
    %mul3A_57 = arith.constant 4 : i32
    %mul3A_58 = arith.muli %mul3A_57, %add3A_53 : i32
    %sub3A_59 = arith.constant 1 : i32
    %sub3A_60 = arith.subi %mul3A_58, %sub3A_59 : i32
    %mul3A_61 = arith.constant 128 : i32
    %mul3A_62 = arith.muli %mul3A_56, %mul3A_61 : i32
    %dma_start3A = tpu.memref_slice %arg3[%mul3A_62] : memref<640000xi32, #tpu.memory_space<hbm>> -> memref<128xi32, #tpu.memory_space<hbm>>
    %dma_start3A_63 = tpu.memref_slice %arg3[%mul3A_62] : memref<640000xi32, #tpu.memory_space<hbm>> -> memref<128xi32, #tpu.memory_space<hbm>>
    tpu.enqueue_dma source(%dma_start3A_63 : memref<128xi32, #tpu.memory_space<hbm>>) target(%arg5 : memref<128xi32, #tpu.memory_space<vmem>>) target_semaphore(%arg14 : memref<!tpu.dma_semaphore, #tpu.memory_space<semaphore_mem>>)
    %add3A_64 = arith.constant 1 : i32
    %add3A_65 = arith.addi %mul3A_56, %add3A_64 : i32
    %mul3A_66 = arith.constant 128 : i32
    %mul3A_67 = arith.muli %add3A_65, %mul3A_66 : i32
    %dma_start3A_68 = tpu.memref_slice %arg3[%mul3A_67] : memref<640000xi32, #tpu.memory_space<hbm>> -> memref<128xi32, #tpu.memory_space<hbm>>
    %dma_start3A_69 = tpu.memref_slice %arg3[%mul3A_67] : memref<640000xi32, #tpu.memory_space<hbm>> -> memref<128xi32, #tpu.memory_space<hbm>>
    tpu.enqueue_dma source(%dma_start3A_69 : memref<128xi32, #tpu.memory_space<hbm>>) target(%arg6 : memref<128xi32, #tpu.memory_space<vmem>>) target_semaphore(%arg15 : memref<!tpu.dma_semaphore, #tpu.memory_space<semaphore_mem>>)
    %mul3A_70 = arith.constant 128 : i32
    %mul3A_71 = arith.muli %mul3A_56, %mul3A_70 : i32
    %add3A_72 = arith.constant 320000 : i32
    %add3A_73 = arith.addi %add3A_72, %mul3A_71 : i32
    %dma_start3A_74 = tpu.memref_slice %arg3[%add3A_73] : memref<640000xi32, #tpu.memory_space<hbm>> -> memref<128xi32, #tpu.memory_space<hbm>>
    %dma_start3A_75 = tpu.memref_slice %arg3[%add3A_73] : memref<640000xi32, #tpu.memory_space<hbm>> -> memref<128xi32, #tpu.memory_space<hbm>>
    tpu.enqueue_dma source(%dma_start3A_75 : memref<128xi32, #tpu.memory_space<hbm>>) target(%arg7 : memref<128xi32, #tpu.memory_space<vmem>>) target_semaphore(%arg16 : memref<!tpu.dma_semaphore, #tpu.memory_space<semaphore_mem>>)
    %add3A_76 = arith.constant 1 : i32
    %add3A_77 = arith.addi %mul3A_56, %add3A_76 : i32
    %mul3A_78 = arith.constant 128 : i32
    %mul3A_79 = arith.muli %add3A_77, %mul3A_78 : i32
    %add3A_80 = arith.constant 320000 : i32
    %add3A_81 = arith.addi %add3A_80, %mul3A_79 : i32
    %dma_start3A_82 = tpu.memref_slice %arg3[%add3A_81] : memref<640000xi32, #tpu.memory_space<hbm>> -> memref<128xi32, #tpu.memory_space<hbm>>
    %dma_start3A_83 = tpu.memref_slice %arg3[%add3A_81] : memref<640000xi32, #tpu.memory_space<hbm>> -> memref<128xi32, #tpu.memory_space<hbm>>
    tpu.enqueue_dma source(%dma_start3A_83 : memref<128xi32, #tpu.memory_space<hbm>>) target(%arg8 : memref<128xi32, #tpu.memory_space<vmem>>) target_semaphore(%arg17 : memref<!tpu.dma_semaphore, #tpu.memory_space<semaphore_mem>>)
    %add3A_84 = arith.constant 2 : i32
    %add3A_85 = arith.addi %mul3A_56, %add3A_84 : i32
    %mul3A_86 = arith.constant 128 : i32
    %mul3A_87 = arith.muli %add3A_85, %mul3A_86 : i32
    %add3A_88 = arith.constant 320000 : i32
    %add3A_89 = arith.addi %add3A_88, %mul3A_87 : i32
    %dma_start3A_90 = tpu.memref_slice %arg3[%add3A_89] : memref<640000xi32, #tpu.memory_space<hbm>> -> memref<128xi32, #tpu.memory_space<hbm>>
    %dma_start3A_91 = tpu.memref_slice %arg3[%add3A_89] : memref<640000xi32, #tpu.memory_space<hbm>> -> memref<128xi32, #tpu.memory_space<hbm>>
    tpu.enqueue_dma source(%dma_start3A_91 : memref<128xi32, #tpu.memory_space<hbm>>) target(%arg9 : memref<128xi32, #tpu.memory_space<vmem>>) target_semaphore(%arg18 : memref<!tpu.dma_semaphore, #tpu.memory_space<semaphore_mem>>)
    %scan3A = arith.constant 0 : i32
    %scan3A_92 = arith.constant 0 : i32
    %scan3A_93 = arith.constant 128 : i32
    %scan3A_94 = arith.addi %scan3A_92, %scan3A_93 : i32
    %scan3A_95 = arith.constant 1 : i32
    scf.for %scan3A_219 = %scan3A_92 to %scan3A_94 step %scan3A_95  : i32 {
      %swap3A = arith.index_cast %scan3A_219 : i32 to index
      %swap3A_220 = arith.constant 0 : index
      %swap3A_221 = tpu.vector_load %arg12[%swap3A, %swap3A_220] {strides = array<i32>} : memref<128x128xf32, #tpu.memory_space<vmem>>, vector<16xf32>,
      tpu.vector_store %arg12[%swap3A, %swap3A_220], %broadcast_in_dim3A_0 {strides = array<i32>} : memref<128x128xf32, #tpu.memory_space<vmem>>, vector<16xf32>,
      %swap3A_222 = arith.index_cast %scan3A_219 : i32 to index
      %swap3A_223 = arith.constant 16 : index
      %swap3A_224 = tpu.vector_load %arg12[%swap3A_222, %swap3A_223] {strides = array<i32>} : memref<128x128xf32, #tpu.memory_space<vmem>>, vector<16xf32>,
      tpu.vector_store %arg12[%swap3A_222, %swap3A_223], %broadcast_in_dim3A_0 {strides = array<i32>} : memref<128x128xf32, #tpu.memory_space<vmem>>, vector<16xf32>,
      %swap3A_225 = arith.index_cast %scan3A_219 : i32 to index
      %swap3A_226 = arith.constant 32 : index
      %swap3A_227 = tpu.vector_load %arg12[%swap3A_225, %swap3A_226] {strides = array<i32>} : memref<128x128xf32, #tpu.memory_space<vmem>>, vector<16xf32>,
      tpu.vector_store %arg12[%swap3A_225, %swap3A_226], %broadcast_in_dim3A_0 {strides = array<i32>} : memref<128x128xf32, #tpu.memory_space<vmem>>, vector<16xf32>,
      %swap3A_228 = arith.index_cast %scan3A_219 : i32 to index
      %swap3A_229 = arith.constant 48 : index
      %swap3A_230 = tpu.vector_load %arg12[%swap3A_228, %swap3A_229] {strides = array<i32>} : memref<128x128xf32, #tpu.memory_space<vmem>>, vector<16xf32>,
      tpu.vector_store %arg12[%swap3A_228, %swap3A_229], %broadcast_in_dim3A_0 {strides = array<i32>} : memref<128x128xf32, #tpu.memory_space<vmem>>, vector<16xf32>,
      %swap3A_231 = arith.index_cast %scan3A_219 : i32 to index
      %swap3A_232 = arith.constant 64 : index
      %swap3A_233 = tpu.vector_load %arg12[%swap3A_231, %swap3A_232] {strides = array<i32>} : memref<128x128xf32, #tpu.memory_space<vmem>>, vector<16xf32>,
      tpu.vector_store %arg12[%swap3A_231, %swap3A_232], %broadcast_in_dim3A_0 {strides = array<i32>} : memref<128x128xf32, #tpu.memory_space<vmem>>, vector<16xf32>,
      %swap3A_234 = arith.index_cast %scan3A_219 : i32 to index
      %swap3A_235 = arith.constant 80 : index
      %swap3A_236 = tpu.vector_load %arg12[%swap3A_234, %swap3A_235] {strides = array<i32>} : memref<128x128xf32, #tpu.memory_space<vmem>>, vector<16xf32>,
      tpu.vector_store %arg12[%swap3A_234, %swap3A_235], %broadcast_in_dim3A_0 {strides = array<i32>} : memref<128x128xf32, #tpu.memory_space<vmem>>, vector<16xf32>,
      %swap3A_237 = arith.index_cast %scan3A_219 : i32 to index
      %swap3A_238 = arith.constant 96 : index
      %swap3A_239 = tpu.vector_load %arg12[%swap3A_237, %swap3A_238] {strides = array<i32>} : memref<128x128xf32, #tpu.memory_space<vmem>>, vector<16xf32>,
      tpu.vector_store %arg12[%swap3A_237, %swap3A_238], %broadcast_in_dim3A_0 {strides = array<i32>} : memref<128x128xf32, #tpu.memory_space<vmem>>, vector<16xf32>,
      %swap3A_240 = arith.index_cast %scan3A_219 : i32 to index
      %swap3A_241 = arith.constant 112 : index
      %swap3A_242 = tpu.vector_load %arg12[%swap3A_240, %swap3A_241] {strides = array<i32>} : memref<128x128xf32, #tpu.memory_space<vmem>>, vector<16xf32>,
      tpu.vector_store %arg12[%swap3A_240, %swap3A_241], %broadcast_in_dim3A_0 {strides = array<i32>} : memref<128x128xf32, #tpu.memory_space<vmem>>, vector<16xf32>,
    }
    %scan3A_96 = arith.constant 128 : i32
    %mul3A_97 = arith.constant 128 : i32
    %mul3A_98 = arith.muli %mul3A_56, %mul3A_97 : i32
    %dma_wait3A = tpu.memref_slice %arg3[%mul3A_98] : memref<640000xi32, #tpu.memory_space<hbm>> -> memref<128xi32, #tpu.memory_space<hbm>>
    %dma_wait3A_99 = tpu.memref_slice %arg3[%mul3A_98] : memref<640000xi32, #tpu.memory_space<hbm>> -> memref<128xi32, #tpu.memory_space<hbm>>
    tpu.wait_dma2 semaphore(%arg14 : memref<!tpu.dma_semaphore, #tpu.memory_space<semaphore_mem>>) src(%dma_wait3A_99 : memref<128xi32, #tpu.memory_space<hbm>>) dst(%arg5 : memref<128xi32, #tpu.memory_space<vmem>>)
    %dma_start3A_100 = arith.constant 0 : i32
    %dma_start3A_101 = arith.constant 0 : i32
    %dma_start3A_102 = tpu.memref_slice %arg2[%dma_start3A_100, %dma_start3A_101] : memref<10000x128xf32, #tpu.memory_space<hbm>> -> memref<10000x128xf32, #tpu.memory_space<hbm>>
    tpu.enqueue_indirect_dma source(%dma_start3A_102 : memref<10000x128xf32, #tpu.memory_space<hbm>>) target(%arg11 : memref<128x128xf32, #tpu.memory_space<vmem>>) offsets(%arg5 : memref<128xi32, #tpu.memory_space<vmem>>) semaphore(%arg20 : memref<!tpu.dma_semaphore, #tpu.memory_space<semaphore_mem>>)
    %mul3A_103 = arith.constant 640 : i32
    %mul3A_104 = arith.muli %arg1, %mul3A_103 : i32
    %add3A_105 = arith.constant 0 : i32
    %add3A_106 = arith.addi %mul3A_104, %add3A_105 : i32
    %dma_start3A_107 = arith.constant 0 : i32
    %dma_start3A_108 = tpu.memref_slice %arg13[%add3A_106, %dma_start3A_107] : memref<10240x128xf32, #tpu.memory_space<vmem_shared>> -> memref<128x128xf32, #tpu.memory_space<vmem_shared>>
    %dma_start3A_109 = arith.constant 0 : i32
    %dma_start3A_110 = tpu.memref_slice %arg13[%add3A_106, %dma_start3A_109] : memref<10240x128xf32, #tpu.memory_space<vmem_shared>> -> memref<128x128xf32, #tpu.memory_space<vmem_shared>>
    tpu.enqueue_dma source(%arg12 : memref<128x128xf32, #tpu.memory_space<vmem>>) target(%dma_start3A_110 : memref<128x128xf32, #tpu.memory_space<vmem_shared>>) target_semaphore(%arg22 : memref<!tpu.dma_semaphore, #tpu.memory_space<semaphore_mem>>)
    %mul3A_111 = arith.constant 640 : i32
    %mul3A_112 = arith.muli %arg1, %mul3A_111 : i32
    %add3A_113 = arith.constant 128 : i32
    %add3A_114 = arith.addi %mul3A_112, %add3A_113 : i32
    %dma_start3A_115 = arith.constant 0 : i32
    %dma_start3A_116 = tpu.memref_slice %arg13[%add3A_114, %dma_start3A_115] : memref<10240x128xf32, #tpu.memory_space<vmem_shared>> -> memref<128x128xf32, #tpu.memory_space<vmem_shared>>
    %dma_start3A_117 = arith.constant 0 : i32
    %dma_start3A_118 = tpu.memref_slice %arg13[%add3A_114, %dma_start3A_117] : memref<10240x128xf32, #tpu.memory_space<vmem_shared>> -> memref<128x128xf32, #tpu.memory_space<vmem_shared>>
    tpu.enqueue_dma source(%arg12 : memref<128x128xf32, #tpu.memory_space<vmem>>) target(%dma_start3A_118 : memref<128x128xf32, #tpu.memory_space<vmem_shared>>) target_semaphore(%arg22 : memref<!tpu.dma_semaphore, #tpu.memory_space<semaphore_mem>>)
    %mul3A_119 = arith.constant 640 : i32
    %mul3A_120 = arith.muli %arg1, %mul3A_119 : i32
    %add3A_121 = arith.constant 256 : i32
    %add3A_122 = arith.addi %mul3A_120, %add3A_121 : i32
    %dma_start3A_123 = arith.constant 0 : i32
    %dma_start3A_124 = tpu.memref_slice %arg13[%add3A_122, %dma_start3A_123] : memref<10240x128xf32, #tpu.memory_space<vmem_shared>> -> memref<128x128xf32, #tpu.memory_space<vmem_shared>>
    %dma_start3A_125 = arith.constant 0 : i32
    %dma_start3A_126 = tpu.memref_slice %arg13[%add3A_122, %dma_start3A_125] : memref<10240x128xf32, #tpu.memory_space<vmem_shared>> -> memref<128x128xf32, #tpu.memory_space<vmem_shared>>
    tpu.enqueue_dma source(%arg12 : memref<128x128xf32, #tpu.memory_space<vmem>>) target(%dma_start3A_126 : memref<128x128xf32, #tpu.memory_space<vmem_shared>>) target_semaphore(%arg22 : memref<!tpu.dma_semaphore, #tpu.memory_space<semaphore_mem>>)
    %mul3A_127 = arith.constant 640 : i32
    %mul3A_128 = arith.muli %arg1, %mul3A_127 : i32
    %add3A_129 = arith.constant 384 : i32
    %add3A_130 = arith.addi %mul3A_128, %add3A_129 : i32
    %dma_start3A_131 = arith.constant 0 : i32
    %dma_start3A_132 = tpu.memref_slice %arg13[%add3A_130, %dma_start3A_131] : memref<10240x128xf32, #tpu.memory_space<vmem_shared>> -> memref<128x128xf32, #tpu.memory_space<vmem_shared>>
    %dma_start3A_133 = arith.constant 0 : i32
    %dma_start3A_134 = tpu.memref_slice %arg13[%add3A_130, %dma_start3A_133] : memref<10240x128xf32, #tpu.memory_space<vmem_shared>> -> memref<128x128xf32, #tpu.memory_space<vmem_shared>>
    tpu.enqueue_dma source(%arg12 : memref<128x128xf32, #tpu.memory_space<vmem>>) target(%dma_start3A_134 : memref<128x128xf32, #tpu.memory_space<vmem_shared>>) target_semaphore(%arg22 : memref<!tpu.dma_semaphore, #tpu.memory_space<semaphore_mem>>)
    %mul3A_135 = arith.constant 640 : i32
    %mul3A_136 = arith.muli %arg1, %mul3A_135 : i32
    %add3A_137 = arith.constant 512 : i32
    %add3A_138 = arith.addi %mul3A_136, %add3A_137 : i32
    %dma_start3A_139 = arith.constant 0 : i32
    %dma_start3A_140 = tpu.memref_slice %arg13[%add3A_138, %dma_start3A_139] : memref<10240x128xf32, #tpu.memory_space<vmem_shared>> -> memref<128x128xf32, #tpu.memory_space<vmem_shared>>
    %dma_start3A_141 = arith.constant 0 : i32
    %dma_start3A_142 = tpu.memref_slice %arg13[%add3A_138, %dma_start3A_141] : memref<10240x128xf32, #tpu.memory_space<vmem_shared>> -> memref<128x128xf32, #tpu.memory_space<vmem_shared>>
    tpu.enqueue_dma source(%arg12 : memref<128x128xf32, #tpu.memory_space<vmem>>) target(%dma_start3A_142 : memref<128x128xf32, #tpu.memory_space<vmem_shared>>) target_semaphore(%arg22 : memref<!tpu.dma_semaphore, #tpu.memory_space<semaphore_mem>>)
    %mul3A_143 = arith.constant 640 : i32
    %mul3A_144 = arith.muli %arg1, %mul3A_143 : i32
    %add3A_145 = arith.constant 0 : i32
    %add3A_146 = arith.addi %mul3A_144, %add3A_145 : i32
    %dma_wait3A_147 = arith.constant 0 : i32
    %dma_wait3A_148 = tpu.memref_slice %arg13[%add3A_146, %dma_wait3A_147] : memref<10240x128xf32, #tpu.memory_space<vmem_shared>> -> memref<128x128xf32, #tpu.memory_space<vmem_shared>>
    %dma_wait3A_149 = arith.constant 0 : i32
    %dma_wait3A_150 = tpu.memref_slice %arg13[%add3A_146, %dma_wait3A_149] : memref<10240x128xf32, #tpu.memory_space<vmem_shared>> -> memref<128x128xf32, #tpu.memory_space<vmem_shared>>
    tpu.wait_dma2 semaphore(%arg22 : memref<!tpu.dma_semaphore, #tpu.memory_space<semaphore_mem>>) src(%arg12 : memref<128x128xf32, #tpu.memory_space<vmem>>) dst(%dma_wait3A_150 : memref<128x128xf32, #tpu.memory_space<vmem_shared>>)
    %mul3A_151 = arith.constant 640 : i32
    %mul3A_152 = arith.muli %arg1, %mul3A_151 : i32
    %add3A_153 = arith.constant 128 : i32
    %add3A_154 = arith.addi %mul3A_152, %add3A_153 : i32
    %dma_wait3A_155 = arith.constant 0 : i32
    %dma_wait3A_156 = tpu.memref_slice %arg13[%add3A_154, %dma_wait3A_155] : memref<10240x128xf32, #tpu.memory_space<vmem_shared>> -> memref<128x128xf32, #tpu.memory_space<vmem_shared>>
    %dma_wait3A_157 = arith.constant 0 : i32
    %dma_wait3A_158 = tpu.memref_slice %arg13[%add3A_154, %dma_wait3A_157] : memref<10240x128xf32, #tpu.memory_space<vmem_shared>> -> memref<128x128xf32, #tpu.memory_space<vmem_shared>>
    tpu.wait_dma2 semaphore(%arg22 : memref<!tpu.dma_semaphore, #tpu.memory_space<semaphore_mem>>) src(%arg12 : memref<128x128xf32, #tpu.memory_space<vmem>>) dst(%dma_wait3A_158 : memref<128x128xf32, #tpu.memory_space<vmem_shared>>)
    %mul3A_159 = arith.constant 640 : i32
    %mul3A_160 = arith.muli %arg1, %mul3A_159 : i32
    %add3A_161 = arith.constant 256 : i32
    %add3A_162 = arith.addi %mul3A_160, %add3A_161 : i32
    %dma_wait3A_163 = arith.constant 0 : i32
    %dma_wait3A_164 = tpu.memref_slice %arg13[%add3A_162, %dma_wait3A_163] : memref<10240x128xf32, #tpu.memory_space<vmem_shared>> -> memref<128x128xf32, #tpu.memory_space<vmem_shared>>
    %dma_wait3A_165 = arith.constant 0 : i32
    %dma_wait3A_166 = tpu.memref_slice %arg13[%add3A_162, %dma_wait3A_165] : memref<10240x128xf32, #tpu.memory_space<vmem_shared>> -> memref<128x128xf32, #tpu.memory_space<vmem_shared>>
    tpu.wait_dma2 semaphore(%arg22 : memref<!tpu.dma_semaphore, #tpu.memory_space<semaphore_mem>>) src(%arg12 : memref<128x128xf32, #tpu.memory_space<vmem>>) dst(%dma_wait3A_166 : memref<128x128xf32, #tpu.memory_space<vmem_shared>>)
    %mul3A_167 = arith.constant 640 : i32
    %mul3A_168 = arith.muli %arg1, %mul3A_167 : i32
    %add3A_169 = arith.constant 384 : i32
    %add3A_170 = arith.addi %mul3A_168, %add3A_169 : i32
    %dma_wait3A_171 = arith.constant 0 : i32
    %dma_wait3A_172 = tpu.memref_slice %arg13[%add3A_170, %dma_wait3A_171] : memref<10240x128xf32, #tpu.memory_space<vmem_shared>> -> memref<128x128xf32, #tpu.memory_space<vmem_shared>>
    %dma_wait3A_173 = arith.constant 0 : i32
    %dma_wait3A_174 = tpu.memref_slice %arg13[%add3A_170, %dma_wait3A_173] : memref<10240x128xf32, #tpu.memory_space<vmem_shared>> -> memref<128x128xf32, #tpu.memory_space<vmem_shared>>
    tpu.wait_dma2 semaphore(%arg22 : memref<!tpu.dma_semaphore, #tpu.memory_space<semaphore_mem>>) src(%arg12 : memref<128x128xf32, #tpu.memory_space<vmem>>) dst(%dma_wait3A_174 : memref<128x128xf32, #tpu.memory_space<vmem_shared>>)
    %mul3A_175 = arith.constant 640 : i32
    %mul3A_176 = arith.muli %arg1, %mul3A_175 : i32
    %add3A_177 = arith.constant 512 : i32
    %add3A_178 = arith.addi %mul3A_176, %add3A_177 : i32
    %dma_wait3A_179 = arith.constant 0 : i32
    %dma_wait3A_180 = tpu.memref_slice %arg13[%add3A_178, %dma_wait3A_179] : memref<10240x128xf32, #tpu.memory_space<vmem_shared>> -> memref<128x128xf32, #tpu.memory_space<vmem_shared>>
    %dma_wait3A_181 = arith.constant 0 : i32
    %dma_wait3A_182 = tpu.memref_slice %arg13[%add3A_178, %dma_wait3A_181] : memref<10240x128xf32, #tpu.memory_space<vmem_shared>> -> memref<128x128xf32, #tpu.memory_space<vmem_shared>>
    tpu.wait_dma2 semaphore(%arg22 : memref<!tpu.dma_semaphore, #tpu.memory_space<semaphore_mem>>) src(%arg12 : memref<128x128xf32, #tpu.memory_space<vmem>>) dst(%dma_wait3A_182 : memref<128x128xf32, #tpu.memory_space<vmem_shared>>)
    %barrier3A = arith.constant 0 : index
    tpu.barrier barrier_id(%barrier3A)
    %while3A = arith.constant 0 : i32
    %while3A_183 = arith.constant 0 : i32
    %while3A_184 = arith.subi %sub3A_54, %while3A_183 : i32
    %while3A_185 = arith.addi %while3A_183, %while3A_184 : i32
    %while3A_186 = arith.constant 1 : i32
    %while3A_187 = arith.divsi %while3A_184, %while3A_186 : i32
    %while3A_188 = arith.muli %while3A_187, %while3A_186 : i32
    %while3A_189 = arith.addi %while3A_183, %while3A_188 : i32
    %while3A_190 = arith.constant 1 : i32
    scf.for %while3A_219 = %while3A_183 to %while3A_189 step %while3A_190  : i32 {
      %mul3A_220 = arith.constant 4 : i32
      %mul3A_221 = arith.muli %mul3A_220, %while3A_219 : i32
      %add3A_222 = arith.addi %mul3A_56, %mul3A_221 : i32
      %gt3A = arith.constant 0 : i32
      %gt3A_223 = arith.cmpi sgt, %while3A_219, %gt3A : i32
      %add3A_224 = arith.constant 1 : i32
      %add3A_225 = arith.addi %add3A_222, %add3A_224 : i32
      %min3A = arith.minsi %add3A_225, %sub3A_60 : i32
      %mul3A_226 = arith.constant 128 : i32
      %mul3A_227 = arith.muli %min3A, %mul3A_226 : i32
      %dma_wait3A_228 = tpu.memref_slice %arg3[%mul3A_227] : memref<640000xi32, #tpu.memory_space<hbm>> -> memref<128xi32, #tpu.memory_space<hbm>>
      %dma_wait3A_229 = tpu.memref_slice %arg3[%mul3A_227] : memref<640000xi32, #tpu.memory_space<hbm>> -> memref<128xi32, #tpu.memory_space<hbm>>
      tpu.wait_dma2 semaphore(%arg15 : memref<!tpu.dma_semaphore, #tpu.memory_space<semaphore_mem>>) src(%dma_wait3A_229 : memref<128xi32, #tpu.memory_space<hbm>>) dst(%arg6 : memref<128xi32, #tpu.memory_space<vmem>>)
      %add3A_230 = arith.constant 1 : i32
      %add3A_231 = arith.addi %add3A_222, %add3A_230 : i32
      %min3A_232 = arith.minsi %add3A_231, %sub3A_60 : i32
      %mul3A_233 = arith.constant 128 : i32
      %mul3A_234 = arith.muli %min3A_232, %mul3A_233 : i32
      %add3A_235 = arith.constant 320000 : i32
      %add3A_236 = arith.addi %add3A_235, %mul3A_234 : i32
      %dma_wait3A_237 = tpu.memref_slice %arg3[%add3A_236] : memref<640000xi32, #tpu.memory_space<hbm>> -> memref<128xi32, #tpu.memory_space<hbm>>
      %dma_wait3A_238 = tpu.memref_slice %arg3[%add3A_236] : memref<640000xi32, #tpu.memory_space<hbm>> -> memref<128xi32, #tpu.memory_space<hbm>>
      tpu.wait_dma2 semaphore(%arg17 : memref<!tpu.dma_semaphore, #tpu.memory_space<semaphore_mem>>) src(%dma_wait3A_238 : memref<128xi32, #tpu.memory_space<hbm>>) dst(%arg8 : memref<128xi32, #tpu.memory_space<vmem>>)
      %convert_element_type3A = arith.extui %gt3A_223 : i1 to i32
      %cond3A = arith.constant 0 : i32
      %cond3A_239 = arith.cmpi ne, %convert_element_type3A, %cond3A : i32
      scf.if %cond3A_239 {
        %dma_wait3A_408 = arith.constant 0 : i32
        %dma_wait3A_409 = arith.constant 0 : i32
        %dma_wait3A_410 = tpu.memref_slice %arg13[%dma_wait3A_408, %dma_wait3A_409] : memref<10240x128xf32, #tpu.memory_space<vmem_shared>> -> memref<10240x128xf32, #tpu.memory_space<vmem_shared>>
        tpu.wait_indirect_dma semaphore(%arg23 : memref<!tpu.dma_semaphore, #tpu.memory_space<semaphore_mem>>) src(%arg12 : memref<128x128xf32, #tpu.memory_space<vmem>>) dst(%dma_wait3A_410 : memref<10240x128xf32, #tpu.memory_space<vmem_shared>>)
      } else {
      }
      %dma_start3A_240 = arith.constant 0 : i32
      %dma_start3A_241 = arith.constant 0 : i32
      %dma_start3A_242 = tpu.memref_slice %arg2[%dma_start3A_240, %dma_start3A_241] : memref<10000x128xf32, #tpu.memory_space<hbm>> -> memref<10000x128xf32, #tpu.memory_space<hbm>>
      tpu.enqueue_indirect_dma source(%dma_start3A_242 : memref<10000x128xf32, #tpu.memory_space<hbm>>) target(%arg12 : memref<128x128xf32, #tpu.memory_space<vmem>>) offsets(%arg6 : memref<128xi32, #tpu.memory_space<vmem>>) semaphore(%arg21 : memref<!tpu.dma_semaphore, #tpu.memory_space<semaphore_mem>>)
      %dma_wait3A_243 = arith.constant 0 : i32
      %dma_wait3A_244 = arith.constant 0 : i32
      %dma_wait3A_245 = tpu.memref_slice %arg2[%dma_wait3A_243, %dma_wait3A_244] : memref<10000x128xf32, #tpu.memory_space<hbm>> -> memref<10000x128xf32, #tpu.memory_space<hbm>>
      tpu.wait_indirect_dma semaphore(%arg20 : memref<!tpu.dma_semaphore, #tpu.memory_space<semaphore_mem>>) src(%dma_wait3A_245 : memref<10000x128xf32, #tpu.memory_space<hbm>>) dst(%arg11 : memref<128x128xf32, #tpu.memory_space<vmem>>)
      %dma_start3A_246 = arith.constant 0 : i32
      %dma_start3A_247 = arith.constant 0 : i32
      %dma_start3A_248 = tpu.memref_slice %arg13[%dma_start3A_246, %dma_start3A_247] : memref<10240x128xf32, #tpu.memory_space<vmem_shared>> -> memref<10240x128xf32, #tpu.memory_space<vmem_shared>>
      tpu.enqueue_indirect_dma source(%arg11 : memref<128x128xf32, #tpu.memory_space<vmem>>) target(%dma_start3A_248 : memref<10240x128xf32, #tpu.memory_space<vmem_shared>>) offsets(%arg7 : memref<128xi32, #tpu.memory_space<vmem>>) semaphore(%arg22 : memref<!tpu.dma_semaphore, #tpu.memory_space<semaphore_mem>>) {add = true}
      %add3A_249 = arith.constant 2 : i32
      %add3A_250 = arith.addi %add3A_222, %add3A_249 : i32
      %min3A_251 = arith.minsi %add3A_250, %sub3A_60 : i32
      %mul3A_252 = arith.constant 128 : i32
      %mul3A_253 = arith.muli %min3A_251, %mul3A_252 : i32
      %dma_start3A_254 = tpu.memref_slice %arg3[%mul3A_253] : memref<640000xi32, #tpu.memory_space<hbm>> -> memref<128xi32, #tpu.memory_space<hbm>>
      %dma_start3A_255 = tpu.memref_slice %arg3[%mul3A_253] : memref<640000xi32, #tpu.memory_space<hbm>> -> memref<128xi32, #tpu.memory_space<hbm>>
      tpu.enqueue_dma source(%dma_start3A_255 : memref<128xi32, #tpu.memory_space<hbm>>) target(%arg5 : memref<128xi32, #tpu.memory_space<vmem>>) target_semaphore(%arg14 : memref<!tpu.dma_semaphore, #tpu.memory_space<semaphore_mem>>)
      %add3A_256 = arith.constant 3 : i32
      %add3A_257 = arith.addi %add3A_222, %add3A_256 : i32
      %min3A_258 = arith.minsi %add3A_257, %sub3A_60 : i32
      %mul3A_259 = arith.constant 128 : i32
      %mul3A_260 = arith.muli %min3A_258, %mul3A_259 : i32
      %add3A_261 = arith.constant 320000 : i32
      %add3A_262 = arith.addi %add3A_261, %mul3A_260 : i32
      %dma_start3A_263 = tpu.memref_slice %arg3[%add3A_262] : memref<640000xi32, #tpu.memory_space<hbm>> -> memref<128xi32, #tpu.memory_space<hbm>>
      %dma_start3A_264 = tpu.memref_slice %arg3[%add3A_262] : memref<640000xi32, #tpu.memory_space<hbm>> -> memref<128xi32, #tpu.memory_space<hbm>>
      tpu.enqueue_dma source(%dma_start3A_264 : memref<128xi32, #tpu.memory_space<hbm>>) target(%arg10 : memref<128xi32, #tpu.memory_space<vmem>>) target_semaphore(%arg19 : memref<!tpu.dma_semaphore, #tpu.memory_space<semaphore_mem>>)
      %add3A_265 = arith.constant 1 : i32
      %add3A_266 = arith.addi %add3A_222, %add3A_265 : i32
      %ge3A = arith.constant 0 : i32
      %ge3A_267 = arith.cmpi sge, %while3A_219, %ge3A : i32
      %add3A_268 = arith.constant 1 : i32
      %add3A_269 = arith.addi %add3A_266, %add3A_268 : i32
      %min3A_270 = arith.minsi %add3A_269, %sub3A_60 : i32
      %mul3A_271 = arith.constant 128 : i32
      %mul3A_272 = arith.muli %min3A_270, %mul3A_271 : i32
      %dma_wait3A_273 = tpu.memref_slice %arg3[%mul3A_272] : memref<640000xi32, #tpu.memory_space<hbm>> -> memref<128xi32, #tpu.memory_space<hbm>>
      %dma_wait3A_274 = tpu.memref_slice %arg3[%mul3A_272] : memref<640000xi32, #tpu.memory_space<hbm>> -> memref<128xi32, #tpu.memory_space<hbm>>
      tpu.wait_dma2 semaphore(%arg14 : memref<!tpu.dma_semaphore, #tpu.memory_space<semaphore_mem>>) src(%dma_wait3A_274 : memref<128xi32, #tpu.memory_space<hbm>>) dst(%arg5 : memref<128xi32, #tpu.memory_space<vmem>>)
      %add3A_275 = arith.constant 1 : i32
      %add3A_276 = arith.addi %add3A_266, %add3A_275 : i32
      %min3A_277 = arith.minsi %add3A_276, %sub3A_60 : i32
      %mul3A_278 = arith.constant 128 : i32
      %mul3A_279 = arith.muli %min3A_277, %mul3A_278 : i32
      %add3A_280 = arith.constant 320000 : i32
      %add3A_281 = arith.addi %add3A_280, %mul3A_279 : i32
      %dma_wait3A_282 = tpu.memref_slice %arg3[%add3A_281] : memref<640000xi32, #tpu.memory_space<hbm>> -> memref<128xi32, #tpu.memory_space<hbm>>
      %dma_wait3A_283 = tpu.memref_slice %arg3[%add3A_281] : memref<640000xi32, #tpu.memory_space<hbm>> -> memref<128xi32, #tpu.memory_space<hbm>>
      tpu.wait_dma2 semaphore(%arg18 : memref<!tpu.dma_semaphore, #tpu.memory_space<semaphore_mem>>) src(%dma_wait3A_283 : memref<128xi32, #tpu.memory_space<hbm>>) dst(%arg9 : memref<128xi32, #tpu.memory_space<vmem>>)
      %convert_element_type3A_284 = arith.extui %ge3A_267 : i1 to i32
      %cond3A_285 = arith.constant 0 : i32
      %cond3A_286 = arith.cmpi ne, %convert_element_type3A_284, %cond3A_285 : i32
      scf.if %cond3A_286 {
        %dma_wait3A_408 = arith.constant 0 : i32
        %dma_wait3A_409 = arith.constant 0 : i32
        %dma_wait3A_410 = tpu.memref_slice %arg13[%dma_wait3A_408, %dma_wait3A_409] : memref<10240x128xf32, #tpu.memory_space<vmem_shared>> -> memref<10240x128xf32, #tpu.memory_space<vmem_shared>>
        tpu.wait_indirect_dma semaphore(%arg22 : memref<!tpu.dma_semaphore, #tpu.memory_space<semaphore_mem>>) src(%arg11 : memref<128x128xf32, #tpu.memory_space<vmem>>) dst(%dma_wait3A_410 : memref<10240x128xf32, #tpu.memory_space<vmem_shared>>)
      } else {
      }
      %dma_start3A_287 = arith.constant 0 : i32
      %dma_start3A_288 = arith.constant 0 : i32
      %dma_start3A_289 = tpu.memref_slice %arg2[%dma_start3A_287, %dma_start3A_288] : memref<10000x128xf32, #tpu.memory_space<hbm>> -> memref<10000x128xf32, #tpu.memory_space<hbm>>
      tpu.enqueue_indirect_dma source(%dma_start3A_289 : memref<10000x128xf32, #tpu.memory_space<hbm>>) target(%arg11 : memref<128x128xf32, #tpu.memory_space<vmem>>) offsets(%arg5 : memref<128xi32, #tpu.memory_space<vmem>>) semaphore(%arg20 : memref<!tpu.dma_semaphore, #tpu.memory_space<semaphore_mem>>)
      %dma_wait3A_290 = arith.constant 0 : i32
      %dma_wait3A_291 = arith.constant 0 : i32
      %dma_wait3A_292 = tpu.memref_slice %arg2[%dma_wait3A_290, %dma_wait3A_291] : memref<10000x128xf32, #tpu.memory_space<hbm>> -> memref<10000x128xf32, #tpu.memory_space<hbm>>
      tpu.wait_indirect_dma semaphore(%arg21 : memref<!tpu.dma_semaphore, #tpu.memory_space<semaphore_mem>>) src(%dma_wait3A_292 : memref<10000x128xf32, #tpu.memory_space<hbm>>) dst(%arg12 : memref<128x128xf32, #tpu.memory_space<vmem>>)
      %dma_start3A_293 = arith.constant 0 : i32
      %dma_start3A_294 = arith.constant 0 : i32
      %dma_start3A_295 = tpu.memref_slice %arg13[%dma_start3A_293, %dma_start3A_294] : memref<10240x128xf32, #tpu.memory_space<vmem_shared>> -> memref<10240x128xf32, #tpu.memory_space<vmem_shared>>
      tpu.enqueue_indirect_dma source(%arg12 : memref<128x128xf32, #tpu.memory_space<vmem>>) target(%dma_start3A_295 : memref<10240x128xf32, #tpu.memory_space<vmem_shared>>) offsets(%arg8 : memref<128xi32, #tpu.memory_space<vmem>>) semaphore(%arg23 : memref<!tpu.dma_semaphore, #tpu.memory_space<semaphore_mem>>) {add = true}
      %add3A_296 = arith.constant 2 : i32
      %add3A_297 = arith.addi %add3A_266, %add3A_296 : i32
      %min3A_298 = arith.minsi %add3A_297, %sub3A_60 : i32
      %mul3A_299 = arith.constant 128 : i32
      %mul3A_300 = arith.muli %min3A_298, %mul3A_299 : i32
      %dma_start3A_301 = tpu.memref_slice %arg3[%mul3A_300] : memref<640000xi32, #tpu.memory_space<hbm>> -> memref<128xi32, #tpu.memory_space<hbm>>
      %dma_start3A_302 = tpu.memref_slice %arg3[%mul3A_300] : memref<640000xi32, #tpu.memory_space<hbm>> -> memref<128xi32, #tpu.memory_space<hbm>>
      tpu.enqueue_dma source(%dma_start3A_302 : memref<128xi32, #tpu.memory_space<hbm>>) target(%arg6 : memref<128xi32, #tpu.memory_space<vmem>>) target_semaphore(%arg15 : memref<!tpu.dma_semaphore, #tpu.memory_space<semaphore_mem>>)
      %add3A_303 = arith.constant 3 : i32
      %add3A_304 = arith.addi %add3A_266, %add3A_303 : i32
      %min3A_305 = arith.minsi %add3A_304, %sub3A_60 : i32
      %mul3A_306 = arith.constant 128 : i32
      %mul3A_307 = arith.muli %min3A_305, %mul3A_306 : i32
      %add3A_308 = arith.constant 320000 : i32
      %add3A_309 = arith.addi %add3A_308, %mul3A_307 : i32
      %dma_start3A_310 = tpu.memref_slice %arg3[%add3A_309] : memref<640000xi32, #tpu.memory_space<hbm>> -> memref<128xi32, #tpu.memory_space<hbm>>
      %dma_start3A_311 = tpu.memref_slice %arg3[%add3A_309] : memref<640000xi32, #tpu.memory_space<hbm>> -> memref<128xi32, #tpu.memory_space<hbm>>
      tpu.enqueue_dma source(%dma_start3A_311 : memref<128xi32, #tpu.memory_space<hbm>>) target(%arg7 : memref<128xi32, #tpu.memory_space<vmem>>) target_semaphore(%arg16 : memref<!tpu.dma_semaphore, #tpu.memory_space<semaphore_mem>>)
      %add3A_312 = arith.constant 2 : i32
      %add3A_313 = arith.addi %add3A_222, %add3A_312 : i32
      %ge3A_314 = arith.constant 0 : i32
      %ge3A_315 = arith.cmpi sge, %while3A_219, %ge3A_314 : i32
      %add3A_316 = arith.constant 1 : i32
      %add3A_317 = arith.addi %add3A_313, %add3A_316 : i32
      %min3A_318 = arith.minsi %add3A_317, %sub3A_60 : i32
      %mul3A_319 = arith.constant 128 : i32
      %mul3A_320 = arith.muli %min3A_318, %mul3A_319 : i32
      %dma_wait3A_321 = tpu.memref_slice %arg3[%mul3A_320] : memref<640000xi32, #tpu.memory_space<hbm>> -> memref<128xi32, #tpu.memory_space<hbm>>
      %dma_wait3A_322 = tpu.memref_slice %arg3[%mul3A_320] : memref<640000xi32, #tpu.memory_space<hbm>> -> memref<128xi32, #tpu.memory_space<hbm>>
      tpu.wait_dma2 semaphore(%arg15 : memref<!tpu.dma_semaphore, #tpu.memory_space<semaphore_mem>>) src(%dma_wait3A_322 : memref<128xi32, #tpu.memory_space<hbm>>) dst(%arg6 : memref<128xi32, #tpu.memory_space<vmem>>)
      %add3A_323 = arith.constant 1 : i32
      %add3A_324 = arith.addi %add3A_313, %add3A_323 : i32
      %min3A_325 = arith.minsi %add3A_324, %sub3A_60 : i32
      %mul3A_326 = arith.constant 128 : i32
      %mul3A_327 = arith.muli %min3A_325, %mul3A_326 : i32
      %add3A_328 = arith.constant 320000 : i32
      %add3A_329 = arith.addi %add3A_328, %mul3A_327 : i32
      %dma_wait3A_330 = tpu.memref_slice %arg3[%add3A_329] : memref<640000xi32, #tpu.memory_space<hbm>> -> memref<128xi32, #tpu.memory_space<hbm>>
      %dma_wait3A_331 = tpu.memref_slice %arg3[%add3A_329] : memref<640000xi32, #tpu.memory_space<hbm>> -> memref<128xi32, #tpu.memory_space<hbm>>
      tpu.wait_dma2 semaphore(%arg19 : memref<!tpu.dma_semaphore, #tpu.memory_space<semaphore_mem>>) src(%dma_wait3A_331 : memref<128xi32, #tpu.memory_space<hbm>>) dst(%arg10 : memref<128xi32, #tpu.memory_space<vmem>>)
      %convert_element_type3A_332 = arith.extui %ge3A_315 : i1 to i32
      %cond3A_333 = arith.constant 0 : i32
      %cond3A_334 = arith.cmpi ne, %convert_element_type3A_332, %cond3A_333 : i32
      scf.if %cond3A_334 {
        %dma_wait3A_408 = arith.constant 0 : i32
        %dma_wait3A_409 = arith.constant 0 : i32
        %dma_wait3A_410 = tpu.memref_slice %arg13[%dma_wait3A_408, %dma_wait3A_409] : memref<10240x128xf32, #tpu.memory_space<vmem_shared>> -> memref<10240x128xf32, #tpu.memory_space<vmem_shared>>
        tpu.wait_indirect_dma semaphore(%arg23 : memref<!tpu.dma_semaphore, #tpu.memory_space<semaphore_mem>>) src(%arg12 : memref<128x128xf32, #tpu.memory_space<vmem>>) dst(%dma_wait3A_410 : memref<10240x128xf32, #tpu.memory_space<vmem_shared>>)
      } else {
      }
      %dma_start3A_335 = arith.constant 0 : i32
      %dma_start3A_336 = arith.constant 0 : i32
      %dma_start3A_337 = tpu.memref_slice %arg2[%dma_start3A_335, %dma_start3A_336] : memref<10000x128xf32, #tpu.memory_space<hbm>> -> memref<10000x128xf32, #tpu.memory_space<hbm>>
      tpu.enqueue_indirect_dma source(%dma_start3A_337 : memref<10000x128xf32, #tpu.memory_space<hbm>>) target(%arg12 : memref<128x128xf32, #tpu.memory_space<vmem>>) offsets(%arg6 : memref<128xi32, #tpu.memory_space<vmem>>) semaphore(%arg21 : memref<!tpu.dma_semaphore, #tpu.memory_space<semaphore_mem>>)
      %dma_wait3A_338 = arith.constant 0 : i32
      %dma_wait3A_339 = arith.constant 0 : i32
      %dma_wait3A_340 = tpu.memref_slice %arg2[%dma_wait3A_338, %dma_wait3A_339] : memref<10000x128xf32, #tpu.memory_space<hbm>> -> memref<10000x128xf32, #tpu.memory_space<hbm>>
      tpu.wait_indirect_dma semaphore(%arg20 : memref<!tpu.dma_semaphore, #tpu.memory_space<semaphore_mem>>) src(%dma_wait3A_340 : memref<10000x128xf32, #tpu.memory_space<hbm>>) dst(%arg11 : memref<128x128xf32, #tpu.memory_space<vmem>>)
      %dma_start3A_341 = arith.constant 0 : i32
      %dma_start3A_342 = arith.constant 0 : i32
      %dma_start3A_343 = tpu.memref_slice %arg13[%dma_start3A_341, %dma_start3A_342] : memref<10240x128xf32, #tpu.memory_space<vmem_shared>> -> memref<10240x128xf32, #tpu.memory_space<vmem_shared>>
      tpu.enqueue_indirect_dma source(%arg11 : memref<128x128xf32, #tpu.memory_space<vmem>>) target(%dma_start3A_343 : memref<10240x128xf32, #tpu.memory_space<vmem_shared>>) offsets(%arg9 : memref<128xi32, #tpu.memory_space<vmem>>) semaphore(%arg22 : memref<!tpu.dma_semaphore, #tpu.memory_space<semaphore_mem>>) {add = true}
      %add3A_344 = arith.constant 2 : i32
      %add3A_345 = arith.addi %add3A_313, %add3A_344 : i32
      %min3A_346 = arith.minsi %add3A_345, %sub3A_60 : i32
      %mul3A_347 = arith.constant 128 : i32
      %mul3A_348 = arith.muli %min3A_346, %mul3A_347 : i32
      %dma_start3A_349 = tpu.memref_slice %arg3[%mul3A_348] : memref<640000xi32, #tpu.memory_space<hbm>> -> memref<128xi32, #tpu.memory_space<hbm>>
      %dma_start3A_350 = tpu.memref_slice %arg3[%mul3A_348] : memref<640000xi32, #tpu.memory_space<hbm>> -> memref<128xi32, #tpu.memory_space<hbm>>
      tpu.enqueue_dma source(%dma_start3A_350 : memref<128xi32, #tpu.memory_space<hbm>>) target(%arg5 : memref<128xi32, #tpu.memory_space<vmem>>) target_semaphore(%arg14 : memref<!tpu.dma_semaphore, #tpu.memory_space<semaphore_mem>>)
      %add3A_351 = arith.constant 3 : i32
      %add3A_352 = arith.addi %add3A_313, %add3A_351 : i32
      %min3A_353 = arith.minsi %add3A_352, %sub3A_60 : i32
      %mul3A_354 = arith.constant 128 : i32
      %mul3A_355 = arith.muli %min3A_353, %mul3A_354 : i32
      %add3A_356 = arith.constant 320000 : i32
      %add3A_357 = arith.addi %add3A_356, %mul3A_355 : i32
      %dma_start3A_358 = tpu.memref_slice %arg3[%add3A_357] : memref<640000xi32, #tpu.memory_space<hbm>> -> memref<128xi32, #tpu.memory_space<hbm>>
      %dma_start3A_359 = tpu.memref_slice %arg3[%add3A_357] : memref<640000xi32, #tpu.memory_space<hbm>> -> memref<128xi32, #tpu.memory_space<hbm>>
      tpu.enqueue_dma source(%dma_start3A_359 : memref<128xi32, #tpu.memory_space<hbm>>) target(%arg8 : memref<128xi32, #tpu.memory_space<vmem>>) target_semaphore(%arg17 : memref<!tpu.dma_semaphore, #tpu.memory_space<semaphore_mem>>)
      %add3A_360 = arith.constant 3 : i32
      %add3A_361 = arith.addi %add3A_222, %add3A_360 : i32
      %ge3A_362 = arith.constant 0 : i32
      %ge3A_363 = arith.cmpi sge, %while3A_219, %ge3A_362 : i32
      %add3A_364 = arith.constant 1 : i32
      %add3A_365 = arith.addi %add3A_361, %add3A_364 : i32
      %min3A_366 = arith.minsi %add3A_365, %sub3A_60 : i32
      %mul3A_367 = arith.constant 128 : i32
      %mul3A_368 = arith.muli %min3A_366, %mul3A_367 : i32
      %dma_wait3A_369 = tpu.memref_slice %arg3[%mul3A_368] : memref<640000xi32, #tpu.memory_space<hbm>> -> memref<128xi32, #tpu.memory_space<hbm>>
      %dma_wait3A_370 = tpu.memref_slice %arg3[%mul3A_368] : memref<640000xi32, #tpu.memory_space<hbm>> -> memref<128xi32, #tpu.memory_space<hbm>>
      tpu.wait_dma2 semaphore(%arg14 : memref<!tpu.dma_semaphore, #tpu.memory_space<semaphore_mem>>) src(%dma_wait3A_370 : memref<128xi32, #tpu.memory_space<hbm>>) dst(%arg5 : memref<128xi32, #tpu.memory_space<vmem>>)
      %add3A_371 = arith.constant 1 : i32
      %add3A_372 = arith.addi %add3A_361, %add3A_371 : i32
      %min3A_373 = arith.minsi %add3A_372, %sub3A_60 : i32
      %mul3A_374 = arith.constant 128 : i32
      %mul3A_375 = arith.muli %min3A_373, %mul3A_374 : i32
      %add3A_376 = arith.constant 320000 : i32
      %add3A_377 = arith.addi %add3A_376, %mul3A_375 : i32
      %dma_wait3A_378 = tpu.memref_slice %arg3[%add3A_377] : memref<640000xi32, #tpu.memory_space<hbm>> -> memref<128xi32, #tpu.memory_space<hbm>>
      %dma_wait3A_379 = tpu.memref_slice %arg3[%add3A_377] : memref<640000xi32, #tpu.memory_space<hbm>> -> memref<128xi32, #tpu.memory_space<hbm>>
      tpu.wait_dma2 semaphore(%arg16 : memref<!tpu.dma_semaphore, #tpu.memory_space<semaphore_mem>>) src(%dma_wait3A_379 : memref<128xi32, #tpu.memory_space<hbm>>) dst(%arg7 : memref<128xi32, #tpu.memory_space<vmem>>)
      %convert_element_type3A_380 = arith.extui %ge3A_363 : i1 to i32
      %cond3A_381 = arith.constant 0 : i32
      %cond3A_382 = arith.cmpi ne, %convert_element_type3A_380, %cond3A_381 : i32
      scf.if %cond3A_382 {
        %dma_wait3A_408 = arith.constant 0 : i32
        %dma_wait3A_409 = arith.constant 0 : i32
        %dma_wait3A_410 = tpu.memref_slice %arg13[%dma_wait3A_408, %dma_wait3A_409] : memref<10240x128xf32, #tpu.memory_space<vmem_shared>> -> memref<10240x128xf32, #tpu.memory_space<vmem_shared>>
        tpu.wait_indirect_dma semaphore(%arg22 : memref<!tpu.dma_semaphore, #tpu.memory_space<semaphore_mem>>) src(%arg11 : memref<128x128xf32, #tpu.memory_space<vmem>>) dst(%dma_wait3A_410 : memref<10240x128xf32, #tpu.memory_space<vmem_shared>>)
      } else {
      }
      %dma_start3A_383 = arith.constant 0 : i32
      %dma_start3A_384 = arith.constant 0 : i32
      %dma_start3A_385 = tpu.memref_slice %arg2[%dma_start3A_383, %dma_start3A_384] : memref<10000x128xf32, #tpu.memory_space<hbm>> -> memref<10000x128xf32, #tpu.memory_space<hbm>>
      tpu.enqueue_indirect_dma source(%dma_start3A_385 : memref<10000x128xf32, #tpu.memory_space<hbm>>) target(%arg11 : memref<128x128xf32, #tpu.memory_space<vmem>>) offsets(%arg5 : memref<128xi32, #tpu.memory_space<vmem>>) semaphore(%arg20 : memref<!tpu.dma_semaphore, #tpu.memory_space<semaphore_mem>>)
      %dma_wait3A_386 = arith.constant 0 : i32
      %dma_wait3A_387 = arith.constant 0 : i32
      %dma_wait3A_388 = tpu.memref_slice %arg2[%dma_wait3A_386, %dma_wait3A_387] : memref<10000x128xf32, #tpu.memory_space<hbm>> -> memref<10000x128xf32, #tpu.memory_space<hbm>>
      tpu.wait_indirect_dma semaphore(%arg21 : memref<!tpu.dma_semaphore, #tpu.memory_space<semaphore_mem>>) src(%dma_wait3A_388 : memref<10000x128xf32, #tpu.memory_space<hbm>>) dst(%arg12 : memref<128x128xf32, #tpu.memory_space<vmem>>)
      %dma_start3A_389 = arith.constant 0 : i32
      %dma_start3A_390 = arith.constant 0 : i32
      %dma_start3A_391 = tpu.memref_slice %arg13[%dma_start3A_389, %dma_start3A_390] : memref<10240x128xf32, #tpu.memory_space<vmem_shared>> -> memref<10240x128xf32, #tpu.memory_space<vmem_shared>>
      tpu.enqueue_indirect_dma source(%arg12 : memref<128x128xf32, #tpu.memory_space<vmem>>) target(%dma_start3A_391 : memref<10240x128xf32, #tpu.memory_space<vmem_shared>>) offsets(%arg10 : memref<128xi32, #tpu.memory_space<vmem>>) semaphore(%arg23 : memref<!tpu.dma_semaphore, #tpu.memory_space<semaphore_mem>>) {add = true}
      %add3A_392 = arith.constant 2 : i32
      %add3A_393 = arith.addi %add3A_361, %add3A_392 : i32
      %min3A_394 = arith.minsi %add3A_393, %sub3A_60 : i32
      %mul3A_395 = arith.constant 128 : i32
      %mul3A_396 = arith.muli %min3A_394, %mul3A_395 : i32
      %dma_start3A_397 = tpu.memref_slice %arg3[%mul3A_396] : memref<640000xi32, #tpu.memory_space<hbm>> -> memref<128xi32, #tpu.memory_space<hbm>>
      %dma_start3A_398 = tpu.memref_slice %arg3[%mul3A_396] : memref<640000xi32, #tpu.memory_space<hbm>> -> memref<128xi32, #tpu.memory_space<hbm>>
      tpu.enqueue_dma source(%dma_start3A_398 : memref<128xi32, #tpu.memory_space<hbm>>) target(%arg6 : memref<128xi32, #tpu.memory_space<vmem>>) target_semaphore(%arg15 : memref<!tpu.dma_semaphore, #tpu.memory_space<semaphore_mem>>)
      %add3A_399 = arith.constant 3 : i32
      %add3A_400 = arith.addi %add3A_361, %add3A_399 : i32
      %min3A_401 = arith.minsi %add3A_400, %sub3A_60 : i32
      %mul3A_402 = arith.constant 128 : i32
      %mul3A_403 = arith.muli %min3A_401, %mul3A_402 : i32
      %add3A_404 = arith.constant 320000 : i32
      %add3A_405 = arith.addi %add3A_404, %mul3A_403 : i32
      %dma_start3A_406 = tpu.memref_slice %arg3[%add3A_405] : memref<640000xi32, #tpu.memory_space<hbm>> -> memref<128xi32, #tpu.memory_space<hbm>>
      %dma_start3A_407 = tpu.memref_slice %arg3[%add3A_405] : memref<640000xi32, #tpu.memory_space<hbm>> -> memref<128xi32, #tpu.memory_space<hbm>>
      tpu.enqueue_dma source(%dma_start3A_407 : memref<128xi32, #tpu.memory_space<hbm>>) target(%arg9 : memref<128xi32, #tpu.memory_space<vmem>>) target_semaphore(%arg18 : memref<!tpu.dma_semaphore, #tpu.memory_space<semaphore_mem>>)
    }
    %while3A_191 = arith.constant 1 : i32
    scf.for %while3A_219 = %while3A_189 to %while3A_185 step %while3A_191  : i32 {
      %mul3A_220 = arith.constant 4 : i32
      %mul3A_221 = arith.muli %mul3A_220, %while3A_219 : i32
      %add3A_222 = arith.addi %mul3A_56, %mul3A_221 : i32
      %gt3A = arith.constant 0 : i32
      %gt3A_223 = arith.cmpi sgt, %while3A_219, %gt3A : i32
      %add3A_224 = arith.constant 1 : i32
      %add3A_225 = arith.addi %add3A_222, %add3A_224 : i32
      %min3A = arith.minsi %add3A_225, %sub3A_60 : i32
      %mul3A_226 = arith.constant 128 : i32
      %mul3A_227 = arith.muli %min3A, %mul3A_226 : i32
      %dma_wait3A_228 = tpu.memref_slice %arg3[%mul3A_227] : memref<640000xi32, #tpu.memory_space<hbm>> -> memref<128xi32, #tpu.memory_space<hbm>>
      %dma_wait3A_229 = tpu.memref_slice %arg3[%mul3A_227] : memref<640000xi32, #tpu.memory_space<hbm>> -> memref<128xi32, #tpu.memory_space<hbm>>
      tpu.wait_dma2 semaphore(%arg15 : memref<!tpu.dma_semaphore, #tpu.memory_space<semaphore_mem>>) src(%dma_wait3A_229 : memref<128xi32, #tpu.memory_space<hbm>>) dst(%arg6 : memref<128xi32, #tpu.memory_space<vmem>>)
      %add3A_230 = arith.constant 1 : i32
      %add3A_231 = arith.addi %add3A_222, %add3A_230 : i32
      %min3A_232 = arith.minsi %add3A_231, %sub3A_60 : i32
      %mul3A_233 = arith.constant 128 : i32
      %mul3A_234 = arith.muli %min3A_232, %mul3A_233 : i32
      %add3A_235 = arith.constant 320000 : i32
      %add3A_236 = arith.addi %add3A_235, %mul3A_234 : i32
      %dma_wait3A_237 = tpu.memref_slice %arg3[%add3A_236] : memref<640000xi32, #tpu.memory_space<hbm>> -> memref<128xi32, #tpu.memory_space<hbm>>
      %dma_wait3A_238 = tpu.memref_slice %arg3[%add3A_236] : memref<640000xi32, #tpu.memory_space<hbm>> -> memref<128xi32, #tpu.memory_space<hbm>>
      tpu.wait_dma2 semaphore(%arg17 : memref<!tpu.dma_semaphore, #tpu.memory_space<semaphore_mem>>) src(%dma_wait3A_238 : memref<128xi32, #tpu.memory_space<hbm>>) dst(%arg8 : memref<128xi32, #tpu.memory_space<vmem>>)
      %convert_element_type3A = arith.extui %gt3A_223 : i1 to i32
      %cond3A = arith.constant 0 : i32
      %cond3A_239 = arith.cmpi ne, %convert_element_type3A, %cond3A : i32
      scf.if %cond3A_239 {
        %dma_wait3A_408 = arith.constant 0 : i32
        %dma_wait3A_409 = arith.constant 0 : i32
        %dma_wait3A_410 = tpu.memref_slice %arg13[%dma_wait3A_408, %dma_wait3A_409] : memref<10240x128xf32, #tpu.memory_space<vmem_shared>> -> memref<10240x128xf32, #tpu.memory_space<vmem_shared>>
        tpu.wait_indirect_dma semaphore(%arg23 : memref<!tpu.dma_semaphore, #tpu.memory_space<semaphore_mem>>) src(%arg12 : memref<128x128xf32, #tpu.memory_space<vmem>>) dst(%dma_wait3A_410 : memref<10240x128xf32, #tpu.memory_space<vmem_shared>>)
      } else {
      }
      %dma_start3A_240 = arith.constant 0 : i32
      %dma_start3A_241 = arith.constant 0 : i32
      %dma_start3A_242 = tpu.memref_slice %arg2[%dma_start3A_240, %dma_start3A_241] : memref<10000x128xf32, #tpu.memory_space<hbm>> -> memref<10000x128xf32, #tpu.memory_space<hbm>>
      tpu.enqueue_indirect_dma source(%dma_start3A_242 : memref<10000x128xf32, #tpu.memory_space<hbm>>) target(%arg12 : memref<128x128xf32, #tpu.memory_space<vmem>>) offsets(%arg6 : memref<128xi32, #tpu.memory_space<vmem>>) semaphore(%arg21 : memref<!tpu.dma_semaphore, #tpu.memory_space<semaphore_mem>>)
      %dma_wait3A_243 = arith.constant 0 : i32
      %dma_wait3A_244 = arith.constant 0 : i32
      %dma_wait3A_245 = tpu.memref_slice %arg2[%dma_wait3A_243, %dma_wait3A_244] : memref<10000x128xf32, #tpu.memory_space<hbm>> -> memref<10000x128xf32, #tpu.memory_space<hbm>>
      tpu.wait_indirect_dma semaphore(%arg20 : memref<!tpu.dma_semaphore, #tpu.memory_space<semaphore_mem>>) src(%dma_wait3A_245 : memref<10000x128xf32, #tpu.memory_space<hbm>>) dst(%arg11 : memref<128x128xf32, #tpu.memory_space<vmem>>)
      %dma_start3A_246 = arith.constant 0 : i32
      %dma_start3A_247 = arith.constant 0 : i32
      %dma_start3A_248 = tpu.memref_slice %arg13[%dma_start3A_246, %dma_start3A_247] : memref<10240x128xf32, #tpu.memory_space<vmem_shared>> -> memref<10240x128xf32, #tpu.memory_space<vmem_shared>>
      tpu.enqueue_indirect_dma source(%arg11 : memref<128x128xf32, #tpu.memory_space<vmem>>) target(%dma_start3A_248 : memref<10240x128xf32, #tpu.memory_space<vmem_shared>>) offsets(%arg7 : memref<128xi32, #tpu.memory_space<vmem>>) semaphore(%arg22 : memref<!tpu.dma_semaphore, #tpu.memory_space<semaphore_mem>>) {add = true}
      %add3A_249 = arith.constant 2 : i32
      %add3A_250 = arith.addi %add3A_222, %add3A_249 : i32
      %min3A_251 = arith.minsi %add3A_250, %sub3A_60 : i32
      %mul3A_252 = arith.constant 128 : i32
      %mul3A_253 = arith.muli %min3A_251, %mul3A_252 : i32
      %dma_start3A_254 = tpu.memref_slice %arg3[%mul3A_253] : memref<640000xi32, #tpu.memory_space<hbm>> -> memref<128xi32, #tpu.memory_space<hbm>>
      %dma_start3A_255 = tpu.memref_slice %arg3[%mul3A_253] : memref<640000xi32, #tpu.memory_space<hbm>> -> memref<128xi32, #tpu.memory_space<hbm>>
      tpu.enqueue_dma source(%dma_start3A_255 : memref<128xi32, #tpu.memory_space<hbm>>) target(%arg5 : memref<128xi32, #tpu.memory_space<vmem>>) target_semaphore(%arg14 : memref<!tpu.dma_semaphore, #tpu.memory_space<semaphore_mem>>)
      %add3A_256 = arith.constant 3 : i32
      %add3A_257 = arith.addi %add3A_222, %add3A_256 : i32
      %min3A_258 = arith.minsi %add3A_257, %sub3A_60 : i32
      %mul3A_259 = arith.constant 128 : i32
      %mul3A_260 = arith.muli %min3A_258, %mul3A_259 : i32
      %add3A_261 = arith.constant 320000 : i32
      %add3A_262 = arith.addi %add3A_261, %mul3A_260 : i32
      %dma_start3A_263 = tpu.memref_slice %arg3[%add3A_262] : memref<640000xi32, #tpu.memory_space<hbm>> -> memref<128xi32, #tpu.memory_space<hbm>>
      %dma_start3A_264 = tpu.memref_slice %arg3[%add3A_262] : memref<640000xi32, #tpu.memory_space<hbm>> -> memref<128xi32, #tpu.memory_space<hbm>>
      tpu.enqueue_dma source(%dma_start3A_264 : memref<128xi32, #tpu.memory_space<hbm>>) target(%arg10 : memref<128xi32, #tpu.memory_space<vmem>>) target_semaphore(%arg19 : memref<!tpu.dma_semaphore, #tpu.memory_space<semaphore_mem>>)
      %add3A_265 = arith.constant 1 : i32
      %add3A_266 = arith.addi %add3A_222, %add3A_265 : i32
      %ge3A = arith.constant 0 : i32
      %ge3A_267 = arith.cmpi sge, %while3A_219, %ge3A : i32
      %add3A_268 = arith.constant 1 : i32
      %add3A_269 = arith.addi %add3A_266, %add3A_268 : i32
      %min3A_270 = arith.minsi %add3A_269, %sub3A_60 : i32
      %mul3A_271 = arith.constant 128 : i32
      %mul3A_272 = arith.muli %min3A_270, %mul3A_271 : i32
      %dma_wait3A_273 = tpu.memref_slice %arg3[%mul3A_272] : memref<640000xi32, #tpu.memory_space<hbm>> -> memref<128xi32, #tpu.memory_space<hbm>>
      %dma_wait3A_274 = tpu.memref_slice %arg3[%mul3A_272] : memref<640000xi32, #tpu.memory_space<hbm>> -> memref<128xi32, #tpu.memory_space<hbm>>
      tpu.wait_dma2 semaphore(%arg14 : memref<!tpu.dma_semaphore, #tpu.memory_space<semaphore_mem>>) src(%dma_wait3A_274 : memref<128xi32, #tpu.memory_space<hbm>>) dst(%arg5 : memref<128xi32, #tpu.memory_space<vmem>>)
      %add3A_275 = arith.constant 1 : i32
      %add3A_276 = arith.addi %add3A_266, %add3A_275 : i32
      %min3A_277 = arith.minsi %add3A_276, %sub3A_60 : i32
      %mul3A_278 = arith.constant 128 : i32
      %mul3A_279 = arith.muli %min3A_277, %mul3A_278 : i32
      %add3A_280 = arith.constant 320000 : i32
      %add3A_281 = arith.addi %add3A_280, %mul3A_279 : i32
      %dma_wait3A_282 = tpu.memref_slice %arg3[%add3A_281] : memref<640000xi32, #tpu.memory_space<hbm>> -> memref<128xi32, #tpu.memory_space<hbm>>
      %dma_wait3A_283 = tpu.memref_slice %arg3[%add3A_281] : memref<640000xi32, #tpu.memory_space<hbm>> -> memref<128xi32, #tpu.memory_space<hbm>>
      tpu.wait_dma2 semaphore(%arg18 : memref<!tpu.dma_semaphore, #tpu.memory_space<semaphore_mem>>) src(%dma_wait3A_283 : memref<128xi32, #tpu.memory_space<hbm>>) dst(%arg9 : memref<128xi32, #tpu.memory_space<vmem>>)
      %convert_element_type3A_284 = arith.extui %ge3A_267 : i1 to i32
      %cond3A_285 = arith.constant 0 : i32
      %cond3A_286 = arith.cmpi ne, %convert_element_type3A_284, %cond3A_285 : i32
      scf.if %cond3A_286 {
        %dma_wait3A_408 = arith.constant 0 : i32
        %dma_wait3A_409 = arith.constant 0 : i32
        %dma_wait3A_410 = tpu.memref_slice %arg13[%dma_wait3A_408, %dma_wait3A_409] : memref<10240x128xf32, #tpu.memory_space<vmem_shared>> -> memref<10240x128xf32, #tpu.memory_space<vmem_shared>>
        tpu.wait_indirect_dma semaphore(%arg22 : memref<!tpu.dma_semaphore, #tpu.memory_space<semaphore_mem>>) src(%arg11 : memref<128x128xf32, #tpu.memory_space<vmem>>) dst(%dma_wait3A_410 : memref<10240x128xf32, #tpu.memory_space<vmem_shared>>)
      } else {
      }
      %dma_start3A_287 = arith.constant 0 : i32
      %dma_start3A_288 = arith.constant 0 : i32
      %dma_start3A_289 = tpu.memref_slice %arg2[%dma_start3A_287, %dma_start3A_288] : memref<10000x128xf32, #tpu.memory_space<hbm>> -> memref<10000x128xf32, #tpu.memory_space<hbm>>
      tpu.enqueue_indirect_dma source(%dma_start3A_289 : memref<10000x128xf32, #tpu.memory_space<hbm>>) target(%arg11 : memref<128x128xf32, #tpu.memory_space<vmem>>) offsets(%arg5 : memref<128xi32, #tpu.memory_space<vmem>>) semaphore(%arg20 : memref<!tpu.dma_semaphore, #tpu.memory_space<semaphore_mem>>)
      %dma_wait3A_290 = arith.constant 0 : i32
      %dma_wait3A_291 = arith.constant 0 : i32
      %dma_wait3A_292 = tpu.memref_slice %arg2[%dma_wait3A_290, %dma_wait3A_291] : memref<10000x128xf32, #tpu.memory_space<hbm>> -> memref<10000x128xf32, #tpu.memory_space<hbm>>
      tpu.wait_indirect_dma semaphore(%arg21 : memref<!tpu.dma_semaphore, #tpu.memory_space<semaphore_mem>>) src(%dma_wait3A_292 : memref<10000x128xf32, #tpu.memory_space<hbm>>) dst(%arg12 : memref<128x128xf32, #tpu.memory_space<vmem>>)
      %dma_start3A_293 = arith.constant 0 : i32
      %dma_start3A_294 = arith.constant 0 : i32
      %dma_start3A_295 = tpu.memref_slice %arg13[%dma_start3A_293, %dma_start3A_294] : memref<10240x128xf32, #tpu.memory_space<vmem_shared>> -> memref<10240x128xf32, #tpu.memory_space<vmem_shared>>
      tpu.enqueue_indirect_dma source(%arg12 : memref<128x128xf32, #tpu.memory_space<vmem>>) target(%dma_start3A_295 : memref<10240x128xf32, #tpu.memory_space<vmem_shared>>) offsets(%arg8 : memref<128xi32, #tpu.memory_space<vmem>>) semaphore(%arg23 : memref<!tpu.dma_semaphore, #tpu.memory_space<semaphore_mem>>) {add = true}
      %add3A_296 = arith.constant 2 : i32
      %add3A_297 = arith.addi %add3A_266, %add3A_296 : i32
      %min3A_298 = arith.minsi %add3A_297, %sub3A_60 : i32
      %mul3A_299 = arith.constant 128 : i32
      %mul3A_300 = arith.muli %min3A_298, %mul3A_299 : i32
      %dma_start3A_301 = tpu.memref_slice %arg3[%mul3A_300] : memref<640000xi32, #tpu.memory_space<hbm>> -> memref<128xi32, #tpu.memory_space<hbm>>
      %dma_start3A_302 = tpu.memref_slice %arg3[%mul3A_300] : memref<640000xi32, #tpu.memory_space<hbm>> -> memref<128xi32, #tpu.memory_space<hbm>>
      tpu.enqueue_dma source(%dma_start3A_302 : memref<128xi32, #tpu.memory_space<hbm>>) target(%arg6 : memref<128xi32, #tpu.memory_space<vmem>>) target_semaphore(%arg15 : memref<!tpu.dma_semaphore, #tpu.memory_space<semaphore_mem>>)
      %add3A_303 = arith.constant 3 : i32
      %add3A_304 = arith.addi %add3A_266, %add3A_303 : i32
      %min3A_305 = arith.minsi %add3A_304, %sub3A_60 : i32
      %mul3A_306 = arith.constant 128 : i32
      %mul3A_307 = arith.muli %min3A_305, %mul3A_306 : i32
      %add3A_308 = arith.constant 320000 : i32
      %add3A_309 = arith.addi %add3A_308, %mul3A_307 : i32
      %dma_start3A_310 = tpu.memref_slice %arg3[%add3A_309] : memref<640000xi32, #tpu.memory_space<hbm>> -> memref<128xi32, #tpu.memory_space<hbm>>
      %dma_start3A_311 = tpu.memref_slice %arg3[%add3A_309] : memref<640000xi32, #tpu.memory_space<hbm>> -> memref<128xi32, #tpu.memory_space<hbm>>
      tpu.enqueue_dma source(%dma_start3A_311 : memref<128xi32, #tpu.memory_space<hbm>>) target(%arg7 : memref<128xi32, #tpu.memory_space<vmem>>) target_semaphore(%arg16 : memref<!tpu.dma_semaphore, #tpu.memory_space<semaphore_mem>>)
      %add3A_312 = arith.constant 2 : i32
      %add3A_313 = arith.addi %add3A_222, %add3A_312 : i32
      %ge3A_314 = arith.constant 0 : i32
      %ge3A_315 = arith.cmpi sge, %while3A_219, %ge3A_314 : i32
      %add3A_316 = arith.constant 1 : i32
      %add3A_317 = arith.addi %add3A_313, %add3A_316 : i32
      %min3A_318 = arith.minsi %add3A_317, %sub3A_60 : i32
      %mul3A_319 = arith.constant 128 : i32
      %mul3A_320 = arith.muli %min3A_318, %mul3A_319 : i32
      %dma_wait3A_321 = tpu.memref_slice %arg3[%mul3A_320] : memref<640000xi32, #tpu.memory_space<hbm>> -> memref<128xi32, #tpu.memory_space<hbm>>
      %dma_wait3A_322 = tpu.memref_slice %arg3[%mul3A_320] : memref<640000xi32, #tpu.memory_space<hbm>> -> memref<128xi32, #tpu.memory_space<hbm>>
      tpu.wait_dma2 semaphore(%arg15 : memref<!tpu.dma_semaphore, #tpu.memory_space<semaphore_mem>>) src(%dma_wait3A_322 : memref<128xi32, #tpu.memory_space<hbm>>) dst(%arg6 : memref<128xi32, #tpu.memory_space<vmem>>)
      %add3A_323 = arith.constant 1 : i32
      %add3A_324 = arith.addi %add3A_313, %add3A_323 : i32
      %min3A_325 = arith.minsi %add3A_324, %sub3A_60 : i32
      %mul3A_326 = arith.constant 128 : i32
      %mul3A_327 = arith.muli %min3A_325, %mul3A_326 : i32
      %add3A_328 = arith.constant 320000 : i32
      %add3A_329 = arith.addi %add3A_328, %mul3A_327 : i32
      %dma_wait3A_330 = tpu.memref_slice %arg3[%add3A_329] : memref<640000xi32, #tpu.memory_space<hbm>> -> memref<128xi32, #tpu.memory_space<hbm>>
      %dma_wait3A_331 = tpu.memref_slice %arg3[%add3A_329] : memref<640000xi32, #tpu.memory_space<hbm>> -> memref<128xi32, #tpu.memory_space<hbm>>
      tpu.wait_dma2 semaphore(%arg19 : memref<!tpu.dma_semaphore, #tpu.memory_space<semaphore_mem>>) src(%dma_wait3A_331 : memref<128xi32, #tpu.memory_space<hbm>>) dst(%arg10 : memref<128xi32, #tpu.memory_space<vmem>>)
      %convert_element_type3A_332 = arith.extui %ge3A_315 : i1 to i32
      %cond3A_333 = arith.constant 0 : i32
      %cond3A_334 = arith.cmpi ne, %convert_element_type3A_332, %cond3A_333 : i32
      scf.if %cond3A_334 {
        %dma_wait3A_408 = arith.constant 0 : i32
        %dma_wait3A_409 = arith.constant 0 : i32
        %dma_wait3A_410 = tpu.memref_slice %arg13[%dma_wait3A_408, %dma_wait3A_409] : memref<10240x128xf32, #tpu.memory_space<vmem_shared>> -> memref<10240x128xf32, #tpu.memory_space<vmem_shared>>
        tpu.wait_indirect_dma semaphore(%arg23 : memref<!tpu.dma_semaphore, #tpu.memory_space<semaphore_mem>>) src(%arg12 : memref<128x128xf32, #tpu.memory_space<vmem>>) dst(%dma_wait3A_410 : memref<10240x128xf32, #tpu.memory_space<vmem_shared>>)
      } else {
      }
      %dma_start3A_335 = arith.constant 0 : i32
      %dma_start3A_336 = arith.constant 0 : i32
      %dma_start3A_337 = tpu.memref_slice %arg2[%dma_start3A_335, %dma_start3A_336] : memref<10000x128xf32, #tpu.memory_space<hbm>> -> memref<10000x128xf32, #tpu.memory_space<hbm>>
      tpu.enqueue_indirect_dma source(%dma_start3A_337 : memref<10000x128xf32, #tpu.memory_space<hbm>>) target(%arg12 : memref<128x128xf32, #tpu.memory_space<vmem>>) offsets(%arg6 : memref<128xi32, #tpu.memory_space<vmem>>) semaphore(%arg21 : memref<!tpu.dma_semaphore, #tpu.memory_space<semaphore_mem>>)
      %dma_wait3A_338 = arith.constant 0 : i32
      %dma_wait3A_339 = arith.constant 0 : i32
      %dma_wait3A_340 = tpu.memref_slice %arg2[%dma_wait3A_338, %dma_wait3A_339] : memref<10000x128xf32, #tpu.memory_space<hbm>> -> memref<10000x128xf32, #tpu.memory_space<hbm>>
      tpu.wait_indirect_dma semaphore(%arg20 : memref<!tpu.dma_semaphore, #tpu.memory_space<semaphore_mem>>) src(%dma_wait3A_340 : memref<10000x128xf32, #tpu.memory_space<hbm>>) dst(%arg11 : memref<128x128xf32, #tpu.memory_space<vmem>>)
      %dma_start3A_341 = arith.constant 0 : i32
      %dma_start3A_342 = arith.constant 0 : i32
      %dma_start3A_343 = tpu.memref_slice %arg13[%dma_start3A_341, %dma_start3A_342] : memref<10240x128xf32, #tpu.memory_space<vmem_shared>> -> memref<10240x128xf32, #tpu.memory_space<vmem_shared>>
      tpu.enqueue_indirect_dma source(%arg11 : memref<128x128xf32, #tpu.memory_space<vmem>>) target(%dma_start3A_343 : memref<10240x128xf32, #tpu.memory_space<vmem_shared>>) offsets(%arg9 : memref<128xi32, #tpu.memory_space<vmem>>) semaphore(%arg22 : memref<!tpu.dma_semaphore, #tpu.memory_space<semaphore_mem>>) {add = true}
      %add3A_344 = arith.constant 2 : i32
      %add3A_345 = arith.addi %add3A_313, %add3A_344 : i32
      %min3A_346 = arith.minsi %add3A_345, %sub3A_60 : i32
      %mul3A_347 = arith.constant 128 : i32
      %mul3A_348 = arith.muli %min3A_346, %mul3A_347 : i32
      %dma_start3A_349 = tpu.memref_slice %arg3[%mul3A_348] : memref<640000xi32, #tpu.memory_space<hbm>> -> memref<128xi32, #tpu.memory_space<hbm>>
      %dma_start3A_350 = tpu.memref_slice %arg3[%mul3A_348] : memref<640000xi32, #tpu.memory_space<hbm>> -> memref<128xi32, #tpu.memory_space<hbm>>
      tpu.enqueue_dma source(%dma_start3A_350 : memref<128xi32, #tpu.memory_space<hbm>>) target(%arg5 : memref<128xi32, #tpu.memory_space<vmem>>) target_semaphore(%arg14 : memref<!tpu.dma_semaphore, #tpu.memory_space<semaphore_mem>>)
      %add3A_351 = arith.constant 3 : i32
      %add3A_352 = arith.addi %add3A_313, %add3A_351 : i32
      %min3A_353 = arith.minsi %add3A_352, %sub3A_60 : i32
      %mul3A_354 = arith.constant 128 : i32
      %mul3A_355 = arith.muli %min3A_353, %mul3A_354 : i32
      %add3A_356 = arith.constant 320000 : i32
      %add3A_357 = arith.addi %add3A_356, %mul3A_355 : i32
      %dma_start3A_358 = tpu.memref_slice %arg3[%add3A_357] : memref<640000xi32, #tpu.memory_space<hbm>> -> memref<128xi32, #tpu.memory_space<hbm>>
      %dma_start3A_359 = tpu.memref_slice %arg3[%add3A_357] : memref<640000xi32, #tpu.memory_space<hbm>> -> memref<128xi32, #tpu.memory_space<hbm>>
      tpu.enqueue_dma source(%dma_start3A_359 : memref<128xi32, #tpu.memory_space<hbm>>) target(%arg8 : memref<128xi32, #tpu.memory_space<vmem>>) target_semaphore(%arg17 : memref<!tpu.dma_semaphore, #tpu.memory_space<semaphore_mem>>)
      %add3A_360 = arith.constant 3 : i32
      %add3A_361 = arith.addi %add3A_222, %add3A_360 : i32
      %ge3A_362 = arith.constant 0 : i32
      %ge3A_363 = arith.cmpi sge, %while3A_219, %ge3A_362 : i32
      %add3A_364 = arith.constant 1 : i32
      %add3A_365 = arith.addi %add3A_361, %add3A_364 : i32
      %min3A_366 = arith.minsi %add3A_365, %sub3A_60 : i32
      %mul3A_367 = arith.constant 128 : i32
      %mul3A_368 = arith.muli %min3A_366, %mul3A_367 : i32
      %dma_wait3A_369 = tpu.memref_slice %arg3[%mul3A_368] : memref<640000xi32, #tpu.memory_space<hbm>> -> memref<128xi32, #tpu.memory_space<hbm>>
      %dma_wait3A_370 = tpu.memref_slice %arg3[%mul3A_368] : memref<640000xi32, #tpu.memory_space<hbm>> -> memref<128xi32, #tpu.memory_space<hbm>>
      tpu.wait_dma2 semaphore(%arg14 : memref<!tpu.dma_semaphore, #tpu.memory_space<semaphore_mem>>) src(%dma_wait3A_370 : memref<128xi32, #tpu.memory_space<hbm>>) dst(%arg5 : memref<128xi32, #tpu.memory_space<vmem>>)
      %add3A_371 = arith.constant 1 : i32
      %add3A_372 = arith.addi %add3A_361, %add3A_371 : i32
      %min3A_373 = arith.minsi %add3A_372, %sub3A_60 : i32
      %mul3A_374 = arith.constant 128 : i32
      %mul3A_375 = arith.muli %min3A_373, %mul3A_374 : i32
      %add3A_376 = arith.constant 320000 : i32
      %add3A_377 = arith.addi %add3A_376, %mul3A_375 : i32
      %dma_wait3A_378 = tpu.memref_slice %arg3[%add3A_377] : memref<640000xi32, #tpu.memory_space<hbm>> -> memref<128xi32, #tpu.memory_space<hbm>>
      %dma_wait3A_379 = tpu.memref_slice %arg3[%add3A_377] : memref<640000xi32, #tpu.memory_space<hbm>> -> memref<128xi32, #tpu.memory_space<hbm>>
      tpu.wait_dma2 semaphore(%arg16 : memref<!tpu.dma_semaphore, #tpu.memory_space<semaphore_mem>>) src(%dma_wait3A_379 : memref<128xi32, #tpu.memory_space<hbm>>) dst(%arg7 : memref<128xi32, #tpu.memory_space<vmem>>)
      %convert_element_type3A_380 = arith.extui %ge3A_363 : i1 to i32
      %cond3A_381 = arith.constant 0 : i32
      %cond3A_382 = arith.cmpi ne, %convert_element_type3A_380, %cond3A_381 : i32
      scf.if %cond3A_382 {
        %dma_wait3A_408 = arith.constant 0 : i32
        %dma_wait3A_409 = arith.constant 0 : i32
        %dma_wait3A_410 = tpu.memref_slice %arg13[%dma_wait3A_408, %dma_wait3A_409] : memref<10240x128xf32, #tpu.memory_space<vmem_shared>> -> memref<10240x128xf32, #tpu.memory_space<vmem_shared>>
        tpu.wait_indirect_dma semaphore(%arg22 : memref<!tpu.dma_semaphore, #tpu.memory_space<semaphore_mem>>) src(%arg11 : memref<128x128xf32, #tpu.memory_space<vmem>>) dst(%dma_wait3A_410 : memref<10240x128xf32, #tpu.memory_space<vmem_shared>>)
      } else {
      }
      %dma_start3A_383 = arith.constant 0 : i32
      %dma_start3A_384 = arith.constant 0 : i32
      %dma_start3A_385 = tpu.memref_slice %arg2[%dma_start3A_383, %dma_start3A_384] : memref<10000x128xf32, #tpu.memory_space<hbm>> -> memref<10000x128xf32, #tpu.memory_space<hbm>>
      tpu.enqueue_indirect_dma source(%dma_start3A_385 : memref<10000x128xf32, #tpu.memory_space<hbm>>) target(%arg11 : memref<128x128xf32, #tpu.memory_space<vmem>>) offsets(%arg5 : memref<128xi32, #tpu.memory_space<vmem>>) semaphore(%arg20 : memref<!tpu.dma_semaphore, #tpu.memory_space<semaphore_mem>>)
      %dma_wait3A_386 = arith.constant 0 : i32
      %dma_wait3A_387 = arith.constant 0 : i32
      %dma_wait3A_388 = tpu.memref_slice %arg2[%dma_wait3A_386, %dma_wait3A_387] : memref<10000x128xf32, #tpu.memory_space<hbm>> -> memref<10000x128xf32, #tpu.memory_space<hbm>>
      tpu.wait_indirect_dma semaphore(%arg21 : memref<!tpu.dma_semaphore, #tpu.memory_space<semaphore_mem>>) src(%dma_wait3A_388 : memref<10000x128xf32, #tpu.memory_space<hbm>>) dst(%arg12 : memref<128x128xf32, #tpu.memory_space<vmem>>)
      %dma_start3A_389 = arith.constant 0 : i32
      %dma_start3A_390 = arith.constant 0 : i32
      %dma_start3A_391 = tpu.memref_slice %arg13[%dma_start3A_389, %dma_start3A_390] : memref<10240x128xf32, #tpu.memory_space<vmem_shared>> -> memref<10240x128xf32, #tpu.memory_space<vmem_shared>>
      tpu.enqueue_indirect_dma source(%arg12 : memref<128x128xf32, #tpu.memory_space<vmem>>) target(%dma_start3A_391 : memref<10240x128xf32, #tpu.memory_space<vmem_shared>>) offsets(%arg10 : memref<128xi32, #tpu.memory_space<vmem>>) semaphore(%arg23 : memref<!tpu.dma_semaphore, #tpu.memory_space<semaphore_mem>>) {add = true}
      %add3A_392 = arith.constant 2 : i32
      %add3A_393 = arith.addi %add3A_361, %add3A_392 : i32
      %min3A_394 = arith.minsi %add3A_393, %sub3A_60 : i32
      %mul3A_395 = arith.constant 128 : i32
      %mul3A_396 = arith.muli %min3A_394, %mul3A_395 : i32
      %dma_start3A_397 = tpu.memref_slice %arg3[%mul3A_396] : memref<640000xi32, #tpu.memory_space<hbm>> -> memref<128xi32, #tpu.memory_space<hbm>>
      %dma_start3A_398 = tpu.memref_slice %arg3[%mul3A_396] : memref<640000xi32, #tpu.memory_space<hbm>> -> memref<128xi32, #tpu.memory_space<hbm>>
      tpu.enqueue_dma source(%dma_start3A_398 : memref<128xi32, #tpu.memory_space<hbm>>) target(%arg6 : memref<128xi32, #tpu.memory_space<vmem>>) target_semaphore(%arg15 : memref<!tpu.dma_semaphore, #tpu.memory_space<semaphore_mem>>)
      %add3A_399 = arith.constant 3 : i32
      %add3A_400 = arith.addi %add3A_361, %add3A_399 : i32
      %min3A_401 = arith.minsi %add3A_400, %sub3A_60 : i32
      %mul3A_402 = arith.constant 128 : i32
      %mul3A_403 = arith.muli %min3A_401, %mul3A_402 : i32
      %add3A_404 = arith.constant 320000 : i32
      %add3A_405 = arith.addi %add3A_404, %mul3A_403 : i32
      %dma_start3A_406 = tpu.memref_slice %arg3[%add3A_405] : memref<640000xi32, #tpu.memory_space<hbm>> -> memref<128xi32, #tpu.memory_space<hbm>>
      %dma_start3A_407 = tpu.memref_slice %arg3[%add3A_405] : memref<640000xi32, #tpu.memory_space<hbm>> -> memref<128xi32, #tpu.memory_space<hbm>>
      tpu.enqueue_dma source(%dma_start3A_407 : memref<128xi32, #tpu.memory_space<hbm>>) target(%arg9 : memref<128xi32, #tpu.memory_space<vmem>>) target_semaphore(%arg18 : memref<!tpu.dma_semaphore, #tpu.memory_space<semaphore_mem>>)
    }
    %dma_wait3A_192 = arith.constant 0 : i32
    %dma_wait3A_193 = arith.constant 0 : i32
    %dma_wait3A_194 = tpu.memref_slice %arg13[%dma_wait3A_192, %dma_wait3A_193] : memref<10240x128xf32, #tpu.memory_space<vmem_shared>> -> memref<10240x128xf32, #tpu.memory_space<vmem_shared>>
    tpu.wait_indirect_dma semaphore(%arg23 : memref<!tpu.dma_semaphore, #tpu.memory_space<semaphore_mem>>) src(%arg12 : memref<128x128xf32, #tpu.memory_space<vmem>>) dst(%dma_wait3A_194 : memref<10240x128xf32, #tpu.memory_space<vmem_shared>>)
    %dma_wait3A_195 = arith.constant 0 : i32
    %dma_wait3A_196 = arith.constant 0 : i32
    %dma_wait3A_197 = tpu.memref_slice %arg2[%dma_wait3A_195, %dma_wait3A_196] : memref<10000x128xf32, #tpu.memory_space<hbm>> -> memref<10000x128xf32, #tpu.memory_space<hbm>>
    tpu.wait_indirect_dma semaphore(%arg20 : memref<!tpu.dma_semaphore, #tpu.memory_space<semaphore_mem>>) src(%dma_wait3A_197 : memref<10000x128xf32, #tpu.memory_space<hbm>>) dst(%arg11 : memref<128x128xf32, #tpu.memory_space<vmem>>)
    %mul3A_198 = arith.constant 128 : i32
    %mul3A_199 = arith.muli %sub3A_60, %mul3A_198 : i32
    %dma_wait3A_200 = tpu.memref_slice %arg3[%mul3A_199] : memref<640000xi32, #tpu.memory_space<hbm>> -> memref<128xi32, #tpu.memory_space<hbm>>
    %dma_wait3A_201 = tpu.memref_slice %arg3[%mul3A_199] : memref<640000xi32, #tpu.memory_space<hbm>> -> memref<128xi32, #tpu.memory_space<hbm>>
    tpu.wait_dma2 semaphore(%arg15 : memref<!tpu.dma_semaphore, #tpu.memory_space<semaphore_mem>>) src(%dma_wait3A_201 : memref<128xi32, #tpu.memory_space<hbm>>) dst(%arg6 : memref<128xi32, #tpu.memory_space<vmem>>)
    %mul3A_202 = arith.constant 128 : i32
    %mul3A_203 = arith.muli %sub3A_60, %mul3A_202 : i32
    %add3A_204 = arith.constant 320000 : i32
    %add3A_205 = arith.addi %add3A_204, %mul3A_203 : i32
    %dma_wait3A_206 = tpu.memref_slice %arg3[%add3A_205] : memref<640000xi32, #tpu.memory_space<hbm>> -> memref<128xi32, #tpu.memory_space<hbm>>
    %dma_wait3A_207 = tpu.memref_slice %arg3[%add3A_205] : memref<640000xi32, #tpu.memory_space<hbm>> -> memref<128xi32, #tpu.memory_space<hbm>>
    tpu.wait_dma2 semaphore(%arg17 : memref<!tpu.dma_semaphore, #tpu.memory_space<semaphore_mem>>) src(%dma_wait3A_207 : memref<128xi32, #tpu.memory_space<hbm>>) dst(%arg8 : memref<128xi32, #tpu.memory_space<vmem>>)
    %mul3A_208 = arith.constant 128 : i32
    %mul3A_209 = arith.muli %sub3A_60, %mul3A_208 : i32
    %add3A_210 = arith.constant 320000 : i32
    %add3A_211 = arith.addi %add3A_210, %mul3A_209 : i32
    %dma_wait3A_212 = tpu.memref_slice %arg3[%add3A_211] : memref<640000xi32, #tpu.memory_space<hbm>> -> memref<128xi32, #tpu.memory_space<hbm>>
    %dma_wait3A_213 = tpu.memref_slice %arg3[%add3A_211] : memref<640000xi32, #tpu.memory_space<hbm>> -> memref<128xi32, #tpu.memory_space<hbm>>
    tpu.wait_dma2 semaphore(%arg18 : memref<!tpu.dma_semaphore, #tpu.memory_space<semaphore_mem>>) src(%dma_wait3A_213 : memref<128xi32, #tpu.memory_space<hbm>>) dst(%arg9 : memref<128xi32, #tpu.memory_space<vmem>>)
    %barrier3A_214 = arith.constant 0 : index
    tpu.barrier barrier_id(%barrier3A_214)
    %mul3A_215 = arith.constant 640 : i32
    %mul3A_216 = arith.muli %arg1, %mul3A_215 : i32
    %mul3A_217 = arith.constant 640 : i32
    %mul3A_218 = arith.muli %arg1, %mul3A_217 : i32
    "tpu.region"() ({
      %run_scoped3A = tpu.sem_alloc : memref<!tpu.dma_semaphore, #tpu.memory_space<semaphore_mem>>
      %dma_start3A_219 = arith.constant 0 : i32
      %dma_start3A_220 = tpu.memref_slice %arg4[%arg0, %mul3A_218, %dma_start3A_219] : memref<2x10240x128xf32, #tpu.memory_space<hbm>> -> memref<1x640x128xf32, #tpu.memory_space<hbm>>
      %dma_start3A_221 = tpu.memref_squeeze %dma_start3A_220 : memref<1x640x128xf32, #tpu.memory_space<hbm>> -> memref<640x128xf32, #tpu.memory_space<hbm>>
      %dma_start3A_222 = arith.constant 0 : i32
      %dma_start3A_223 = tpu.memref_slice %arg13[%mul3A_216, %dma_start3A_222] : memref<10240x128xf32, #tpu.memory_space<vmem_shared>> -> memref<640x128xf32, #tpu.memory_space<vmem_shared>>
      tpu.enqueue_dma source(%dma_start3A_223 : memref<640x128xf32, #tpu.memory_space<vmem_shared>>) target(%dma_start3A_221 : memref<640x128xf32, #tpu.memory_space<hbm>>) target_semaphore(%run_scoped3A : memref<!tpu.dma_semaphore, #tpu.memory_space<semaphore_mem>>)
      %dma_wait3A_224 = arith.constant 0 : i32
      %dma_wait3A_225 = tpu.memref_slice %arg4[%arg0, %mul3A_218, %dma_wait3A_224] : memref<2x10240x128xf32, #tpu.memory_space<hbm>> -> memref<1x640x128xf32, #tpu.memory_space<hbm>>
      %dma_wait3A_226 = tpu.memref_squeeze %dma_wait3A_225 : memref<1x640x128xf32, #tpu.memory_space<hbm>> -> memref<640x128xf32, #tpu.memory_space<hbm>>
      %dma_wait3A_227 = arith.constant 0 : i32
      %dma_wait3A_228 = tpu.memref_slice %arg13[%mul3A_216, %dma_wait3A_227] : memref<10240x128xf32, #tpu.memory_space<vmem_shared>> -> memref<640x128xf32, #tpu.memory_space<vmem_shared>>
      tpu.wait_dma2 semaphore(%run_scoped3A : memref<!tpu.dma_semaphore, #tpu.memory_space<semaphore_mem>>) src(%dma_wait3A_228 : memref<640x128xf32, #tpu.memory_space<vmem_shared>>) dst(%dma_wait3A_226 : memref<640x128xf32, #tpu.memory_space<hbm>>)
      tpu.yield
    }) : () -> ()
    return
  }
}

module attributes {stable_mosaic.version = 14 : i64} {
  func.func @_dinv_body(%arg0: i32, %arg1: memref<32x10240xf32, #tpu.memory_space<vmem>>, %arg2: memref<10240x1xf32, #tpu.memory_space<vmem>>) attributes {dimension_semantics = [#tpu.dimension_semantics<arbitrary>], iteration_bounds = array<i64: 1>, scalar_prefetch = 0 : i64, scratch_operands = 0 : i64, tpu.core_type = #tpu.core_type<tc>, window_params = [{pipeline_mode = #tpu.pipeline_mode<synchronous>, transform_indices = @transform_0, window_bounds = array<i64: 32, 10240>}, {pipeline_mode = #tpu.pipeline_mode<synchronous>, transform_indices = @transform_1, window_bounds = array<i64: 10240, 1>}]} {
    %get3A = arith.constant 0 : index
    %get3A_0 = arith.constant 0 : index
    %get3A_1 = vector.load %arg1[%get3A, %get3A_0] : memref<32x10240xf32, #tpu.memory_space<vmem>>, vector<32x10240xf32>
    %reduce_sum3A = arith.constant dense<0.000000e+00> : vector<10240xf32>
    %reduce_sum3A_2 = vector.multi_reduction <add>, %get3A_1, %reduce_sum3A [0] : vector<32x10240xf32> to vector<10240xf32>
    %add3A = arith.constant 1.000000e+00 : f32
    %add3A_3 = vector.broadcast %add3A : f32 to vector<10240xf32>
    %add3A_4 = arith.addf %reduce_sum3A_2, %add3A_3 : vector<10240xf32>
    %rsqrt3A = math.rsqrt %add3A_4 : vector<10240xf32>
    %reshape3A = vector.shape_cast %rsqrt3A : vector<10240xf32> to vector<10240x1xf32>
    %swap3A = arith.constant 0 : index
    %swap3A_5 = arith.constant 0 : index
    %swap3A_6 = vector.load %arg2[%swap3A, %swap3A_5] : memref<10240x1xf32, #tpu.memory_space<vmem>>, vector<10240x1xf32>
    tpu.vector_store %arg2[%swap3A, %swap3A_5], %reshape3A {strides = array<i32>} : memref<10240x1xf32, #tpu.memory_space<vmem>>, vector<10240x1xf32>,
    return
  }
  func.func @transform_0(%arg0: i32) -> (i32, i32) {
    %c0_i32 = arith.constant 0 : i32
    %c0_i32_0 = arith.constant 0 : i32
    %c0_i32_1 = arith.constant 0 : i32
    return %c0_i32, %c0_i32_0 : i32, i32
  }
  func.func @transform_1(%arg0: i32) -> (i32, i32) {
    %c0_i32 = arith.constant 0 : i32
    %c0_i32_0 = arith.constant 0 : i32
    %c0_i32_1 = arith.constant 0 : i32
    return %c0_i32, %c0_i32_0 : i32, i32
  }
}

module attributes {stable_mosaic.version = 14 : i64} {
  func.func @_mm1_body(%arg0: i32, %arg1: memref<2000x128xf32, #tpu.memory_space<vmem>>, %arg2: memref<128x128xf32, #tpu.memory_space<vmem>>, %arg3: memref<2000x1xf32, #tpu.memory_space<vmem>>, %arg4: memref<2000x128xf32, #tpu.memory_space<vmem>>) attributes {dimension_semantics = [#tpu.dimension_semantics<arbitrary>], iteration_bounds = array<i64: 5>, scalar_prefetch = 0 : i64, scratch_operands = 0 : i64, tpu.core_type = #tpu.core_type<tc>, window_params = [{transform_indices = @transform_0, window_bounds = array<i64: 2000, 128>}, {pipeline_mode = #tpu.pipeline_mode<synchronous>, transform_indices = @transform_1, window_bounds = array<i64: 128, 128>}, {transform_indices = @transform_2, window_bounds = array<i64: 2000, 1>}, {transform_indices = @transform_3, window_bounds = array<i64: 2000, 128>}]} {
    %get3A = arith.constant 0 : index
    %get3A_0 = arith.constant 0 : index
    %get3A_1 = vector.load %arg1[%get3A, %get3A_0] : memref<2000x128xf32, #tpu.memory_space<vmem>>, vector<2000x128xf32>
    %get3A_2 = arith.constant 0 : index
    %get3A_3 = arith.constant 0 : index
    %get3A_4 = vector.load %arg2[%get3A_2, %get3A_3] : memref<128x128xf32, #tpu.memory_space<vmem>>, vector<128x128xf32>
    %dot_general3A = arith.constant dense<0.000000e+00> : vector<2000x128xf32>
    %dot_general3A_5 = tpu.matmul %get3A_1, %get3A_4, %dot_general3A {dimension_numbers = #tpu.dot_dimension_numbers<[1], [0], [0], [1], [0, 0, 1, 1], [], []>, precision = #tpu.contract_precision<fp32>, transpose_lhs_hint = false} : vector<2000x128xf32>, vector<128x128xf32>, vector<2000x128xf32> -> vector<2000x128xf32>
    %get3A_6 = arith.constant 0 : index
    %get3A_7 = arith.constant 0 : index
    %get3A_8 = vector.load %arg3[%get3A_6, %get3A_7] : memref<2000x1xf32, #tpu.memory_space<vmem>>, vector<2000x1xf32>
    %mul3A = vector.broadcast %get3A_8 : vector<2000x1xf32> to vector<2000x128xf32>
    %mul3A_9 = arith.mulf %dot_general3A_5, %mul3A : vector<2000x128xf32>
    %swap3A = arith.constant 0 : index
    %swap3A_10 = arith.constant 0 : index
    %swap3A_11 = vector.load %arg4[%swap3A, %swap3A_10] : memref<2000x128xf32, #tpu.memory_space<vmem>>, vector<2000x128xf32>
    tpu.vector_store %arg4[%swap3A, %swap3A_10], %mul3A_9 {strides = array<i32>} : memref<2000x128xf32, #tpu.memory_space<vmem>>, vector<2000x128xf32>,
    return
  }
  func.func @transform_0(%arg0: i32) -> (i32, i32) {
    %c0_i32 = arith.constant 0 : i32
    %c0_i32_0 = arith.constant 0 : i32
    return %arg0, %c0_i32 : i32, i32
  }
  func.func @transform_1(%arg0: i32) -> (i32, i32) {
    %c0_i32 = arith.constant 0 : i32
    %c0_i32_0 = arith.constant 0 : i32
    %c0_i32_1 = arith.constant 0 : i32
    return %c0_i32, %c0_i32_0 : i32, i32
  }
  func.func @transform_2(%arg0: i32) -> (i32, i32) {
    %c0_i32 = arith.constant 0 : i32
    %c0_i32_0 = arith.constant 0 : i32
    return %arg0, %c0_i32 : i32, i32
  }
  func.func @transform_3(%arg0: i32) -> (i32, i32) {
    %c0_i32 = arith.constant 0 : i32
    %c0_i32_0 = arith.constant 0 : i32
    return %arg0, %c0_i32 : i32, i32
  }
}

module attributes {stable_mosaic.version = 14 : i64} {
  func.func @_mm2_body(%arg0: i32, %arg1: memref<2x2000x128xf32, #tpu.memory_space<vmem>>, %arg2: memref<2000x128xf32, #tpu.memory_space<vmem>>, %arg3: memref<2000x1xf32, #tpu.memory_space<vmem>>, %arg4: memref<1x128xf32, #tpu.memory_space<vmem>>, %arg5: memref<128x128xf32, #tpu.memory_space<vmem>>, %arg6: memref<2000x128xf32, #tpu.memory_space<vmem>>) attributes {dimension_semantics = [#tpu.dimension_semantics<arbitrary>], iteration_bounds = array<i64: 5>, scalar_prefetch = 0 : i64, scratch_operands = 0 : i64, tpu.core_type = #tpu.core_type<tc>, window_params = [{transform_indices = @transform_0, window_bounds = array<i64: 2, 2000, 128>}, {transform_indices = @transform_1, window_bounds = array<i64: 2000, 128>}, {transform_indices = @transform_2, window_bounds = array<i64: 2000, 1>}, {pipeline_mode = #tpu.pipeline_mode<synchronous>, transform_indices = @transform_3, window_bounds = array<i64: 1, 128>}, {pipeline_mode = #tpu.pipeline_mode<synchronous>, transform_indices = @transform_4, window_bounds = array<i64: 128, 128>}, {transform_indices = @transform_5, window_bounds = array<i64: 2000, 128>}]} {
    %get3A = arith.constant 0 : index
    %get3A_0 = arith.constant 0 : index
    %get3A_1 = arith.constant 0 : index
    %get3A_2 = vector.load %arg1[%get3A, %get3A_0, %get3A_1] : memref<2x2000x128xf32, #tpu.memory_space<vmem>>, vector<2x2000x128xf32>
    %get3A_3 = arith.constant 0 : index
    %get3A_4 = arith.constant 0 : index
    %get3A_5 = vector.load %arg3[%get3A_3, %get3A_4] : memref<2000x1xf32, #tpu.memory_space<vmem>>, vector<2000x1xf32>
    %slice3A = vector.extract_strided_slice %get3A_2 {offsets = [0, 0, 0], sizes = [1, 2000, 128], strides = [1, 1, 1]} : vector<2x2000x128xf32> to vector<1x2000x128xf32>
    %squeeze3A = vector.shape_cast %slice3A : vector<1x2000x128xf32> to vector<2000x128xf32>
    %slice3A_6 = vector.extract_strided_slice %get3A_2 {offsets = [1, 0, 0], sizes = [1, 2000, 128], strides = [1, 1, 1]} : vector<2x2000x128xf32> to vector<1x2000x128xf32>
    %squeeze3A_7 = vector.shape_cast %slice3A_6 : vector<1x2000x128xf32> to vector<2000x128xf32>
    %add3A = arith.addf %squeeze3A, %squeeze3A_7 : vector<2000x128xf32>
    %get3A_8 = arith.constant 0 : index
    %get3A_9 = arith.constant 0 : index
    %get3A_10 = vector.load %arg2[%get3A_8, %get3A_9] : memref<2000x128xf32, #tpu.memory_space<vmem>>, vector<2000x128xf32>
    %add3A_11 = arith.addf %add3A, %get3A_10 : vector<2000x128xf32>
    %mul3A = vector.broadcast %get3A_5 : vector<2000x1xf32> to vector<2000x128xf32>
    %mul3A_12 = arith.mulf %mul3A, %add3A_11 : vector<2000x128xf32>
    %get3A_13 = arith.constant 0 : index
    %get3A_14 = arith.constant 0 : index
    %get3A_15 = vector.load %arg4[%get3A_13, %get3A_14] : memref<1x128xf32, #tpu.memory_space<vmem>>, vector<1x128xf32>
    %add3A_16 = vector.broadcast %get3A_15 : vector<1x128xf32> to vector<2000x128xf32>
    %add3A_17 = arith.addf %mul3A_12, %add3A_16 : vector<2000x128xf32>
    %max3A = arith.constant 0.000000e+00 : f32
    %max3A_18 = vector.broadcast %max3A : f32 to vector<2000x128xf32>
    %max3A_19 = arith.maximumf %add3A_17, %max3A_18 : vector<2000x128xf32>
    %get3A_20 = arith.constant 0 : index
    %get3A_21 = arith.constant 0 : index
    %get3A_22 = vector.load %arg5[%get3A_20, %get3A_21] : memref<128x128xf32, #tpu.memory_space<vmem>>, vector<128x128xf32>
    %dot_general3A = arith.constant dense<0.000000e+00> : vector<2000x128xf32>
    %dot_general3A_23 = tpu.matmul %max3A_19, %get3A_22, %dot_general3A {dimension_numbers = #tpu.dot_dimension_numbers<[1], [0], [0], [1], [0, 0, 1, 1], [], []>, precision = #tpu.contract_precision<fp32>, transpose_lhs_hint = false} : vector<2000x128xf32>, vector<128x128xf32>, vector<2000x128xf32> -> vector<2000x128xf32>
    %mul3A_24 = vector.broadcast %get3A_5 : vector<2000x1xf32> to vector<2000x128xf32>
    %mul3A_25 = arith.mulf %dot_general3A_23, %mul3A_24 : vector<2000x128xf32>
    %swap3A = arith.constant 0 : index
    %swap3A_26 = arith.constant 0 : index
    %swap3A_27 = vector.load %arg6[%swap3A, %swap3A_26] : memref<2000x128xf32, #tpu.memory_space<vmem>>, vector<2000x128xf32>
    tpu.vector_store %arg6[%swap3A, %swap3A_26], %mul3A_25 {strides = array<i32>} : memref<2000x128xf32, #tpu.memory_space<vmem>>, vector<2000x128xf32>,
    return
  }
  func.func @transform_0(%arg0: i32) -> (i32, i32, i32) {
    %c0_i32 = arith.constant 0 : i32
    %c0_i32_0 = arith.constant 0 : i32
    %c0_i32_1 = arith.constant 0 : i32
    return %c0_i32, %arg0, %c0_i32_0 : i32, i32, i32
  }
  func.func @transform_1(%arg0: i32) -> (i32, i32) {
    %c0_i32 = arith.constant 0 : i32
    %c0_i32_0 = arith.constant 0 : i32
    return %arg0, %c0_i32 : i32, i32
  }
  func.func @transform_2(%arg0: i32) -> (i32, i32) {
    %c0_i32 = arith.constant 0 : i32
    %c0_i32_0 = arith.constant 0 : i32
    return %arg0, %c0_i32 : i32, i32
  }
  func.func @transform_3(%arg0: i32) -> (i32, i32) {
    %c0_i32 = arith.constant 0 : i32
    %c0_i32_0 = arith.constant 0 : i32
    %c0_i32_1 = arith.constant 0 : i32
    return %c0_i32, %c0_i32_0 : i32, i32
  }
  func.func @transform_4(%arg0: i32) -> (i32, i32) {
    %c0_i32 = arith.constant 0 : i32
    %c0_i32_0 = arith.constant 0 : i32
    %c0_i32_1 = arith.constant 0 : i32
    return %c0_i32, %c0_i32_0 : i32, i32
  }
  func.func @transform_5(%arg0: i32) -> (i32, i32) {
    %c0_i32 = arith.constant 0 : i32
    %c0_i32_0 = arith.constant 0 : i32
    return %arg0, %c0_i32 : i32, i32
  }
}

module attributes {stable_mosaic.version = 14 : i64} {
  func.func @_out_body(%arg0: i32, %arg1: memref<2x2000x128xf32, #tpu.memory_space<vmem>>, %arg2: memref<2000x128xf32, #tpu.memory_space<vmem>>, %arg3: memref<2000x1xf32, #tpu.memory_space<vmem>>, %arg4: memref<1x128xf32, #tpu.memory_space<vmem>>, %arg5: memref<2000x128xf32, #tpu.memory_space<vmem>>) attributes {dimension_semantics = [#tpu.dimension_semantics<arbitrary>], iteration_bounds = array<i64: 5>, scalar_prefetch = 0 : i64, scratch_operands = 0 : i64, tpu.core_type = #tpu.core_type<tc>, window_params = [{transform_indices = @transform_0, window_bounds = array<i64: 2, 2000, 128>}, {transform_indices = @transform_1, window_bounds = array<i64: 2000, 128>}, {transform_indices = @transform_2, window_bounds = array<i64: 2000, 1>}, {pipeline_mode = #tpu.pipeline_mode<synchronous>, transform_indices = @transform_3, window_bounds = array<i64: 1, 128>}, {transform_indices = @transform_4, window_bounds = array<i64: 2000, 128>}]} {
    %get3A = arith.constant 0 : index
    %get3A_0 = arith.constant 0 : index
    %get3A_1 = arith.constant 0 : index
    %get3A_2 = vector.load %arg1[%get3A, %get3A_0, %get3A_1] : memref<2x2000x128xf32, #tpu.memory_space<vmem>>, vector<2x2000x128xf32>
    %get3A_3 = arith.constant 0 : index
    %get3A_4 = arith.constant 0 : index
    %get3A_5 = vector.load %arg3[%get3A_3, %get3A_4] : memref<2000x1xf32, #tpu.memory_space<vmem>>, vector<2000x1xf32>
    %slice3A = vector.extract_strided_slice %get3A_2 {offsets = [0, 0, 0], sizes = [1, 2000, 128], strides = [1, 1, 1]} : vector<2x2000x128xf32> to vector<1x2000x128xf32>
    %squeeze3A = vector.shape_cast %slice3A : vector<1x2000x128xf32> to vector<2000x128xf32>
    %slice3A_6 = vector.extract_strided_slice %get3A_2 {offsets = [1, 0, 0], sizes = [1, 2000, 128], strides = [1, 1, 1]} : vector<2x2000x128xf32> to vector<1x2000x128xf32>
    %squeeze3A_7 = vector.shape_cast %slice3A_6 : vector<1x2000x128xf32> to vector<2000x128xf32>
    %add3A = arith.addf %squeeze3A, %squeeze3A_7 : vector<2000x128xf32>
    %get3A_8 = arith.constant 0 : index
    %get3A_9 = arith.constant 0 : index
    %get3A_10 = vector.load %arg2[%get3A_8, %get3A_9] : memref<2000x128xf32, #tpu.memory_space<vmem>>, vector<2000x128xf32>
    %add3A_11 = arith.addf %add3A, %get3A_10 : vector<2000x128xf32>
    %mul3A = vector.broadcast %get3A_5 : vector<2000x1xf32> to vector<2000x128xf32>
    %mul3A_12 = arith.mulf %mul3A, %add3A_11 : vector<2000x128xf32>
    %get3A_13 = arith.constant 0 : index
    %get3A_14 = arith.constant 0 : index
    %get3A_15 = vector.load %arg4[%get3A_13, %get3A_14] : memref<1x128xf32, #tpu.memory_space<vmem>>, vector<1x128xf32>
    %add3A_16 = vector.broadcast %get3A_15 : vector<1x128xf32> to vector<2000x128xf32>
    %add3A_17 = arith.addf %mul3A_12, %add3A_16 : vector<2000x128xf32>
    %swap3A = arith.constant 0 : index
    %swap3A_18 = arith.constant 0 : index
    %swap3A_19 = vector.load %arg5[%swap3A, %swap3A_18] : memref<2000x128xf32, #tpu.memory_space<vmem>>, vector<2000x128xf32>
    tpu.vector_store %arg5[%swap3A, %swap3A_18], %add3A_17 {strides = array<i32>} : memref<2000x128xf32, #tpu.memory_space<vmem>>, vector<2000x128xf32>,
    return
  }
  func.func @transform_0(%arg0: i32) -> (i32, i32, i32) {
    %c0_i32 = arith.constant 0 : i32
    %c0_i32_0 = arith.constant 0 : i32
    %c0_i32_1 = arith.constant 0 : i32
    return %c0_i32, %arg0, %c0_i32_0 : i32, i32, i32
  }
  func.func @transform_1(%arg0: i32) -> (i32, i32) {
    %c0_i32 = arith.constant 0 : i32
    %c0_i32_0 = arith.constant 0 : i32
    return %arg0, %c0_i32 : i32, i32
  }
  func.func @transform_2(%arg0: i32) -> (i32, i32) {
    %c0_i32 = arith.constant 0 : i32
    %c0_i32_0 = arith.constant 0 : i32
    return %arg0, %c0_i32 : i32, i32
  }
  func.func @transform_3(%arg0: i32) -> (i32, i32) {
    %c0_i32 = arith.constant 0 : i32
    %c0_i32_0 = arith.constant 0 : i32
    %c0_i32_1 = arith.constant 0 : i32
    return %c0_i32, %c0_i32_0 : i32, i32
  }
  func.func @transform_4(%arg0: i32) -> (i32, i32) {
    %c0_i32 = arith.constant 0 : i32
    %c0_i32_0 = arith.constant 0 : i32
    return %arg0, %c0_i32 : i32, i32
  }
}

</mosaic_0001>

<sc_bundles>
// kernel: kernel.12.cloned.1.call-start
scs
__scs_entry_jumppad:
0x0: {  	(pc) =	sbr.rel $0x88, $3  }
0x1: {  	(tag) =	ssettag $0x0;
	lr =	simm.s32 $0x1  }
0x2: {  	[smem:$0x3F9B] =	sst lr;
	_ =	strace $0xD0000000  }
0x3: {  	_ = 	snop  }
0x4: {  	_ = 	snop  }
0x5: {  	_ = 	snop  }
0x6: {  	_ = 	snop  }
0x7: {  	_ = 	snop  }
__scs_overlays_trampoline_lowered:
0x8: {  	[smem:$0x3FAA] =	sst s0  }
0x9: {  	[smem:$0x3FAB] =	sst s1  }
0xa: {  	[smem:$0x3FAC] =	sst s2  }
0xb: {  	[smem:$0x3FAD] =	sst s3  }
0xc: {  	[smem:$0x3FAE] =	sst s4  }
0xd: {  	[smem:$0x3FAF] =	sst s5  }
0xe: {  	[smem:$0x3FB0] =	sst s6  }
0xf: {  	[smem:$0x3FB1] =	sst s7  }
0x10: {  	[smem:$0x3FB2] =	sst s8  }
0x11: {  	[smem:$0x3FB3] =	sst s9;
	s0 =	simm.s32 @!p0 $0x0  }
0x12: {  	s1 =	sld [smem:$0x3F99];
	s0 =	simm.s32 @p0 $0x1  }
0x13: {  	[smem:$0x3FB4] =	sst s0;
	s0 =	simm.s32 @!p1 $0x0  }
0x14: {  	s2 =	sld [smem:$0x3F98];
	s0 =	simm.s32 @p1 $0x1  }
0x15: {  	[smem:$0x3FB5] =	sst s0;
	s0 =	simm.s32 @!p2 $0x0  }
0x16: {  	s3 =	sld [smem:$0x3FDB];
	s0 =	simm.s32 @p2 $0x1  }
0x17: {  	s4 =	simm.s32 $0x1BF5;
	[smem:$0x3FB7] =	sst s0  }
0x18: {  	s0 =	sld [smem:$0x3F9A];
	_ =	swait.ge [sflag:s4], $0x0  }
0x19: {  	s7 =	sld [smem:$0x3F9B]  }
0x1a: {  	s8 =	sadd.s32 $0xFFFFE003, lr  }
0x1b: {  	s9 =	sadd.s32 $0xFFFFFEF7, lr;
	s5 =	simm.s32 $0xFFFFFFFF;
	p2 =	slt.u32 s8, $0xFFFFF086  }
0x1c: {  	p1 =	slt.u32 s9, $0xF7A;
	s5 =	simm.s32 @!p2 $0x0  }
0x1d: {  	s5 =	simm.s32 @p1 $0x1;
	p0 =	seq.s32 s7, s2  }
0x1e: {  	s7 =	smul.u32 @!p0 $0xF7A, s2;
	p2 =	seq.s32 @!p0 s5, $0x0  }
0x1f: {  	s9 =	smul.u32 $0xF7A, s1;
	s8 =	simm.s32 @!p0 $0x1BF5;
	p2 =	por !p2, p0  }
0x20: {  	[sflag:s8] =	ssyncset.s32 @!p0 $0xFFFFF086;
	s6 =	sadd.s32 @!p0 s3, s7;
	s7 =	simm.s32 @!p0 $0x108  }
0x21: {  	s3 =	sadd.s32 s3, s9;
	s6 =	sadd.s32 @!p0 $0x88, s6;
	s7 =	simm.s32 @p2 $0x1082  }
0x22: {  	[simem:s7], [sflag:s8] =	dma.local @!p0 [hbm:s6], $0xF7A  }
0x23: {  	s9 =	sor.u32 $0xD0000000, s2;
	s6 =	simm.s32 $0x108;
	_ =	swait.ge @!p0 [sflag:s8], $0x0  }
0x24: {  	s3 =	sadd.s32 $0x88, s3;
	s6 =	simm.s32 @!p1 $0x1082;
	[sflag:s4] =	ssyncset.s32 $0xFFFFF086  }
0x25: {  	[simem:s6], [sflag:s4] =	dma.local [hbm:s3], $0xF7A  }
0x26: {  	[smem:$0x3F9B] =	sst s1;
	(tag) =	ssettag s2;
	_ =	strace s9  }
0x27: {  	s1 =	sld [smem:$0x3FAB]  }
0x28: {  	s2 =	sld [smem:$0x3FAC]  }
0x29: {  	s4 =	sld [smem:$0x3FAE]  }
0x2a: {  	p0 =	seq.s32 s5, $0x0;
	s5 =	sld [smem:$0x3FAF]  }
0x2b: {  	s6 =	sld [smem:$0x3FB0]  }
0x2c: {  	s7 =	sld [smem:$0x3FB1]  }
0x2d: {  	s3 =	simm.s32 $0x108;
	s8 =	sld [smem:$0x3FB2]  }
0x2e: {  	s3 =	simm.s32 @!p0 $0x1082;
	s9 =	sld [smem:$0x3FB3]  }
0x2f: {  	lr =	sadd.s32 s0, s3;
	s0 =	sld [smem:$0x3FAA]  }
0x30: {  	s3 =	sld [smem:$0x3FAD]  }
0x31: {  	[smem:$0x3FB6] =	sst s10  }
0x32: {  	s10 =	sld [smem:$0x3FB4];
	_ =	sdelay $0x3  }
0x33: {  	p0 =	seq.s32 s10, $0x1;
	s10 =	sld [smem:$0x3FB6];
	_ =	sdelay $0x3  }
0x34: {  	[smem:$0x3FB6] =	sst s10  }
0x35: {  	s10 =	sld [smem:$0x3FB5];
	_ =	sdelay $0x3  }
0x36: {  	p1 =	seq.s32 s10, $0x1;
	s10 =	sld [smem:$0x3FB6];
	_ =	sdelay $0x3  }
0x37: {  	[smem:$0x3FB6] =	sst s10  }
0x38: {  	s10 =	sld [smem:$0x3FB7]  }
0x39: {  	_ = 	snop;
	(pc) =	sbr.ind lr, $3  }
0x3a: {  	_ = 	snop  }
0x3b: {  	_ = 	snop  }
0x3c: {  	p2 =	seq.s32 s10, $0x1;
	s10 =	sld [smem:$0x3FB6]  }
0x3d: {  	_ =	shalt  }
0x3e: {  	_ =	shalt  }
0x3f: {  	_ =	shalt  }
0x40: {  	_ =	shalt  }
0x41: {  	_ =	shalt  }
0x42: {  	_ =	shalt  }
0x43: {  	_ =	shalt  }
0x44: {  	_ =	shalt  }
0x45: {  	_ =	shalt  }
0x46: {  	_ =	shalt  }
0x47: {  	_ =	shalt  }
0x48: {  	_ =	shalt  }
0x49: {  	_ =	shalt  }
0x4a: {  	_ =	shalt  }
0x4b: {  	_ =	shalt  }
0x4c: {  	_ =	shalt  }
0x4d: {  	_ =	shalt  }
0x4e: {  	_ =	shalt  }
0x4f: {  	_ =	shalt  }
0x50: {  	_ =	shalt  }
0x51: {  	_ =	shalt  }
0x52: {  	_ =	shalt  }
0x53: {  	_ =	shalt  }
0x54: {  	_ =	shalt  }
0x55: {  	_ =	shalt  }
0x56: {  	_ =	shalt  }
0x57: {  	_ =	shalt  }
0x58: {  	_ =	shalt  }
0x59: {  	_ =	shalt  }
0x5a: {  	_ =	shalt  }
0x5b: {  	_ =	shalt  }
0x5c: {  	_ =	shalt  }
0x5d: {  	_ =	shalt  }
0x5e: {  	_ =	shalt  }
0x5f: {  	_ =	shalt  }
0x60: {  	_ =	shalt  }
0x61: {  	_ =	shalt  }
0x62: {  	_ =	shalt  }
0x63: {  	_ =	shalt  }
0x64: {  	_ =	shalt  }
0x65: {  	_ =	shalt  }
0x66: {  	_ =	shalt  }
0x67: {  	_ =	shalt  }
0x68: {  	_ =	shalt  }
0x69: {  	_ =	shalt  }
0x6a: {  	_ =	shalt  }
0x6b: {  	_ =	shalt  }
0x6c: {  	_ =	shalt  }
0x6d: {  	_ =	shalt  }
0x6e: {  	_ =	shalt  }
0x6f: {  	_ =	shalt  }
0x70: {  	_ =	shalt  }
0x71: {  	_ =	shalt  }
0x72: {  	_ =	shalt  }
0x73: {  	_ =	shalt  }
0x74: {  	_ =	shalt  }
0x75: {  	_ =	shalt  }
0x76: {  	_ =	shalt  }
0x77: {  	_ =	shalt  }
0x78: {  	_ =	shalt  }
0x79: {  	_ =	shalt  }
0x7a: {  	_ =	shalt  }
0x7b: {  	_ =	shalt  }
0x7c: {  	_ =	shalt  }
0x7d: {  	_ =	shalt  }
0x7e: {  	_ =	shalt  }
0x7f: {  	_ =	shalt  }
0x80: {  	_ =	shalt  }
0x81: {  	_ =	shalt  }
0x82: {  	_ =	shalt  }
0x83: {  	_ =	shalt  }
0x84: {  	_ =	shalt  }
0x85: {  	_ =	shalt  }
0x86: {  	_ =	shalt  }
0x87: {  	_ =	shalt  }
.Lfunc_end0:
.L_simem_size_0:
called_computation.1_lowered:
.L_overlay_start_0:
0x88: {  	s2 =	sld [smem:$0x3FD9]  }
0x89: {  	s3 =	sld [smem:$0x3FFE];
	_ =	sdelay $0x1  }
0x8a: {  	s1 =	srdreg.scid  }
0x8b: {  	s0 =	sand.u32 $0x1, s1  }
0x8c: {  	s17 =	sshll.u32 s0, $0xA;
	s2 =	sadd.s32 s3, s2  }
0x8d: {  	s2 =	sadd.s32 s2, s17  }
0x8e: {  	[smem:$0x3FC2] =	sst s2  }
0x8f: {  	_ = 	snop  }
0x90: {  	s2 =	sld [smem:$0x3FD0];
	(tm) =	ssettm $0x1  }
0x91: {  	s18 =	sld [smem:$0x3FFB];
	_ =	sdelay $0x3  }
0x92: {  	_ =	strace s18  }
0x93: {  	s3 =	sld [smem:$0x3FFC];
	_ =	sdelay $0x3  }
0x94: {  	_ =	strace s3  }
0x95: {  	s3 =	sld [smem:$0x3FFD];
	_ =	sdelay $0x3  }
0x96: {  	_ =	strace s3  }
0x97: {  	_ =	strace $0x8FFFFFFF  }
0x98: {  	s19 =	sld [smem:$0x3FDB];
	_ =	sdelay $0x1  }
0x99: {  	s4 =	simm.s32 $_scs_section_size  }
0x9a: {  	s5 =	simm.s32 $_size__tile_overlayer_lowered;
	s6 =	simm.s32 $_tile_overlayer_lowered  }
0x9b: {  	s22 =	simm.s32 $0x1BFF;
	s21 =	sshll.u32 s6, $0x1;
	s3 =	sadd.s32 s4, s19  }
0x9c: {  	s7 =	simm.s32 $0x0;
	s20 =	sshll.u32 s5, $0x1;
	s5 =	sadd.s32 s21, s3  }
0x9d: {  	[timem:s7], [sflag:s22] =	dma.local [hbm:s5], s20  }
0x9e: {  	_ =	swait.ge [sflag:s22], s20  }
0x9f: {  	s4 =	ssub.s32 $0x0, s20;
	[sflag:s22] =	ssyncset.done $0x0  }
0xa0: {  	[sflag:s22] =	ssyncadd.s32 s4;
	_ =	sdelay $0x1  }
0xa1: {  	s23 =	simm.s32 $0x1B8B  }
0xa2: {  	_ =	swait.ge [sflag:s23], $0x1  }
0xa3: {  	[sflag:s23] =	ssyncset.done $0x0  }
0xa4: {  	s25 =	simm.s32 $0x1B8E;
	s24 =	sld [smem:$0x3FFE];
	[sflag:s23] =	ssyncadd.s32 $0xFFFFFFFF  }
0xa5: {  	s26 =	simm.s32 $execute0_lowered;
	[smem:$0x3FD2] =	sst s25  }
0xa6: {  	s5 =	sshll.u32 s26, $0x1;
	_ =	strace $0x80000049;
	[dreg:$0x1] =	wrdreg $0xFFFFFFFF  }
0xa7: {  	s28 =	simm.s32 $_size_execute0_lowered;
	s3 =	sadd.s32 s3, s5;
	[dreg:$0x0] =	wrdreg $0x0  }
0xa8: {  	s5 =	sshll.u32 s28, $0x1;
	[dreg:$0x2] =	wrdreg s3  }
0xa9: {  	[dreg:$0x3] =	wrdreg s5  }
0xaa: {  	[dreg:$0x4] =	wrdreg $0xC0  }
0xab: {  	_ =	task [dreg:s7], $0x5FFFF  }
0xac: {  	[dreg:$0x1] =	wrdreg $0xFFFFFFFF  }
0xad: {  	[dreg:$0x0] =	wrdreg $0x60  }
0xae: {  	[dreg:$0x2] =	wrdreg s2  }
0xaf: {  	[dreg:$0x3] =	wrdreg s24  }
0xb0: {  	[dreg:$0x4] =	wrdreg $0x83000  }
0xb1: {  	[dreg:$0x5] =	wrdreg $0x9  }
0xb2: {  	_ =	task.clear_ibuf [dreg:s7], $0x6FFFF;
	_ =	strace $0x90000049  }
0xb3: {  	s29 =	simm.s32 $0x9;
	_ =	strace $0x8000004B  }
0xb4: {  	_ =	swait.ge [sflag:s29], $0x1  }
0xb5: {  	[sflag:s29] =	ssyncadd.s32 $0xFFFFFFFF  }
0xb6: {  	_ =	strace $0x9000004B  }
0xb7: {  	_ =	sfence  }
0xb8: {  	s30 =	sld [smem:$0x0];
	_ =	sdelay $0x2  }
0xb9: {  	s31 =	sshll.u32 s1, $0xD;
	s1 =	sshrl.u32 s1, $0x2  }
0xba: {  	s3 =	sand.u32 $0x4000, s31;
	s1 =	sadd.s32 s1, s30  }
0xbb: {  	s0 =	sor.u32 s3, s0;
	s1 =	sshll.u32 s1, $0x11  }
0xbc: {  	s0 =	sor.u32 s1, s0  }
0xbd: {  	s0 =	sadd.s32 $0x8F2B, s0  }
0xbe: {  	[sflag:s0] =	ssyncadd.remote.s32 $0x1  }
0xbf: {  	_ =	sfence.sel $0xFFFF  }
0xc0: {  	[dreg:$0x0] =	wrdreg $0xFFFFFFFF;
	(pc) =	sbr.abs _section_cstart, $3  }
0xc1: {  	[dreg:$0x1] =	wrdreg $0xFFFFFFFF  }
0xc2: {  	_ =	task.clear_ibuf [dreg:s7], $0x2FFFF;
	_ =	strace $0x9FFFFFFF  }
0xc3: {  	(tm) =	ssettm $0x7FFFFFFF  }
tec
execute0_lowered:
.L_overlay_start_1:
0x0: {  	(tag) =	ssettag $0x1  }
0x1: {  	s1 =	rddreg [dreg:$0x0]  }
0x2: {  	s0 =	rddreg [dreg:$0x1]  }
0x3: {  	s2 =	rddreg [dreg:$0x2];
	s3 =	srdreg.scid;
	s4 =	simm.s32 $0x0  }
0x4: {  	s12 =	stileid.u32;
	s28 =	simm.s32 $0x9;
	s29 =	simm.s32 $0x2  }
0x5: {  	s30 =	simm.s32 $0x4;
	s31 =	simm.s32 $0x7;
	s3 =	sand.u32 $0x1, s3  }
0x6: {  	[smem:$0x7FF] =	sst s4;
	s7 =	smul.u32 $0x14000, s12;
	s5 =	sadd.s32 $0x2800, s0  }
0x7: {  	s10 =	sadd.s32 $0x1, s12;
	s6 =	smul.u32 $0x140000, s3;
	s24 =	sor.u32 $0x138, s3  }
0x8: {  	_ =	strace $0x8000004A;
	s8 =	ssub.s32 $0x2, s3;
	s9 =	smul.u32 s12, s24  }
0x9: {  	s3 =	ssub.s32 $0x0, s3;
	s11 =	sshrl.u32 s8, $0x1;
	s12 =	smul.u32 $0x50000, s12  }
0xa: {  	s3 =	sand.u32 $0x138, s3;
	s6 =	sadd.s32 s7, s6;
	s7 =	smul.u32 s24, s10  }
0xb: {  	s8 =	ssub.s32 s8, s11;
	s6 =	sshrl.u32 s6, $0x3;
	s25 =	sshrl.u32 s9, $0x4  }
0xc: {  	s17 =	sshrl.u32 s12, $0x2;
	s9 =	sshrl.u32 s9, $0x2;
	s12 =	simm.s32 $0xA  }
0xd: {  	s0 =	sadd.s32 s6, s0;
	s7 =	sshrl.u32 s7, $0x4;
	s17 =	sadd.s32 s17, s2  }
0xe: {  	s26 =	sadd.s32 s3, s25;
	s21 =	sadd.s32 $0x4000, s17;
	[dreg:$0x8] =	wrdreg s17  }
0xf: {  	s9 =	sand.u32 $0x7FC, s9;
	s22 =	sadd.s32 $0x8000, s17;
	[dreg:$0xb] =	wrdreg s21  }
0x10: {  	s13 =	sadd.s32 s3, s7;
	s23 =	sadd.s32 $0xC000, s17;
	[dreg:$0xc] =	wrdreg s22  }
0x11: {  	s15 =	ssub.s32 s7, s25;
	s24 =	sadd.s32 $0x10000, s17;
	[dreg:$0xd] =	wrdreg s23  }
0x12: {  	s10 =	sshll.u32 s26, $0x6;
	s0 =	sadd.s32 $0x16200, s0;
	[dreg:$0xe] =	wrdreg s24  }
0x13: {  	s3 =	sshll.u32 s3, $0x2;
	s25 =	smax.u32 s8, $0x1;
	[dreg:$0xf] =	wrdreg s0  }
0x14: {  	s14 =	sshll.u32 s13, $0x2;
	s16 =	sadd.s32 s5, s10;
	[dreg:$0x10] =	wrdreg s25  }
0x15: {  	s26 =	sadd.s32 s9, s3;
	s21 =	simm.s32 $0x100;
	s22 =	simm.s32 $0x180  }
0x16: {  	s23 =	simm.s32 $0x200;
	p0 =	slt.s32 s15, $0x1;
	s24 =	simm.s32 $0x1  }
0x17: {  	s25 =	simm.s32 $0x300;
	s0 =	simm.s32 $0x280;
	s3 =	simm.s32 $0x5  }
0x18: {  	s9 =	simm.s32 $0x8;
	s10 =	simm.s32 $0x6;
	[dreg:$0x5] =	wrdreg s16  }
.Ltmp0:
0x19: {  	s18 =	sadd.s32 $0x10, s16;
	[dreg:$0x4] =	wrdreg s26;
	(pc) =	sbr.rel .LBB2_1-.Ltmp0, $4  }
0x1a: {  	s13 =	simm.s32 $0x3;
	s19 =	sadd.s32 $0x9C40, s16;
	[dreg:$0x6] =	wrdreg s18  }
0x1b: {  	s11 =	sadd.s32 $0xFFFFFFFF, s14;
	s20 =	sadd.s32 $0x9C50, s16;
	[dreg:$0x7] =	wrdreg s19  }
0x1c: {  	s6 =	sadd.s32 $0x9C60, s16;
	s26 =	simm.s32 $0x4300;
	[dreg:$0x9] =	wrdreg s20  }
0x1d: {  	v0 =	vimm.f32 $0.0e+00;
	[dreg:$0xa] =	wrdreg s6;
	s20 =	simm.s32 $0x80;
	s18 =	simm.s32 $0x0  }
.LBB2_6:
0x1e: {  	[sflag:s9] =	ssyncset.done $0x0  }
0x1f: {  	[sflag:s9] =	ssyncadd.s32 $0xFFFFC000  }
0x20: {  	[spmem:s2] =	stream.indirect.scatter.add.f32 [tilespmem:s26], [sflag:$0xA], $0x80, s0, s20, $0xb8;
	[tilespmem:$0x1C300] =	vst v63  }
0x21: {  	s6 =	sadd.s32 s5, s18;
	s17 =	rddreg [dreg:$0x8]  }
0x22: {  	[tilespmem:s20], [sflag:$0x2] =	stream.linear.gather [hbm4b:s6+s4], $0x80, $0x38;
	[tilespmem:$0x1C300] =	vst v63  }
0x23: {  	s19 =	sadd.s32 s5, s19;
	s18 =	rddreg [dreg:$0x11]  }
0x24: {  	[tilespmem:s23], [sflag:$0x5] =	stream.linear.gather [hbm4b:s19+s4], $0x80, $0x38;
	[tilespmem:$0x1C300] =	vst v63  }
.LBB2_7:
0x25: {  	_ =	swait.ge [sflag:s12], $0x4000  }
0x26: {  	[sflag:s12] =	ssyncset.done $0x0  }
0x27: {  	[sflag:s12] =	ssyncadd.s32 $0xFFFFC000  }
0x28: {  	_ =	swait.ge [sflag:s31], $0x4000  }
0x29: {  	[sflag:s31] =	ssyncset.done $0x0  }
0x2a: {  	[sflag:s31] =	ssyncadd.s32 $0xFFFFC000  }
0x2b: {  	_ =	swait.ge [sflag:s29], $0x80  }
0x2c: {  	[sflag:s29] =	ssyncset.done $0x0  }
0x2d: {  	[sflag:s29] =	ssyncadd.s32 $0xFFFFFF80  }
0x2e: {  	_ =	swait.ge [sflag:s30], $0x80  }
0x2f: {  	[sflag:s30] =	ssyncset.done $0x0  }
0x30: {  	[sflag:s30] =	ssyncadd.s32 $0xFFFFFF80  }
0x31: {  	_ =	swait.ge [sflag:s3], $0x80  }
0x32: {  	[sflag:s3] =	ssyncset.done $0x0  }
0x33: {  	s6 =	stileid.u32;
	[sflag:s3] =	ssyncadd.s32 $0xFFFFFF80  }
0x34: {  	s7 =	sshrl.u32 s17, $0x3;
	s6 =	sshll.u32 s6, $0x6;
	[bflag:$0x0] =	sbarrier.arrive $0xFFFF  }
0x35: {  	s16 =	simm.s32 $0xB;
	s6 =	sor.u32 $0x1C0B, s6;
	s8 =	rddreg [dreg:$0xf]  }
0x36: {  	[hbm:s8], [sflag:s6] =	dma.local [spmem:s7], $0x2800  }
0x37: {  	_ =	swait.ge [sflag:s16], $0x2800  }
0x38: {  	s18 =	sadd.s32 $0x1, s18;
	s19 =	rddreg [dreg:$0x10]  }
0x39: {  	p1 =	sne.s32 s18, s19  }
.Ltmp1:
0x3a: {  	_ = 	snop;
	(pc) =	sbr.rel @!p1 .LBB2_8-.Ltmp1, $3  }
0x3b: {  	_ =	sdelay $0x1  }
0x3c: {  	[sflag:s16] =	ssyncset.done $0x0  }
0x3d: {  	[sflag:s16] =	ssyncadd.s32 $0xFFFFD800  }
.LBB2_1:
0x3e: {  	s6 =	rddreg [dreg:$0x5]  }
0x3f: {  	[tilespmem:s4], [sflag:$0x1] =	stream.linear.gather [hbm4b:s6+s4], $0x80, $0x38;
	[tilespmem:$0x1C300] =	vst v63  }
0x40: {  	s8 =	rddreg [dreg:$0x6]  }
0x41: {  	[tilespmem:s20], [sflag:$0x2] =	stream.linear.gather [hbm4b:s8+s4], $0x80, $0x38;
	[tilespmem:$0x1C300] =	vst v63  }
0x42: {  	s14 =	rddreg [dreg:$0x7]  }
0x43: {  	[tilespmem:s21], [sflag:$0x3] =	stream.linear.gather [hbm4b:s14+s4], $0x80, $0x38;
	[tilespmem:$0x1C300] =	vst v63  }
0x44: {  	s16 =	rddreg [dreg:$0x9]  }
0x45: {  	[tilespmem:s22], [sflag:$0x4] =	stream.linear.gather [hbm4b:s16+s4], $0x80, $0x38;
	[tilespmem:$0x1C300] =	vst v63  }
0x46: {  	s19 =	rddreg [dreg:$0xa];
	s8 =	simm.s32 $0x0;
	s14 =	simm.s32 $0x200  }
0x47: {  	[tilespmem:s23], [sflag:$0x5] =	stream.linear.gather [hbm4b:s19+s4], $0x80, $0x38;
	[tilespmem:$0x1C300] =	vst v63  }
.LBB2_2:
0x48: {  	p1 =	sne.s32 s14, $0xFE00;
	[tilespmem:s8+$0x4370] =	vst v0  }
0x49: {  	[tilespmem:s8+$0x4300] =	vst v0  }
0x4a: {  	[tilespmem:s8+$0x4310] =	vst v0  }
.Ltmp2:
0x4b: {  	[tilespmem:s8+$0x4320] =	vst v0;
	(pc) =	sbr.rel @p1 .LBB2_2-.Ltmp2, $4  }
0x4c: {  	[tilespmem:s8+$0x4330] =	vst v0  }
0x4d: {  	[tilespmem:s8+$0x4340] =	vst v0  }
0x4e: {  	[tilespmem:s8+$0x4350] =	vst v0  }
0x4f: {  	[tilespmem:s8+$0x4360] =	vst v0;
	s8 =	sshra.s32 s14, $0x2;
	s14 =	sadd.s32 $0x200, s14  }
0x50: {  	[tilespmem:s8+$0x4370] =	vst v0  }
0x51: {  	[tilespmem:s8+$0x4300] =	vst v0  }
0x52: {  	[tilespmem:s8+$0x4310] =	vst v0  }
0x53: {  	[tilespmem:s8+$0x4320] =	vst v0  }
0x54: {  	[tilespmem:s8+$0x4330] =	vst v0  }
0x55: {  	[tilespmem:s8+$0x4340] =	vst v0  }
0x56: {  	[tilespmem:s8+$0x4350] =	vst v0  }
0x57: {  	[tilespmem:s8+$0x4360] =	vst v0  }
0x58: {  	_ =	swait.ge [sflag:s24], $0x80  }
0x59: {  	[sflag:s24] =	ssyncset.done $0x0  }
0x5a: {  	s16 =	simm.s32 $0x0;
	[sflag:s24] =	ssyncadd.s32 $0xFFFFFF80  }
0x5b: {  	[tilespmem:s25], [sflag:$0x7] =	stream.indirect.gather [hbm4b:s1+s20], $0x80, s16, s20, $0xb8;
	[tilespmem:$0x1C300] =	vst v63  }
0x5c: {  	_ = 	snop  }
0x5d: {  	[spmem:s17] =	stream.linear.scatter [tilespmem:s26], [sflag:$0x9], $0x4000, $0x38;
	[tilespmem:$0x1C300] =	vst v63  }
0x5e: {  	s6 =	rddreg [dreg:$0xb]  }
0x5f: {  	[spmem:s6] =	stream.linear.scatter [tilespmem:s26], [sflag:$0x9], $0x4000, $0x38;
	[tilespmem:$0x1C300] =	vst v63  }
0x60: {  	s8 =	rddreg [dreg:$0xc]  }
0x61: {  	[spmem:s8] =	stream.linear.scatter [tilespmem:s26], [sflag:$0x9], $0x4000, $0x38;
	[tilespmem:$0x1C300] =	vst v63  }
0x62: {  	s14 =	rddreg [dreg:$0xd]  }
0x63: {  	[spmem:s14] =	stream.linear.scatter [tilespmem:s26], [sflag:$0x9], $0x4000, $0x38;
	[tilespmem:$0x1C300] =	vst v63  }
0x64: {  	s19 =	rddreg [dreg:$0xe]  }
0x65: {  	[spmem:s19] =	stream.linear.scatter [tilespmem:s26], [sflag:$0x9], $0x4000, $0x38;
	[tilespmem:$0x1C300] =	vst v63  }
0x66: {  	_ =	swait.ge [sflag:s28], $0x4000  }
0x67: {  	[sflag:s28] =	ssyncset.done $0x0  }
0x68: {  	[sflag:s28] =	ssyncadd.s32 $0xFFFFC000  }
0x69: {  	_ =	swait.ge [sflag:s28], $0x4000  }
0x6a: {  	[sflag:s28] =	ssyncset.done $0x0  }
0x6b: {  	[sflag:s28] =	ssyncadd.s32 $0xFFFFC000  }
0x6c: {  	_ =	swait.ge [sflag:s28], $0x4000  }
0x6d: {  	[sflag:s28] =	ssyncset.done $0x0  }
0x6e: {  	[sflag:s28] =	ssyncadd.s32 $0xFFFFC000  }
0x6f: {  	_ =	swait.ge [sflag:s28], $0x4000  }
0x70: {  	[sflag:s28] =	ssyncset.done $0x0  }
0x71: {  	[sflag:s28] =	ssyncadd.s32 $0xFFFFC000  }
.Ltmp3:
0x72: {  	_ =	swait.ge [sflag:s28], $0x4000;
	(pc) =	sbr.rel @p0 .LBB2_7-.Ltmp3, $3  }
0x73: {  	[sflag:s28] =	ssyncset.done $0x0  }
0x74: {  	[sflag:s28] =	ssyncadd.s32 $0xFFFFC000  }
0x75: {  	[bflag:$0x0] =	sbarrier.arrive $0xFFFF;
	_ =	sdelay $0x1  }
0x76: {  	[dreg:$0x11] =	wrdreg s18  }
0x77: {  	_ =	swait.ge [sflag:s29], $0x80  }
0x78: {  	[sflag:s29] =	ssyncset.done $0x0  }
0x79: {  	[sflag:s29] =	ssyncadd.s32 $0xFFFFFF80  }
0x7a: {  	_ =	swait.ge [sflag:s30], $0x80  }
0x7b: {  	p1 =	seq.s32 s16, $0x0;
	[sflag:s30] =	ssyncset.done $0x0  }
0x7c: {  	s8 =	simm.s32 @!p1 $0xA;
	[sflag:s30] =	ssyncadd.s32 $0xFFFFFF80  }
0x7d: {  	_ =	swait.ge @!p1 [sflag:s8], $0x4000  }
0x7e: {  	[sflag:s8] =	ssyncset.done @!p1 $0x0  }
0x7f: {  	[sflag:s8] =	ssyncadd.s32 @!p1 $0xFFFFC000  }
0x80: {  	[tilespmem:s26], [sflag:$0x8] =	stream.indirect.gather [hbm4b:s1+s20], $0x80, s20, s20, $0xb8;
	[tilespmem:$0x1C300] =	vst v63  }
0x81: {  	_ =	swait.ge [sflag:s31], $0x4000  }
0x82: {  	[sflag:s31] =	ssyncset.done $0x0;
	s14 =	rddreg [dreg:$0x4]  }
0x83: {  	[sflag:s31] =	ssyncadd.s32 $0xFFFFC000;
	s8 =	sadd.s32 s16, s14  }
0x84: {  	[spmem:s2] =	stream.indirect.scatter.add.f32 [tilespmem:s25], [sflag:$0x9], $0x80, s21, s20, $0xb8;
	[tilespmem:$0x1C300] =	vst v63  }
0x85: {  	s18 =	smov.u32 s11;
	s14 =	sadd.s32 $0x2, s8;
	s17 =	sadd.s32 $0x3, s8  }
0x86: {  	s19 =	smov.u32 s11;
	p1 =	slt.s32 s14, s11;
	p2 =	slt.s32 s17, s11  }
0x87: {  	s18 =	smov.u32 @p1 s14;
	s19 =	smov.u32 @p2 s17  }
0x88: {  	s14 =	sshll.u32 s18, $0x4;
	s17 =	sshll.u32 s19, $0x7  }
0x89: {  	s14 =	sand.u32 $0x1FFFFFF0, s14;
	s17 =	sadd.s32 $0x4E200, s17  }
0x8a: {  	s14 =	sadd.s32 s5, s14;
	s17 =	sshrl.u32 s17, $0x3  }
0x8b: {  	[tilespmem:s4], [sflag:$0x1] =	stream.linear.gather [hbm4b:s14+s4], $0x80, $0x38;
	[tilespmem:$0x1C300] =	vst v63  }
0x8c: {  	s17 =	sadd.s32 s5, s17  }
0x8d: {  	[tilespmem:s0], [sflag:$0x6] =	stream.linear.gather [hbm4b:s17+s4], $0x80, $0x38;
	[tilespmem:$0x1C300] =	vst v63  }
0x8e: {  	_ =	swait.ge [sflag:s24], $0x80  }
0x8f: {  	[sflag:s24] =	ssyncset.done $0x0  }
0x90: {  	[sflag:s24] =	ssyncadd.s32 $0xFFFFFF80  }
0x91: {  	_ =	swait.ge [sflag:s3], $0x80  }
0x92: {  	[sflag:s3] =	ssyncset.done $0x0  }
0x93: {  	[sflag:s3] =	ssyncadd.s32 $0xFFFFFF80  }
0x94: {  	_ =	swait.ge [sflag:s28], $0x4000  }
0x95: {  	s14 =	sadd.s32 $0x4, s8;
	[sflag:s28] =	ssyncset.done $0x0  }
0x96: {  	p1 =	slt.s32 s14, s11;
	s17 =	smov.u32 s11;
	[sflag:s28] =	ssyncadd.s32 $0xFFFFC000  }
0x97: {  	[tilespmem:s25], [sflag:$0x7] =	stream.indirect.gather [hbm4b:s1+s20], $0x80, s4, s20, $0xb8;
	[tilespmem:$0x1C300] =	vst v63  }
0x98: {  	s17 =	smov.u32 @p1 s14;
	_ =	swait.ge [sflag:s9], $0x4000  }
0x99: {  	s18 =	sshll.u32 s19, $0x4;
	s19 =	sshll.u32 s17, $0x7;
	[sflag:s9] =	ssyncset.done $0x0  }
0x9a: {  	s14 =	sand.u32 $0x1FFFFFF0, s18;
	s18 =	sadd.s32 $0x4E200, s19;
	[sflag:s9] =	ssyncadd.s32 $0xFFFFC000  }
0x9b: {  	[spmem:s2] =	stream.indirect.scatter.add.f32 [tilespmem:s26], [sflag:$0xA], $0x80, s22, s20, $0xb8;
	[tilespmem:$0x1C300] =	vst v63  }
0x9c: {  	s14 =	sadd.s32 s5, s14;
	s18 =	sshrl.u32 s18, $0x3  }
0x9d: {  	[tilespmem:s20], [sflag:$0x2] =	stream.linear.gather [hbm4b:s14+s4], $0x80, $0x38;
	[tilespmem:$0x1C300] =	vst v63  }
0x9e: {  	s6 =	sadd.s32 s5, s18  }
0x9f: {  	[tilespmem:s21], [sflag:$0x3] =	stream.linear.gather [hbm4b:s6+s4], $0x80, $0x38;
	[tilespmem:$0x1C300] =	vst v63  }
0xa0: {  	_ =	swait.ge [sflag:s29], $0x80  }
0xa1: {  	[sflag:s29] =	ssyncset.done $0x0  }
0xa2: {  	[sflag:s29] =	ssyncadd.s32 $0xFFFFFF80  }
0xa3: {  	_ =	swait.ge [sflag:s10], $0x80  }
0xa4: {  	[sflag:s10] =	ssyncset.done $0x0  }
0xa5: {  	[sflag:s10] =	ssyncadd.s32 $0xFFFFFF80  }
0xa6: {  	_ =	swait.ge [sflag:s12], $0x4000  }
0xa7: {  	s17 =	sshll.u32 s17, $0x4;
	s14 =	sadd.s32 $0x5, s8;
	[sflag:s12] =	ssyncset.done $0x0  }
0xa8: {  	s18 =	smov.u32 s11;
	p1 =	slt.s32 s14, s11;
	[sflag:s12] =	ssyncadd.s32 $0xFFFFC000  }
0xa9: {  	[tilespmem:s26], [sflag:$0x8] =	stream.indirect.gather [hbm4b:s1+s20], $0x80, s20, s20, $0xb8;
	[tilespmem:$0x1C300] =	vst v63  }
0xaa: {  	s17 =	sand.u32 $0x1FFFFFF0, s17;
	s18 =	smov.u32 @p1 s14;
	_ =	swait.ge [sflag:s31], $0x4000  }
0xab: {  	s7 =	sadd.s32 s5, s17;
	s17 =	sshll.u32 s18, $0x7;
	[sflag:s31] =	ssyncset.done $0x0  }
0xac: {  	s14 =	sadd.s32 $0x4E200, s17;
	[sflag:s31] =	ssyncadd.s32 $0xFFFFC000  }
0xad: {  	[spmem:s2] =	stream.indirect.scatter.add.f32 [tilespmem:s25], [sflag:$0x9], $0x80, s23, s20, $0xb8;
	[tilespmem:$0x1C300] =	vst v63  }
0xae: {  	s14 =	sshrl.u32 s14, $0x3  }
0xaf: {  	[tilespmem:s4], [sflag:$0x1] =	stream.linear.gather [hbm4b:s7+s4], $0x80, $0x38;
	[tilespmem:$0x1C300] =	vst v63  }
0xb0: {  	s14 =	sadd.s32 s5, s14  }
0xb1: {  	[tilespmem:s22], [sflag:$0x4] =	stream.linear.gather [hbm4b:s14+s4], $0x80, $0x38;
	[tilespmem:$0x1C300] =	vst v63  }
0xb2: {  	_ =	swait.ge [sflag:s24], $0x80  }
0xb3: {  	[sflag:s24] =	ssyncset.done $0x0  }
0xb4: {  	s8 =	sadd.s32 $0x6, s8;
	[sflag:s24] =	ssyncadd.s32 $0xFFFFFF80  }
0xb5: {  	p1 =	slt.s32 s8, s11;
	_ =	swait.ge [sflag:s13], $0x80  }
0xb6: {  	s17 =	sadd.s32 $0x1, s16;
	s14 =	smov.u32 s11;
	[sflag:s13] =	ssyncset.done $0x0  }
0xb7: {  	s14 =	smov.u32 @p1 s8;
	p1 =	slt.s32 s17, s15;
	[sflag:s13] =	ssyncadd.s32 $0xFFFFFF80  }
.Ltmp4:
0xb8: {  	_ =	swait.ge [sflag:s28], $0x4000;
	(pc) =	sbr.rel @!p1 .LBB2_6-.Ltmp4, $4  }
0xb9: {  	s8 =	sshll.u32 s14, $0x7;
	[sflag:s28] =	ssyncset.done $0x0  }
0xba: {  	s19 =	sshll.u32 s18, $0x4;
	s8 =	sadd.s32 $0x4E200, s8;
	[sflag:s28] =	ssyncadd.s32 $0xFFFFC000  }
0xbb: {  	[tilespmem:s25], [sflag:$0x7] =	stream.indirect.gather [hbm4b:s1+s20], $0x80, s4, s20, $0xb8;
	[tilespmem:$0x1C300] =	vst v63  }
0xbc: {  	s18 =	sand.u32 $0x1FFFFFF0, s19;
	s19 =	sshrl.u32 s8, $0x3;
	_ =	swait.ge [sflag:s9], $0x4000  }
.LBB2_5:
0xbd: {  	[sflag:s9] =	ssyncset.done $0x0  }
0xbe: {  	[sflag:s9] =	ssyncadd.s32 $0xFFFFC000  }
0xbf: {  	[spmem:s2] =	stream.indirect.scatter.add.f32 [tilespmem:s26], [sflag:$0xA], $0x80, s0, s20, $0xb8;
	[tilespmem:$0x1C300] =	vst v63  }
0xc0: {  	s8 =	sadd.s32 s5, s18  }
0xc1: {  	[tilespmem:s20], [sflag:$0x2] =	stream.linear.gather [hbm4b:s8+s4], $0x80, $0x38;
	[tilespmem:$0x1C300] =	vst v63  }
0xc2: {  	s14 =	sadd.s32 s5, s19  }
0xc3: {  	[tilespmem:s23], [sflag:$0x5] =	stream.linear.gather [hbm4b:s14+s4], $0x80, $0x38;
	[tilespmem:$0x1C300] =	vst v63  }
0xc4: {  	_ =	swait.ge [sflag:s29], $0x80  }
0xc5: {  	[sflag:s29] =	ssyncset.done $0x0  }
0xc6: {  	[sflag:s29] =	ssyncadd.s32 $0xFFFFFF80  }
0xc7: {  	s16 =	sadd.s32 $0x4, s16;
	_ =	swait.ge [sflag:s30], $0x80  }
0xc8: {  	p2 =	seq.s32 s16, $0x0;
	[sflag:s30] =	ssyncset.done $0x0  }
0xc9: {  	s8 =	simm.s32 @!p2 $0xA;
	[sflag:s30] =	ssyncadd.s32 $0xFFFFFF80  }
0xca: {  	_ =	swait.ge @!p2 [sflag:s8], $0x4000  }
0xcb: {  	[sflag:s8] =	ssyncset.done @!p2 $0x0  }
0xcc: {  	[sflag:s8] =	ssyncadd.s32 @!p2 $0xFFFFC000  }
0xcd: {  	[tilespmem:s26], [sflag:$0x8] =	stream.indirect.gather [hbm4b:s1+s20], $0x80, s20, s20, $0xb8;
	[tilespmem:$0x1C300] =	vst v63  }
0xce: {  	_ =	swait.ge [sflag:s31], $0x4000  }
0xcf: {  	[sflag:s31] =	ssyncset.done $0x0;
	s19 =	rddreg [dreg:$0x4]  }
0xd0: {  	[sflag:s31] =	ssyncadd.s32 $0xFFFFC000;
	s14 =	sadd.s32 s16, s19  }
0xd1: {  	[spmem:s2] =	stream.indirect.scatter.add.f32 [tilespmem:s25], [sflag:$0x9], $0x80, s21, s20, $0xb8;
	[tilespmem:$0x1C300] =	vst v63  }
0xd2: {  	s17 =	sadd.s32 $0x1, s17;
	s8 =	sadd.s32 $0x2, s14  }
0xd3: {  	s7 =	smov.u32 s11;
	s18 =	sadd.s32 $0x3, s14;
	p3 =	slt.s32 s8, s11  }
0xd4: {  	p4 =	slt.s32 s18, s11;
	s7 =	smov.u32 @p3 s8;
	s8 =	smov.u32 s11  }
0xd5: {  	p1 =	slt.s32 s17, s15;
	s8 =	smov.u32 @p4 s18  }
0xd6: {  	s21 =	smov.u32 s15;
	s7 =	sshll.u32 s7, $0x4;
	s6 =	sshll.u32 s8, $0x7  }
0xd7: {  	s8 =	sshll.u32 s8, $0x4;
	s7 =	sand.u32 $0x1FFFFFF0, s7;
	s15 =	sadd.s32 $0x4E200, s6  }
0xd8: {  	s6 =	sand.u32 $0x1FFFFFF0, s8;
	s7 =	sadd.s32 s5, s7;
	s8 =	sshrl.u32 s15, $0x3  }
0xd9: {  	[tilespmem:s4], [sflag:$0x1] =	stream.linear.gather [hbm4b:s7+s4], $0x80, $0x38;
	[tilespmem:$0x1C300] =	vst v63  }
0xda: {  	s19 =	sadd.s32 $0x4, s14;
	s8 =	sadd.s32 s5, s8  }
0xdb: {  	[tilespmem:s0], [sflag:$0x6] =	stream.linear.gather [hbm4b:s8+s4], $0x80, $0x38;
	[tilespmem:$0x1C300] =	vst v63  }
0xdc: {  	p2 =	slt.s32 s19, s11;
	_ =	swait.ge [sflag:s24], $0x80  }
0xdd: {  	s18 =	sadd.s32 $0x5, s14;
	s15 =	smov.u32 s11;
	[sflag:s24] =	ssyncset.done $0x0  }
0xde: {  	s15 =	smov.u32 @p2 s19;
	p2 =	slt.s32 s18, s11;
	[sflag:s24] =	ssyncadd.s32 $0xFFFFFF80  }
0xdf: {  	s19 =	sshll.u32 s15, $0x7;
	s15 =	sshll.u32 s15, $0x4;
	_ =	swait.ge [sflag:s3], $0x80  }
0xe0: {  	s19 =	sadd.s32 $0x4E200, s19;
	s8 =	sand.u32 $0x1FFFFFF0, s15;
	[sflag:s3] =	ssyncset.done $0x0  }
0xe1: {  	s15 =	smov.u32 s11;
	s7 =	sshrl.u32 s19, $0x3;
	[sflag:s3] =	ssyncadd.s32 $0xFFFFFF80  }
0xe2: {  	s15 =	smov.u32 @p2 s18;
	s19 =	sadd.s32 $0x6, s14;
	_ =	swait.ge [sflag:s28], $0x4000  }
0xe3: {  	s18 =	sshll.u32 s15, $0x7;
	s15 =	sshll.u32 s15, $0x4;
	[sflag:s28] =	ssyncset.done $0x0  }
0xe4: {  	p2 =	slt.s32 s19, s11;
	s14 =	sadd.s32 $0x4E200, s18;
	[sflag:s28] =	ssyncadd.s32 $0xFFFFC000  }
0xe5: {  	[tilespmem:s25], [sflag:$0x7] =	stream.indirect.gather [hbm4b:s1+s20], $0x80, s4, s20, $0xb8;
	[tilespmem:$0x1C300] =	vst v63  }
0xe6: {  	s18 =	sand.u32 $0x1FFFFFF0, s15;
	s15 =	smov.u32 s11;
	_ =	swait.ge [sflag:s9], $0x4000  }
0xe7: {  	s15 =	smov.u32 @p2 s19;
	[sflag:s9] =	ssyncset.done $0x0  }
0xe8: {  	s15 =	sshll.u32 s15, $0x7;
	[sflag:s9] =	ssyncadd.s32 $0xFFFFC000  }
0xe9: {  	[spmem:s2] =	stream.indirect.scatter.add.f32 [tilespmem:s26], [sflag:$0xA], $0x80, s22, s20, $0xb8;
	[tilespmem:$0x1C300] =	vst v63  }
0xea: {  	s6 =	sadd.s32 s5, s6;
	s7 =	sadd.s32 s5, s7;
	s15 =	sadd.s32 $0x4E200, s15  }
0xeb: {  	[tilespmem:s20], [sflag:$0x2] =	stream.linear.gather [hbm4b:s6+s4], $0x80, $0x38;
	[tilespmem:$0x1C300] =	vst v63  }
0xec: {  	s19 =	sshrl.u32 s15, $0x3;
	s15 =	smov.u32 s21;
	s21 =	simm.s32 $0x100  }
0xed: {  	[tilespmem:s21], [sflag:$0x3] =	stream.linear.gather [hbm4b:s7+s4], $0x80, $0x38;
	[tilespmem:$0x1C300] =	vst v63  }
0xee: {  	_ =	swait.ge [sflag:s29], $0x80  }
0xef: {  	[sflag:s29] =	ssyncset.done $0x0  }
0xf0: {  	[sflag:s29] =	ssyncadd.s32 $0xFFFFFF80  }
0xf1: {  	_ =	swait.ge [sflag:s10], $0x80  }
0xf2: {  	[sflag:s10] =	ssyncset.done $0x0  }
0xf3: {  	[sflag:s10] =	ssyncadd.s32 $0xFFFFFF80  }
0xf4: {  	_ =	swait.ge [sflag:s12], $0x4000  }
0xf5: {  	[sflag:s12] =	ssyncset.done $0x0  }
0xf6: {  	[sflag:s12] =	ssyncadd.s32 $0xFFFFC000  }
0xf7: {  	[tilespmem:s26], [sflag:$0x8] =	stream.indirect.gather [hbm4b:s1+s20], $0x80, s20, s20, $0xb8;
	[tilespmem:$0x1C300] =	vst v63  }
0xf8: {  	_ =	swait.ge [sflag:s31], $0x4000  }
0xf9: {  	[sflag:s31] =	ssyncset.done $0x0  }
0xfa: {  	[sflag:s31] =	ssyncadd.s32 $0xFFFFC000  }
0xfb: {  	[spmem:s2] =	stream.indirect.scatter.add.f32 [tilespmem:s25], [sflag:$0x9], $0x80, s23, s20, $0xb8;
	[tilespmem:$0x1C300] =	vst v63  }
0xfc: {  	s8 =	sadd.s32 s5, s8;
	s14 =	sshrl.u32 s14, $0x3  }
0xfd: {  	[tilespmem:s4], [sflag:$0x1] =	stream.linear.gather [hbm4b:s8+s4], $0x80, $0x38;
	[tilespmem:$0x1C300] =	vst v63  }
0xfe: {  	s14 =	sadd.s32 s5, s14  }
0xff: {  	[tilespmem:s22], [sflag:$0x4] =	stream.linear.gather [hbm4b:s14+s4], $0x80, $0x38;
	[tilespmem:$0x1C300] =	vst v63  }
0x100: {  	_ =	swait.ge [sflag:s24], $0x80  }
0x101: {  	[sflag:s24] =	ssyncset.done $0x0  }
0x102: {  	[sflag:s24] =	ssyncadd.s32 $0xFFFFFF80  }
0x103: {  	_ =	swait.ge [sflag:s13], $0x80  }
0x104: {  	[sflag:s13] =	ssyncset.done $0x0  }
0x105: {  	[sflag:s13] =	ssyncadd.s32 $0xFFFFFF80  }
.Ltmp5:
0x106: {  	_ =	swait.ge [sflag:s28], $0x4000;
	(pc) =	sbr.rel @p1 .LBB2_5-.Ltmp5, $4  }
0x107: {  	[sflag:s28] =	ssyncset.done $0x0  }
0x108: {  	[sflag:s28] =	ssyncadd.s32 $0xFFFFC000  }
0x109: {  	[tilespmem:s25], [sflag:$0x7] =	stream.indirect.gather [hbm4b:s1+s20], $0x80, s4, s20, $0xb8;
	[tilespmem:$0x1C300] =	vst v63  }
0x10a: {  	_ =	swait.ge [sflag:s9], $0x4000  }
.Ltmp6:
0x10b: {  	_ = 	snop;
	(pc) =	sbr.rel .LBB2_6-.Ltmp6, $1  }
0x10c: {  	_ =	sdelay $0x3  }
.LBB2_8:
0x10d: {  	_ =	sfence.sel $0x180000  }
0x10e: {  	[bflag:$0x0] =	sbarrier.arrive $0xFFFF  }
0x10f: {  	_ =	strace $0x9000004A  }
0x110: {  	s0 =	stileid.u32;
	[bflag:$0x2] =	sbarrier.arrive $0xFFFF  }
0x111: {  	p0 =	sne.s32 s0, $0x0;
	s0 =	rddreg [dreg:$0x3]  }
0x112: {  	s0 =	sadd.s32 @!p0 $0x100000, s0  }
0x113: {  	[sflag:s0] =	ssyncadd.tile.s32 @!p0 $0x1;
	_ =	shalt  }
.Lfunc_end2:
_tile_overlayer_lowered:
.L_overlay_start_2:
0x114: {  	(tag) =	ssettag $0x2  }
0x115: {  	s0 =	rddreg [dreg:$0x0];
	s2 =	stileid.u32  }
0x116: {  	s1 =	rddreg [dreg:$0x1];
	p0 =	sne.s32 s2, $0x0  }
0x117: {  	s3 =	rddreg [dreg:$0x2];
	[bflag:$0x3] =	sbarrier.arrive $0xFFFF;
	s2 =	simm.s32 @!p0 $0x1C0B  }
0x118: {  	[timem:s3], [sflag:s2] =	dma.local @!p0 [hbm:s0], s1  }
0x119: {  	s0 =	simm.s32 @!p0 $0xB  }
0x11a: {  	_ =	swait.ge @!p0 [sflag:s0], s1  }
0x11b: {  	s1 =	ssub.s32 @!p0 $0x0, s1;
	[sflag:s0] =	ssyncset.done @!p0 $0x0  }
0x11c: {  	[sflag:s0] =	ssyncadd.s32 @!p0 s1  }
0x11d: {  	[bflag:$0x3] =	sbarrier.arrive $0xFFFF  }
0x11e: {  	_ =	shalt  }

// kernel: kernel.15.cloned.1.call-start
scs
__scs_entry_jumppad:
0x0: {  	(pc) =	sbr.rel $0x88, $3  }
0x1: {  	(tag) =	ssettag $0x0;
	lr =	simm.s32 $0x1  }
0x2: {  	[smem:$0x3F9B] =	sst lr;
	_ =	strace $0xD0000000  }
0x3: {  	_ = 	snop  }
0x4: {  	_ = 	snop  }
0x5: {  	_ = 	snop  }
0x6: {  	_ = 	snop  }
0x7: {  	_ = 	snop  }
__scs_overlays_trampoline_lowered:
0x8: {  	[smem:$0x3FAA] =	sst s0  }
0x9: {  	[smem:$0x3FAB] =	sst s1  }
0xa: {  	[smem:$0x3FAC] =	sst s2  }
0xb: {  	[smem:$0x3FAD] =	sst s3  }
0xc: {  	[smem:$0x3FAE] =	sst s4  }
0xd: {  	[smem:$0x3FAF] =	sst s5  }
0xe: {  	[smem:$0x3FB0] =	sst s6  }
0xf: {  	[smem:$0x3FB1] =	sst s7  }
0x10: {  	[smem:$0x3FB2] =	sst s8  }
0x11: {  	[smem:$0x3FB3] =	sst s9;
	s0 =	simm.s32 @!p0 $0x0  }
0x12: {  	s1 =	sld [smem:$0x3F99];
	s0 =	simm.s32 @p0 $0x1  }
0x13: {  	[smem:$0x3FB4] =	sst s0;
	s0 =	simm.s32 @!p1 $0x0  }
0x14: {  	s2 =	sld [smem:$0x3F98];
	s0 =	simm.s32 @p1 $0x1  }
0x15: {  	[smem:$0x3FB5] =	sst s0;
	s0 =	simm.s32 @!p2 $0x0  }
0x16: {  	s3 =	sld [smem:$0x3FDB];
	s0 =	simm.s32 @p2 $0x1  }
0x17: {  	s4 =	simm.s32 $0x1BF5;
	[smem:$0x3FB7] =	sst s0  }
0x18: {  	s0 =	sld [smem:$0x3F9A];
	_ =	swait.ge [sflag:s4], $0x0  }
0x19: {  	s7 =	sld [smem:$0x3F9B]  }
0x1a: {  	s8 =	sadd.s32 $0xFFFFE003, lr  }
0x1b: {  	s9 =	sadd.s32 $0xFFFFFEF7, lr;
	s5 =	simm.s32 $0xFFFFFFFF;
	p2 =	slt.u32 s8, $0xFFFFF086  }
0x1c: {  	p1 =	slt.u32 s9, $0xF7A;
	s5 =	simm.s32 @!p2 $0x0  }
0x1d: {  	s5 =	simm.s32 @p1 $0x1;
	p0 =	seq.s32 s7, s2  }
0x1e: {  	s7 =	smul.u32 @!p0 $0xF7A, s2;
	p2 =	seq.s32 @!p0 s5, $0x0  }
0x1f: {  	s9 =	smul.u32 $0xF7A, s1;
	s8 =	simm.s32 @!p0 $0x1BF5;
	p2 =	por !p2, p0  }
0x20: {  	[sflag:s8] =	ssyncset.s32 @!p0 $0xFFFFF086;
	s6 =	sadd.s32 @!p0 s3, s7;
	s7 =	simm.s32 @!p0 $0x108  }
0x21: {  	s3 =	sadd.s32 s3, s9;
	s6 =	sadd.s32 @!p0 $0x88, s6;
	s7 =	simm.s32 @p2 $0x1082  }
0x22: {  	[simem:s7], [sflag:s8] =	dma.local @!p0 [hbm:s6], $0xF7A  }
0x23: {  	s9 =	sor.u32 $0xD0000000, s2;
	s6 =	simm.s32 $0x108;
	_ =	swait.ge @!p0 [sflag:s8], $0x0  }
0x24: {  	s3 =	sadd.s32 $0x88, s3;
	s6 =	simm.s32 @!p1 $0x1082;
	[sflag:s4] =	ssyncset.s32 $0xFFFFF086  }
0x25: {  	[simem:s6], [sflag:s4] =	dma.local [hbm:s3], $0xF7A  }
0x26: {  	[smem:$0x3F9B] =	sst s1;
	(tag) =	ssettag s2;
	_ =	strace s9  }
0x27: {  	s1 =	sld [smem:$0x3FAB]  }
0x28: {  	s2 =	sld [smem:$0x3FAC]  }
0x29: {  	s4 =	sld [smem:$0x3FAE]  }
0x2a: {  	p0 =	seq.s32 s5, $0x0;
	s5 =	sld [smem:$0x3FAF]  }
0x2b: {  	s6 =	sld [smem:$0x3FB0]  }
0x2c: {  	s7 =	sld [smem:$0x3FB1]  }
0x2d: {  	s3 =	simm.s32 $0x108;
	s8 =	sld [smem:$0x3FB2]  }
0x2e: {  	s3 =	simm.s32 @!p0 $0x1082;
	s9 =	sld [smem:$0x3FB3]  }
0x2f: {  	lr =	sadd.s32 s0, s3;
	s0 =	sld [smem:$0x3FAA]  }
0x30: {  	s3 =	sld [smem:$0x3FAD]  }
0x31: {  	[smem:$0x3FB6] =	sst s10  }
0x32: {  	s10 =	sld [smem:$0x3FB4];
	_ =	sdelay $0x3  }
0x33: {  	p0 =	seq.s32 s10, $0x1;
	s10 =	sld [smem:$0x3FB6];
	_ =	sdelay $0x3  }
0x34: {  	[smem:$0x3FB6] =	sst s10  }
0x35: {  	s10 =	sld [smem:$0x3FB5];
	_ =	sdelay $0x3  }
0x36: {  	p1 =	seq.s32 s10, $0x1;
	s10 =	sld [smem:$0x3FB6];
	_ =	sdelay $0x3  }
0x37: {  	[smem:$0x3FB6] =	sst s10  }
0x38: {  	s10 =	sld [smem:$0x3FB7]  }
0x39: {  	_ = 	snop;
	(pc) =	sbr.ind lr, $3  }
0x3a: {  	_ = 	snop  }
0x3b: {  	_ = 	snop  }
0x3c: {  	p2 =	seq.s32 s10, $0x1;
	s10 =	sld [smem:$0x3FB6]  }
0x3d: {  	_ =	shalt  }
0x3e: {  	_ =	shalt  }
0x3f: {  	_ =	shalt  }
0x40: {  	_ =	shalt  }
0x41: {  	_ =	shalt  }
0x42: {  	_ =	shalt  }
0x43: {  	_ =	shalt  }
0x44: {  	_ =	shalt  }
0x45: {  	_ =	shalt  }
0x46: {  	_ =	shalt  }
0x47: {  	_ =	shalt  }
0x48: {  	_ =	shalt  }
0x49: {  	_ =	shalt  }
0x4a: {  	_ =	shalt  }
0x4b: {  	_ =	shalt  }
0x4c: {  	_ =	shalt  }
0x4d: {  	_ =	shalt  }
0x4e: {  	_ =	shalt  }
0x4f: {  	_ =	shalt  }
0x50: {  	_ =	shalt  }
0x51: {  	_ =	shalt  }
0x52: {  	_ =	shalt  }
0x53: {  	_ =	shalt  }
0x54: {  	_ =	shalt  }
0x55: {  	_ =	shalt  }
0x56: {  	_ =	shalt  }
0x57: {  	_ =	shalt  }
0x58: {  	_ =	shalt  }
0x59: {  	_ =	shalt  }
0x5a: {  	_ =	shalt  }
0x5b: {  	_ =	shalt  }
0x5c: {  	_ =	shalt  }
0x5d: {  	_ =	shalt  }
0x5e: {  	_ =	shalt  }
0x5f: {  	_ =	shalt  }
0x60: {  	_ =	shalt  }
0x61: {  	_ =	shalt  }
0x62: {  	_ =	shalt  }
0x63: {  	_ =	shalt  }
0x64: {  	_ =	shalt  }
0x65: {  	_ =	shalt  }
0x66: {  	_ =	shalt  }
0x67: {  	_ =	shalt  }
0x68: {  	_ =	shalt  }
0x69: {  	_ =	shalt  }
0x6a: {  	_ =	shalt  }
0x6b: {  	_ =	shalt  }
0x6c: {  	_ =	shalt  }
0x6d: {  	_ =	shalt  }
0x6e: {  	_ =	shalt  }
0x6f: {  	_ =	shalt  }
0x70: {  	_ =	shalt  }
0x71: {  	_ =	shalt  }
0x72: {  	_ =	shalt  }
0x73: {  	_ =	shalt  }
0x74: {  	_ =	shalt  }
0x75: {  	_ =	shalt  }
0x76: {  	_ =	shalt  }
0x77: {  	_ =	shalt  }
0x78: {  	_ =	shalt  }
0x79: {  	_ =	shalt  }
0x7a: {  	_ =	shalt  }
0x7b: {  	_ =	shalt  }
0x7c: {  	_ =	shalt  }
0x7d: {  	_ =	shalt  }
0x7e: {  	_ =	shalt  }
0x7f: {  	_ =	shalt  }
0x80: {  	_ =	shalt  }
0x81: {  	_ =	shalt  }
0x82: {  	_ =	shalt  }
0x83: {  	_ =	shalt  }
0x84: {  	_ =	shalt  }
0x85: {  	_ =	shalt  }
0x86: {  	_ =	shalt  }
0x87: {  	_ =	shalt  }
.Lfunc_end0:
.L_simem_size_0:
called_computation.2_lowered:
.L_overlay_start_0:
0x88: {  	s2 =	sld [smem:$0x3FD9]  }
0x89: {  	s3 =	sld [smem:$0x3FFE];
	_ =	sdelay $0x1  }
0x8a: {  	s1 =	srdreg.scid  }
0x8b: {  	s0 =	sand.u32 $0x1, s1  }
0x8c: {  	s17 =	sshll.u32 s0, $0xA;
	s2 =	sadd.s32 s3, s2  }
0x8d: {  	s2 =	sadd.s32 s2, s17  }
0x8e: {  	[smem:$0x3FC2] =	sst s2  }
0x8f: {  	_ = 	snop  }
0x90: {  	s2 =	sld [smem:$0x3FD0];
	(tm) =	ssettm $0x1  }
0x91: {  	s18 =	sld [smem:$0x3FFB];
	_ =	sdelay $0x3  }
0x92: {  	_ =	strace s18  }
0x93: {  	s3 =	sld [smem:$0x3FFC];
	_ =	sdelay $0x3  }
0x94: {  	_ =	strace s3  }
0x95: {  	s3 =	sld [smem:$0x3FFD];
	_ =	sdelay $0x3  }
0x96: {  	_ =	strace s3  }
0x97: {  	_ =	strace $0x8FFFFFFF  }
0x98: {  	s19 =	sld [smem:$0x3FDB];
	_ =	sdelay $0x1  }
0x99: {  	s4 =	simm.s32 $_scs_section_size  }
0x9a: {  	s5 =	simm.s32 $_size__tile_overlayer_lowered;
	s6 =	simm.s32 $_tile_overlayer_lowered  }
0x9b: {  	s22 =	simm.s32 $0x1BFF;
	s21 =	sshll.u32 s6, $0x1;
	s3 =	sadd.s32 s4, s19  }
0x9c: {  	s7 =	simm.s32 $0x0;
	s20 =	sshll.u32 s5, $0x1;
	s5 =	sadd.s32 s21, s3  }
0x9d: {  	[timem:s7], [sflag:s22] =	dma.local [hbm:s5], s20  }
0x9e: {  	_ =	swait.ge [sflag:s22], s20  }
0x9f: {  	s4 =	ssub.s32 $0x0, s20;
	[sflag:s22] =	ssyncset.done $0x0  }
0xa0: {  	[sflag:s22] =	ssyncadd.s32 s4;
	_ =	sdelay $0x1  }
0xa1: {  	s23 =	simm.s32 $0x1B8B  }
0xa2: {  	_ =	swait.ge [sflag:s23], $0x1  }
0xa3: {  	[sflag:s23] =	ssyncset.done $0x0  }
0xa4: {  	s25 =	simm.s32 $0x1B8E;
	s24 =	sld [smem:$0x3FFE];
	[sflag:s23] =	ssyncadd.s32 $0xFFFFFFFF  }
0xa5: {  	s26 =	simm.s32 $execute0_lowered;
	[smem:$0x3FD2] =	sst s25  }
0xa6: {  	s5 =	sshll.u32 s26, $0x1;
	_ =	strace $0x8000004C;
	[dreg:$0x1] =	wrdreg $0xFFFFFFFF  }
0xa7: {  	s28 =	simm.s32 $_size_execute0_lowered;
	s3 =	sadd.s32 s3, s5;
	[dreg:$0x0] =	wrdreg $0x0  }
0xa8: {  	s5 =	sshll.u32 s28, $0x1;
	[dreg:$0x2] =	wrdreg s3  }
0xa9: {  	[dreg:$0x3] =	wrdreg s5  }
0xaa: {  	[dreg:$0x4] =	wrdreg $0xC0  }
0xab: {  	_ =	task [dreg:s7], $0x5FFFF  }
0xac: {  	[dreg:$0x1] =	wrdreg $0xFFFFFFFF  }
0xad: {  	[dreg:$0x0] =	wrdreg $0x60  }
0xae: {  	[dreg:$0x2] =	wrdreg s2  }
0xaf: {  	[dreg:$0x3] =	wrdreg s24  }
0xb0: {  	[dreg:$0x4] =	wrdreg $0x83000  }
0xb1: {  	[dreg:$0x5] =	wrdreg $0x9  }
0xb2: {  	_ =	task.clear_ibuf [dreg:s7], $0x6FFFF;
	_ =	strace $0x9000004C  }
0xb3: {  	s29 =	simm.s32 $0x9;
	_ =	strace $0x8000004E  }
0xb4: {  	_ =	swait.ge [sflag:s29], $0x1  }
0xb5: {  	[sflag:s29] =	ssyncadd.s32 $0xFFFFFFFF  }
0xb6: {  	_ =	strace $0x9000004E  }
0xb7: {  	_ =	sfence  }
0xb8: {  	s30 =	sld [smem:$0x0];
	_ =	sdelay $0x2  }
0xb9: {  	s31 =	sshll.u32 s1, $0xD;
	s1 =	sshrl.u32 s1, $0x2  }
0xba: {  	s3 =	sand.u32 $0x4000, s31;
	s1 =	sadd.s32 s1, s30  }
0xbb: {  	s0 =	sor.u32 s3, s0;
	s1 =	sshll.u32 s1, $0x11  }
0xbc: {  	s0 =	sor.u32 s1, s0  }
0xbd: {  	s0 =	sadd.s32 $0x8F2B, s0  }
0xbe: {  	[sflag:s0] =	ssyncadd.remote.s32 $0x1  }
0xbf: {  	_ =	sfence.sel $0xFFFF  }
0xc0: {  	[dreg:$0x0] =	wrdreg $0xFFFFFFFF;
	(pc) =	sbr.abs _section_cstart, $3  }
0xc1: {  	[dreg:$0x1] =	wrdreg $0xFFFFFFFF  }
0xc2: {  	_ =	task.clear_ibuf [dreg:s7], $0x2FFFF;
	_ =	strace $0x9FFFFFFF  }
0xc3: {  	(tm) =	ssettm $0x7FFFFFFF  }
tec
execute0_lowered:
.L_overlay_start_1:
0x0: {  	(tag) =	ssettag $0x1  }
0x1: {  	s1 =	rddreg [dreg:$0x0]  }
0x2: {  	s0 =	rddreg [dreg:$0x1]  }
0x3: {  	s2 =	rddreg [dreg:$0x2];
	s3 =	srdreg.scid;
	s4 =	simm.s32 $0x0  }
0x4: {  	s12 =	stileid.u32;
	s28 =	simm.s32 $0x9;
	s29 =	simm.s32 $0x2  }
0x5: {  	s30 =	simm.s32 $0x4;
	s31 =	simm.s32 $0x7;
	s3 =	sand.u32 $0x1, s3  }
0x6: {  	[smem:$0x7FF] =	sst s4;
	s7 =	smul.u32 $0x14000, s12;
	s5 =	sadd.s32 $0x2800, s0  }
0x7: {  	s10 =	sadd.s32 $0x1, s12;
	s6 =	smul.u32 $0x140000, s3;
	s24 =	sor.u32 $0x138, s3  }
0x8: {  	_ =	strace $0x8000004D;
	s8 =	ssub.s32 $0x2, s3;
	s9 =	smul.u32 s12, s24  }
0x9: {  	s3 =	ssub.s32 $0x0, s3;
	s11 =	sshrl.u32 s8, $0x1;
	s12 =	smul.u32 $0x50000, s12  }
0xa: {  	s3 =	sand.u32 $0x138, s3;
	s6 =	sadd.s32 s7, s6;
	s7 =	smul.u32 s24, s10  }
0xb: {  	s8 =	ssub.s32 s8, s11;
	s6 =	sshrl.u32 s6, $0x3;
	s25 =	sshrl.u32 s9, $0x4  }
0xc: {  	s17 =	sshrl.u32 s12, $0x2;
	s9 =	sshrl.u32 s9, $0x2;
	s12 =	simm.s32 $0xA  }
0xd: {  	s0 =	sadd.s32 s6, s0;
	s7 =	sshrl.u32 s7, $0x4;
	s17 =	sadd.s32 s17, s2  }
0xe: {  	s26 =	sadd.s32 s3, s25;
	s21 =	sadd.s32 $0x4000, s17;
	[dreg:$0x8] =	wrdreg s17  }
0xf: {  	s9 =	sand.u32 $0x7FC, s9;
	s22 =	sadd.s32 $0x8000, s17;
	[dreg:$0xb] =	wrdreg s21  }
0x10: {  	s13 =	sadd.s32 s3, s7;
	s23 =	sadd.s32 $0xC000, s17;
	[dreg:$0xc] =	wrdreg s22  }
0x11: {  	s15 =	ssub.s32 s7, s25;
	s24 =	sadd.s32 $0x10000, s17;
	[dreg:$0xd] =	wrdreg s23  }
0x12: {  	s10 =	sshll.u32 s26, $0x6;
	s0 =	sadd.s32 $0x16200, s0;
	[dreg:$0xe] =	wrdreg s24  }
0x13: {  	s3 =	sshll.u32 s3, $0x2;
	s25 =	smax.u32 s8, $0x1;
	[dreg:$0xf] =	wrdreg s0  }
0x14: {  	s14 =	sshll.u32 s13, $0x2;
	s16 =	sadd.s32 s5, s10;
	[dreg:$0x10] =	wrdreg s25  }
0x15: {  	s26 =	sadd.s32 s9, s3;
	s21 =	simm.s32 $0x100;
	s22 =	simm.s32 $0x180  }
0x16: {  	s23 =	simm.s32 $0x200;
	p0 =	slt.s32 s15, $0x1;
	s24 =	simm.s32 $0x1  }
0x17: {  	s25 =	simm.s32 $0x300;
	s0 =	simm.s32 $0x280;
	s3 =	simm.s32 $0x5  }
0x18: {  	s9 =	simm.s32 $0x8;
	s10 =	simm.s32 $0x6;
	[dreg:$0x5] =	wrdreg s16  }
.Ltmp0:
0x19: {  	s18 =	sadd.s32 $0x10, s16;
	[dreg:$0x4] =	wrdreg s26;
	(pc) =	sbr.rel .LBB2_1-.Ltmp0, $4  }
0x1a: {  	s13 =	simm.s32 $0x3;
	s19 =	sadd.s32 $0x9C40, s16;
	[dreg:$0x6] =	wrdreg s18  }
0x1b: {  	s11 =	sadd.s32 $0xFFFFFFFF, s14;
	s20 =	sadd.s32 $0x9C50, s16;
	[dreg:$0x7] =	wrdreg s19  }
0x1c: {  	s6 =	sadd.s32 $0x9C60, s16;
	s26 =	simm.s32 $0x4300;
	[dreg:$0x9] =	wrdreg s20  }
0x1d: {  	v0 =	vimm.f32 $0.0e+00;
	[dreg:$0xa] =	wrdreg s6;
	s20 =	simm.s32 $0x80;
	s18 =	simm.s32 $0x0  }
.LBB2_6:
0x1e: {  	[sflag:s9] =	ssyncset.done $0x0  }
0x1f: {  	[sflag:s9] =	ssyncadd.s32 $0xFFFFC000  }
0x20: {  	[spmem:s2] =	stream.indirect.scatter.add.f32 [tilespmem:s26], [sflag:$0xA], $0x80, s0, s20, $0xb8;
	[tilespmem:$0x1C300] =	vst v63  }
0x21: {  	s6 =	sadd.s32 s5, s18;
	s17 =	rddreg [dreg:$0x8]  }
0x22: {  	[tilespmem:s20], [sflag:$0x2] =	stream.linear.gather [hbm4b:s6+s4], $0x80, $0x38;
	[tilespmem:$0x1C300] =	vst v63  }
0x23: {  	s19 =	sadd.s32 s5, s19;
	s18 =	rddreg [dreg:$0x11]  }
0x24: {  	[tilespmem:s23], [sflag:$0x5] =	stream.linear.gather [hbm4b:s19+s4], $0x80, $0x38;
	[tilespmem:$0x1C300] =	vst v63  }
.LBB2_7:
0x25: {  	_ =	swait.ge [sflag:s12], $0x4000  }
0x26: {  	[sflag:s12] =	ssyncset.done $0x0  }
0x27: {  	[sflag:s12] =	ssyncadd.s32 $0xFFFFC000  }
0x28: {  	_ =	swait.ge [sflag:s31], $0x4000  }
0x29: {  	[sflag:s31] =	ssyncset.done $0x0  }
0x2a: {  	[sflag:s31] =	ssyncadd.s32 $0xFFFFC000  }
0x2b: {  	_ =	swait.ge [sflag:s29], $0x80  }
0x2c: {  	[sflag:s29] =	ssyncset.done $0x0  }
0x2d: {  	[sflag:s29] =	ssyncadd.s32 $0xFFFFFF80  }
0x2e: {  	_ =	swait.ge [sflag:s30], $0x80  }
0x2f: {  	[sflag:s30] =	ssyncset.done $0x0  }
0x30: {  	[sflag:s30] =	ssyncadd.s32 $0xFFFFFF80  }
0x31: {  	_ =	swait.ge [sflag:s3], $0x80  }
0x32: {  	[sflag:s3] =	ssyncset.done $0x0  }
0x33: {  	s6 =	stileid.u32;
	[sflag:s3] =	ssyncadd.s32 $0xFFFFFF80  }
0x34: {  	s7 =	sshrl.u32 s17, $0x3;
	s6 =	sshll.u32 s6, $0x6;
	[bflag:$0x0] =	sbarrier.arrive $0xFFFF  }
0x35: {  	s16 =	simm.s32 $0xB;
	s6 =	sor.u32 $0x1C0B, s6;
	s8 =	rddreg [dreg:$0xf]  }
0x36: {  	[hbm:s8], [sflag:s6] =	dma.local [spmem:s7], $0x2800  }
0x37: {  	_ =	swait.ge [sflag:s16], $0x2800  }
0x38: {  	s18 =	sadd.s32 $0x1, s18;
	s19 =	rddreg [dreg:$0x10]  }
0x39: {  	p1 =	sne.s32 s18, s19  }
.Ltmp1:
0x3a: {  	_ = 	snop;
	(pc) =	sbr.rel @!p1 .LBB2_8-.Ltmp1, $3  }
0x3b: {  	_ =	sdelay $0x1  }
0x3c: {  	[sflag:s16] =	ssyncset.done $0x0  }
0x3d: {  	[sflag:s16] =	ssyncadd.s32 $0xFFFFD800  }
.LBB2_1:
0x3e: {  	s6 =	rddreg [dreg:$0x5]  }
0x3f: {  	[tilespmem:s4], [sflag:$0x1] =	stream.linear.gather [hbm4b:s6+s4], $0x80, $0x38;
	[tilespmem:$0x1C300] =	vst v63  }
0x40: {  	s8 =	rddreg [dreg:$0x6]  }
0x41: {  	[tilespmem:s20], [sflag:$0x2] =	stream.linear.gather [hbm4b:s8+s4], $0x80, $0x38;
	[tilespmem:$0x1C300] =	vst v63  }
0x42: {  	s14 =	rddreg [dreg:$0x7]  }
0x43: {  	[tilespmem:s21], [sflag:$0x3] =	stream.linear.gather [hbm4b:s14+s4], $0x80, $0x38;
	[tilespmem:$0x1C300] =	vst v63  }
0x44: {  	s16 =	rddreg [dreg:$0x9]  }
0x45: {  	[tilespmem:s22], [sflag:$0x4] =	stream.linear.gather [hbm4b:s16+s4], $0x80, $0x38;
	[tilespmem:$0x1C300] =	vst v63  }
0x46: {  	s19 =	rddreg [dreg:$0xa];
	s8 =	simm.s32 $0x0;
	s14 =	simm.s32 $0x200  }
0x47: {  	[tilespmem:s23], [sflag:$0x5] =	stream.linear.gather [hbm4b:s19+s4], $0x80, $0x38;
	[tilespmem:$0x1C300] =	vst v63  }
.LBB2_2:
0x48: {  	p1 =	sne.s32 s14, $0xFE00;
	[tilespmem:s8+$0x4370] =	vst v0  }
0x49: {  	[tilespmem:s8+$0x4300] =	vst v0  }
0x4a: {  	[tilespmem:s8+$0x4310] =	vst v0  }
.Ltmp2:
0x4b: {  	[tilespmem:s8+$0x4320] =	vst v0;
	(pc) =	sbr.rel @p1 .LBB2_2-.Ltmp2, $4  }
0x4c: {  	[tilespmem:s8+$0x4330] =	vst v0  }
0x4d: {  	[tilespmem:s8+$0x4340] =	vst v0  }
0x4e: {  	[tilespmem:s8+$0x4350] =	vst v0  }
0x4f: {  	[tilespmem:s8+$0x4360] =	vst v0;
	s8 =	sshra.s32 s14, $0x2;
	s14 =	sadd.s32 $0x200, s14  }
0x50: {  	[tilespmem:s8+$0x4370] =	vst v0  }
0x51: {  	[tilespmem:s8+$0x4300] =	vst v0  }
0x52: {  	[tilespmem:s8+$0x4310] =	vst v0  }
0x53: {  	[tilespmem:s8+$0x4320] =	vst v0  }
0x54: {  	[tilespmem:s8+$0x4330] =	vst v0  }
0x55: {  	[tilespmem:s8+$0x4340] =	vst v0  }
0x56: {  	[tilespmem:s8+$0x4350] =	vst v0  }
0x57: {  	[tilespmem:s8+$0x4360] =	vst v0  }
0x58: {  	_ =	swait.ge [sflag:s24], $0x80  }
0x59: {  	[sflag:s24] =	ssyncset.done $0x0  }
0x5a: {  	s16 =	simm.s32 $0x0;
	[sflag:s24] =	ssyncadd.s32 $0xFFFFFF80  }
0x5b: {  	[tilespmem:s25], [sflag:$0x7] =	stream.indirect.gather [hbm4b:s1+s20], $0x80, s16, s20, $0xb8;
	[tilespmem:$0x1C300] =	vst v63  }
0x5c: {  	_ = 	snop  }
0x5d: {  	[spmem:s17] =	stream.linear.scatter [tilespmem:s26], [sflag:$0x9], $0x4000, $0x38;
	[tilespmem:$0x1C300] =	vst v63  }
0x5e: {  	s6 =	rddreg [dreg:$0xb]  }
0x5f: {  	[spmem:s6] =	stream.linear.scatter [tilespmem:s26], [sflag:$0x9], $0x4000, $0x38;
	[tilespmem:$0x1C300] =	vst v63  }
0x60: {  	s8 =	rddreg [dreg:$0xc]  }
0x61: {  	[spmem:s8] =	stream.linear.scatter [tilespmem:s26], [sflag:$0x9], $0x4000, $0x38;
	[tilespmem:$0x1C300] =	vst v63  }
0x62: {  	s14 =	rddreg [dreg:$0xd]  }
0x63: {  	[spmem:s14] =	stream.linear.scatter [tilespmem:s26], [sflag:$0x9], $0x4000, $0x38;
	[tilespmem:$0x1C300] =	vst v63  }
0x64: {  	s19 =	rddreg [dreg:$0xe]  }
0x65: {  	[spmem:s19] =	stream.linear.scatter [tilespmem:s26], [sflag:$0x9], $0x4000, $0x38;
	[tilespmem:$0x1C300] =	vst v63  }
0x66: {  	_ =	swait.ge [sflag:s28], $0x4000  }
0x67: {  	[sflag:s28] =	ssyncset.done $0x0  }
0x68: {  	[sflag:s28] =	ssyncadd.s32 $0xFFFFC000  }
0x69: {  	_ =	swait.ge [sflag:s28], $0x4000  }
0x6a: {  	[sflag:s28] =	ssyncset.done $0x0  }
0x6b: {  	[sflag:s28] =	ssyncadd.s32 $0xFFFFC000  }
0x6c: {  	_ =	swait.ge [sflag:s28], $0x4000  }
0x6d: {  	[sflag:s28] =	ssyncset.done $0x0  }
0x6e: {  	[sflag:s28] =	ssyncadd.s32 $0xFFFFC000  }
0x6f: {  	_ =	swait.ge [sflag:s28], $0x4000  }
0x70: {  	[sflag:s28] =	ssyncset.done $0x0  }
0x71: {  	[sflag:s28] =	ssyncadd.s32 $0xFFFFC000  }
.Ltmp3:
0x72: {  	_ =	swait.ge [sflag:s28], $0x4000;
	(pc) =	sbr.rel @p0 .LBB2_7-.Ltmp3, $3  }
0x73: {  	[sflag:s28] =	ssyncset.done $0x0  }
0x74: {  	[sflag:s28] =	ssyncadd.s32 $0xFFFFC000  }
0x75: {  	[bflag:$0x0] =	sbarrier.arrive $0xFFFF;
	_ =	sdelay $0x1  }
0x76: {  	[dreg:$0x11] =	wrdreg s18  }
0x77: {  	_ =	swait.ge [sflag:s29], $0x80  }
0x78: {  	[sflag:s29] =	ssyncset.done $0x0  }
0x79: {  	[sflag:s29] =	ssyncadd.s32 $0xFFFFFF80  }
0x7a: {  	_ =	swait.ge [sflag:s30], $0x80  }
0x7b: {  	p1 =	seq.s32 s16, $0x0;
	[sflag:s30] =	ssyncset.done $0x0  }
0x7c: {  	s8 =	simm.s32 @!p1 $0xA;
	[sflag:s30] =	ssyncadd.s32 $0xFFFFFF80  }
0x7d: {  	_ =	swait.ge @!p1 [sflag:s8], $0x4000  }
0x7e: {  	[sflag:s8] =	ssyncset.done @!p1 $0x0  }
0x7f: {  	[sflag:s8] =	ssyncadd.s32 @!p1 $0xFFFFC000  }
0x80: {  	[tilespmem:s26], [sflag:$0x8] =	stream.indirect.gather [hbm4b:s1+s20], $0x80, s20, s20, $0xb8;
	[tilespmem:$0x1C300] =	vst v63  }
0x81: {  	_ =	swait.ge [sflag:s31], $0x4000  }
0x82: {  	[sflag:s31] =	ssyncset.done $0x0;
	s14 =	rddreg [dreg:$0x4]  }
0x83: {  	[sflag:s31] =	ssyncadd.s32 $0xFFFFC000;
	s8 =	sadd.s32 s16, s14  }
0x84: {  	[spmem:s2] =	stream.indirect.scatter.add.f32 [tilespmem:s25], [sflag:$0x9], $0x80, s21, s20, $0xb8;
	[tilespmem:$0x1C300] =	vst v63  }
0x85: {  	s18 =	smov.u32 s11;
	s14 =	sadd.s32 $0x2, s8;
	s17 =	sadd.s32 $0x3, s8  }
0x86: {  	s19 =	smov.u32 s11;
	p1 =	slt.s32 s14, s11;
	p2 =	slt.s32 s17, s11  }
0x87: {  	s18 =	smov.u32 @p1 s14;
	s19 =	smov.u32 @p2 s17  }
0x88: {  	s14 =	sshll.u32 s18, $0x4;
	s17 =	sshll.u32 s19, $0x7  }
0x89: {  	s14 =	sand.u32 $0x1FFFFFF0, s14;
	s17 =	sadd.s32 $0x4E200, s17  }
0x8a: {  	s14 =	sadd.s32 s5, s14;
	s17 =	sshrl.u32 s17, $0x3  }
0x8b: {  	[tilespmem:s4], [sflag:$0x1] =	stream.linear.gather [hbm4b:s14+s4], $0x80, $0x38;
	[tilespmem:$0x1C300] =	vst v63  }
0x8c: {  	s17 =	sadd.s32 s5, s17  }
0x8d: {  	[tilespmem:s0], [sflag:$0x6] =	stream.linear.gather [hbm4b:s17+s4], $0x80, $0x38;
	[tilespmem:$0x1C300] =	vst v63  }
0x8e: {  	_ =	swait.ge [sflag:s24], $0x80  }
0x8f: {  	[sflag:s24] =	ssyncset.done $0x0  }
0x90: {  	[sflag:s24] =	ssyncadd.s32 $0xFFFFFF80  }
0x91: {  	_ =	swait.ge [sflag:s3], $0x80  }
0x92: {  	[sflag:s3] =	ssyncset.done $0x0  }
0x93: {  	[sflag:s3] =	ssyncadd.s32 $0xFFFFFF80  }
0x94: {  	_ =	swait.ge [sflag:s28], $0x4000  }
0x95: {  	s14 =	sadd.s32 $0x4, s8;
	[sflag:s28] =	ssyncset.done $0x0  }
0x96: {  	p1 =	slt.s32 s14, s11;
	s17 =	smov.u32 s11;
	[sflag:s28] =	ssyncadd.s32 $0xFFFFC000  }
0x97: {  	[tilespmem:s25], [sflag:$0x7] =	stream.indirect.gather [hbm4b:s1+s20], $0x80, s4, s20, $0xb8;
	[tilespmem:$0x1C300] =	vst v63  }
0x98: {  	s17 =	smov.u32 @p1 s14;
	_ =	swait.ge [sflag:s9], $0x4000  }
0x99: {  	s18 =	sshll.u32 s19, $0x4;
	s19 =	sshll.u32 s17, $0x7;
	[sflag:s9] =	ssyncset.done $0x0  }
0x9a: {  	s14 =	sand.u32 $0x1FFFFFF0, s18;
	s18 =	sadd.s32 $0x4E200, s19;
	[sflag:s9] =	ssyncadd.s32 $0xFFFFC000  }
0x9b: {  	[spmem:s2] =	stream.indirect.scatter.add.f32 [tilespmem:s26], [sflag:$0xA], $0x80, s22, s20, $0xb8;
	[tilespmem:$0x1C300] =	vst v63  }
0x9c: {  	s14 =	sadd.s32 s5, s14;
	s18 =	sshrl.u32 s18, $0x3  }
0x9d: {  	[tilespmem:s20], [sflag:$0x2] =	stream.linear.gather [hbm4b:s14+s4], $0x80, $0x38;
	[tilespmem:$0x1C300] =	vst v63  }
0x9e: {  	s6 =	sadd.s32 s5, s18  }
0x9f: {  	[tilespmem:s21], [sflag:$0x3] =	stream.linear.gather [hbm4b:s6+s4], $0x80, $0x38;
	[tilespmem:$0x1C300] =	vst v63  }
0xa0: {  	_ =	swait.ge [sflag:s29], $0x80  }
0xa1: {  	[sflag:s29] =	ssyncset.done $0x0  }
0xa2: {  	[sflag:s29] =	ssyncadd.s32 $0xFFFFFF80  }
0xa3: {  	_ =	swait.ge [sflag:s10], $0x80  }
0xa4: {  	[sflag:s10] =	ssyncset.done $0x0  }
0xa5: {  	[sflag:s10] =	ssyncadd.s32 $0xFFFFFF80  }
0xa6: {  	_ =	swait.ge [sflag:s12], $0x4000  }
0xa7: {  	s17 =	sshll.u32 s17, $0x4;
	s14 =	sadd.s32 $0x5, s8;
	[sflag:s12] =	ssyncset.done $0x0  }
0xa8: {  	s18 =	smov.u32 s11;
	p1 =	slt.s32 s14, s11;
	[sflag:s12] =	ssyncadd.s32 $0xFFFFC000  }
0xa9: {  	[tilespmem:s26], [sflag:$0x8] =	stream.indirect.gather [hbm4b:s1+s20], $0x80, s20, s20, $0xb8;
	[tilespmem:$0x1C300] =	vst v63  }
0xaa: {  	s17 =	sand.u32 $0x1FFFFFF0, s17;
	s18 =	smov.u32 @p1 s14;
	_ =	swait.ge [sflag:s31], $0x4000  }
0xab: {  	s7 =	sadd.s32 s5, s17;
	s17 =	sshll.u32 s18, $0x7;
	[sflag:s31] =	ssyncset.done $0x0  }
0xac: {  	s14 =	sadd.s32 $0x4E200, s17;
	[sflag:s31] =	ssyncadd.s32 $0xFFFFC000  }
0xad: {  	[spmem:s2] =	stream.indirect.scatter.add.f32 [tilespmem:s25], [sflag:$0x9], $0x80, s23, s20, $0xb8;
	[tilespmem:$0x1C300] =	vst v63  }
0xae: {  	s14 =	sshrl.u32 s14, $0x3  }
0xaf: {  	[tilespmem:s4], [sflag:$0x1] =	stream.linear.gather [hbm4b:s7+s4], $0x80, $0x38;
	[tilespmem:$0x1C300] =	vst v63  }
0xb0: {  	s14 =	sadd.s32 s5, s14  }
0xb1: {  	[tilespmem:s22], [sflag:$0x4] =	stream.linear.gather [hbm4b:s14+s4], $0x80, $0x38;
	[tilespmem:$0x1C300] =	vst v63  }
0xb2: {  	_ =	swait.ge [sflag:s24], $0x80  }
0xb3: {  	[sflag:s24] =	ssyncset.done $0x0  }
0xb4: {  	s8 =	sadd.s32 $0x6, s8;
	[sflag:s24] =	ssyncadd.s32 $0xFFFFFF80  }
0xb5: {  	p1 =	slt.s32 s8, s11;
	_ =	swait.ge [sflag:s13], $0x80  }
0xb6: {  	s17 =	sadd.s32 $0x1, s16;
	s14 =	smov.u32 s11;
	[sflag:s13] =	ssyncset.done $0x0  }
0xb7: {  	s14 =	smov.u32 @p1 s8;
	p1 =	slt.s32 s17, s15;
	[sflag:s13] =	ssyncadd.s32 $0xFFFFFF80  }
.Ltmp4:
0xb8: {  	_ =	swait.ge [sflag:s28], $0x4000;
	(pc) =	sbr.rel @!p1 .LBB2_6-.Ltmp4, $4  }
0xb9: {  	s8 =	sshll.u32 s14, $0x7;
	[sflag:s28] =	ssyncset.done $0x0  }
0xba: {  	s19 =	sshll.u32 s18, $0x4;
	s8 =	sadd.s32 $0x4E200, s8;
	[sflag:s28] =	ssyncadd.s32 $0xFFFFC000  }
0xbb: {  	[tilespmem:s25], [sflag:$0x7] =	stream.indirect.gather [hbm4b:s1+s20], $0x80, s4, s20, $0xb8;
	[tilespmem:$0x1C300] =	vst v63  }
0xbc: {  	s18 =	sand.u32 $0x1FFFFFF0, s19;
	s19 =	sshrl.u32 s8, $0x3;
	_ =	swait.ge [sflag:s9], $0x4000  }
.LBB2_5:
0xbd: {  	[sflag:s9] =	ssyncset.done $0x0  }
0xbe: {  	[sflag:s9] =	ssyncadd.s32 $0xFFFFC000  }
0xbf: {  	[spmem:s2] =	stream.indirect.scatter.add.f32 [tilespmem:s26], [sflag:$0xA], $0x80, s0, s20, $0xb8;
	[tilespmem:$0x1C300] =	vst v63  }
0xc0: {  	s8 =	sadd.s32 s5, s18  }
0xc1: {  	[tilespmem:s20], [sflag:$0x2] =	stream.linear.gather [hbm4b:s8+s4], $0x80, $0x38;
	[tilespmem:$0x1C300] =	vst v63  }
0xc2: {  	s14 =	sadd.s32 s5, s19  }
0xc3: {  	[tilespmem:s23], [sflag:$0x5] =	stream.linear.gather [hbm4b:s14+s4], $0x80, $0x38;
	[tilespmem:$0x1C300] =	vst v63  }
0xc4: {  	_ =	swait.ge [sflag:s29], $0x80  }
0xc5: {  	[sflag:s29] =	ssyncset.done $0x0  }
0xc6: {  	[sflag:s29] =	ssyncadd.s32 $0xFFFFFF80  }
0xc7: {  	s16 =	sadd.s32 $0x4, s16;
	_ =	swait.ge [sflag:s30], $0x80  }
0xc8: {  	p2 =	seq.s32 s16, $0x0;
	[sflag:s30] =	ssyncset.done $0x0  }
0xc9: {  	s8 =	simm.s32 @!p2 $0xA;
	[sflag:s30] =	ssyncadd.s32 $0xFFFFFF80  }
0xca: {  	_ =	swait.ge @!p2 [sflag:s8], $0x4000  }
0xcb: {  	[sflag:s8] =	ssyncset.done @!p2 $0x0  }
0xcc: {  	[sflag:s8] =	ssyncadd.s32 @!p2 $0xFFFFC000  }
0xcd: {  	[tilespmem:s26], [sflag:$0x8] =	stream.indirect.gather [hbm4b:s1+s20], $0x80, s20, s20, $0xb8;
	[tilespmem:$0x1C300] =	vst v63  }
0xce: {  	_ =	swait.ge [sflag:s31], $0x4000  }
0xcf: {  	[sflag:s31] =	ssyncset.done $0x0;
	s19 =	rddreg [dreg:$0x4]  }
0xd0: {  	[sflag:s31] =	ssyncadd.s32 $0xFFFFC000;
	s14 =	sadd.s32 s16, s19  }
0xd1: {  	[spmem:s2] =	stream.indirect.scatter.add.f32 [tilespmem:s25], [sflag:$0x9], $0x80, s21, s20, $0xb8;
	[tilespmem:$0x1C300] =	vst v63  }
0xd2: {  	s17 =	sadd.s32 $0x1, s17;
	s8 =	sadd.s32 $0x2, s14  }
0xd3: {  	s7 =	smov.u32 s11;
	s18 =	sadd.s32 $0x3, s14;
	p3 =	slt.s32 s8, s11  }
0xd4: {  	p4 =	slt.s32 s18, s11;
	s7 =	smov.u32 @p3 s8;
	s8 =	smov.u32 s11  }
0xd5: {  	p1 =	slt.s32 s17, s15;
	s8 =	smov.u32 @p4 s18  }
0xd6: {  	s21 =	smov.u32 s15;
	s7 =	sshll.u32 s7, $0x4;
	s6 =	sshll.u32 s8, $0x7  }
0xd7: {  	s8 =	sshll.u32 s8, $0x4;
	s7 =	sand.u32 $0x1FFFFFF0, s7;
	s15 =	sadd.s32 $0x4E200, s6  }
0xd8: {  	s6 =	sand.u32 $0x1FFFFFF0, s8;
	s7 =	sadd.s32 s5, s7;
	s8 =	sshrl.u32 s15, $0x3  }
0xd9: {  	[tilespmem:s4], [sflag:$0x1] =	stream.linear.gather [hbm4b:s7+s4], $0x80, $0x38;
	[tilespmem:$0x1C300] =	vst v63  }
0xda: {  	s19 =	sadd.s32 $0x4, s14;
	s8 =	sadd.s32 s5, s8  }
0xdb: {  	[tilespmem:s0], [sflag:$0x6] =	stream.linear.gather [hbm4b:s8+s4], $0x80, $0x38;
	[tilespmem:$0x1C300] =	vst v63  }
0xdc: {  	p2 =	slt.s32 s19, s11;
	_ =	swait.ge [sflag:s24], $0x80  }
0xdd: {  	s18 =	sadd.s32 $0x5, s14;
	s15 =	smov.u32 s11;
	[sflag:s24] =	ssyncset.done $0x0  }
0xde: {  	s15 =	smov.u32 @p2 s19;
	p2 =	slt.s32 s18, s11;
	[sflag:s24] =	ssyncadd.s32 $0xFFFFFF80  }
0xdf: {  	s19 =	sshll.u32 s15, $0x7;
	s15 =	sshll.u32 s15, $0x4;
	_ =	swait.ge [sflag:s3], $0x80  }
0xe0: {  	s19 =	sadd.s32 $0x4E200, s19;
	s8 =	sand.u32 $0x1FFFFFF0, s15;
	[sflag:s3] =	ssyncset.done $0x0  }
0xe1: {  	s15 =	smov.u32 s11;
	s7 =	sshrl.u32 s19, $0x3;
	[sflag:s3] =	ssyncadd.s32 $0xFFFFFF80  }
0xe2: {  	s15 =	smov.u32 @p2 s18;
	s19 =	sadd.s32 $0x6, s14;
	_ =	swait.ge [sflag:s28], $0x4000  }
0xe3: {  	s18 =	sshll.u32 s15, $0x7;
	s15 =	sshll.u32 s15, $0x4;
	[sflag:s28] =	ssyncset.done $0x0  }
0xe4: {  	p2 =	slt.s32 s19, s11;
	s14 =	sadd.s32 $0x4E200, s18;
	[sflag:s28] =	ssyncadd.s32 $0xFFFFC000  }
0xe5: {  	[tilespmem:s25], [sflag:$0x7] =	stream.indirect.gather [hbm4b:s1+s20], $0x80, s4, s20, $0xb8;
	[tilespmem:$0x1C300] =	vst v63  }
0xe6: {  	s18 =	sand.u32 $0x1FFFFFF0, s15;
	s15 =	smov.u32 s11;
	_ =	swait.ge [sflag:s9], $0x4000  }
0xe7: {  	s15 =	smov.u32 @p2 s19;
	[sflag:s9] =	ssyncset.done $0x0  }
0xe8: {  	s15 =	sshll.u32 s15, $0x7;
	[sflag:s9] =	ssyncadd.s32 $0xFFFFC000  }
0xe9: {  	[spmem:s2] =	stream.indirect.scatter.add.f32 [tilespmem:s26], [sflag:$0xA], $0x80, s22, s20, $0xb8;
	[tilespmem:$0x1C300] =	vst v63  }
0xea: {  	s6 =	sadd.s32 s5, s6;
	s7 =	sadd.s32 s5, s7;
	s15 =	sadd.s32 $0x4E200, s15  }
0xeb: {  	[tilespmem:s20], [sflag:$0x2] =	stream.linear.gather [hbm4b:s6+s4], $0x80, $0x38;
	[tilespmem:$0x1C300] =	vst v63  }
0xec: {  	s19 =	sshrl.u32 s15, $0x3;
	s15 =	smov.u32 s21;
	s21 =	simm.s32 $0x100  }
0xed: {  	[tilespmem:s21], [sflag:$0x3] =	stream.linear.gather [hbm4b:s7+s4], $0x80, $0x38;
	[tilespmem:$0x1C300] =	vst v63  }
0xee: {  	_ =	swait.ge [sflag:s29], $0x80  }
0xef: {  	[sflag:s29] =	ssyncset.done $0x0  }
0xf0: {  	[sflag:s29] =	ssyncadd.s32 $0xFFFFFF80  }
0xf1: {  	_ =	swait.ge [sflag:s10], $0x80  }
0xf2: {  	[sflag:s10] =	ssyncset.done $0x0  }
0xf3: {  	[sflag:s10] =	ssyncadd.s32 $0xFFFFFF80  }
0xf4: {  	_ =	swait.ge [sflag:s12], $0x4000  }
0xf5: {  	[sflag:s12] =	ssyncset.done $0x0  }
0xf6: {  	[sflag:s12] =	ssyncadd.s32 $0xFFFFC000  }
0xf7: {  	[tilespmem:s26], [sflag:$0x8] =	stream.indirect.gather [hbm4b:s1+s20], $0x80, s20, s20, $0xb8;
	[tilespmem:$0x1C300] =	vst v63  }
0xf8: {  	_ =	swait.ge [sflag:s31], $0x4000  }
0xf9: {  	[sflag:s31] =	ssyncset.done $0x0  }
0xfa: {  	[sflag:s31] =	ssyncadd.s32 $0xFFFFC000  }
0xfb: {  	[spmem:s2] =	stream.indirect.scatter.add.f32 [tilespmem:s25], [sflag:$0x9], $0x80, s23, s20, $0xb8;
	[tilespmem:$0x1C300] =	vst v63  }
0xfc: {  	s8 =	sadd.s32 s5, s8;
	s14 =	sshrl.u32 s14, $0x3  }
0xfd: {  	[tilespmem:s4], [sflag:$0x1] =	stream.linear.gather [hbm4b:s8+s4], $0x80, $0x38;
	[tilespmem:$0x1C300] =	vst v63  }
0xfe: {  	s14 =	sadd.s32 s5, s14  }
0xff: {  	[tilespmem:s22], [sflag:$0x4] =	stream.linear.gather [hbm4b:s14+s4], $0x80, $0x38;
	[tilespmem:$0x1C300] =	vst v63  }
0x100: {  	_ =	swait.ge [sflag:s24], $0x80  }
0x101: {  	[sflag:s24] =	ssyncset.done $0x0  }
0x102: {  	[sflag:s24] =	ssyncadd.s32 $0xFFFFFF80  }
0x103: {  	_ =	swait.ge [sflag:s13], $0x80  }
0x104: {  	[sflag:s13] =	ssyncset.done $0x0  }
0x105: {  	[sflag:s13] =	ssyncadd.s32 $0xFFFFFF80  }
.Ltmp5:
0x106: {  	_ =	swait.ge [sflag:s28], $0x4000;
	(pc) =	sbr.rel @p1 .LBB2_5-.Ltmp5, $4  }
0x107: {  	[sflag:s28] =	ssyncset.done $0x0  }
0x108: {  	[sflag:s28] =	ssyncadd.s32 $0xFFFFC000  }
0x109: {  	[tilespmem:s25], [sflag:$0x7] =	stream.indirect.gather [hbm4b:s1+s20], $0x80, s4, s20, $0xb8;
	[tilespmem:$0x1C300] =	vst v63  }
0x10a: {  	_ =	swait.ge [sflag:s9], $0x4000  }
.Ltmp6:
0x10b: {  	_ = 	snop;
	(pc) =	sbr.rel .LBB2_6-.Ltmp6, $1  }
0x10c: {  	_ =	sdelay $0x3  }
.LBB2_8:
0x10d: {  	_ =	sfence.sel $0x180000  }
0x10e: {  	[bflag:$0x0] =	sbarrier.arrive $0xFFFF  }
0x10f: {  	_ =	strace $0x9000004D  }
0x110: {  	s0 =	stileid.u32;
	[bflag:$0x2] =	sbarrier.arrive $0xFFFF  }
0x111: {  	p0 =	sne.s32 s0, $0x0;
	s0 =	rddreg [dreg:$0x3]  }
0x112: {  	s0 =	sadd.s32 @!p0 $0x100000, s0  }
0x113: {  	[sflag:s0] =	ssyncadd.tile.s32 @!p0 $0x1;
	_ =	shalt  }
.Lfunc_end2:
_tile_overlayer_lowered:
.L_overlay_start_2:
0x114: {  	(tag) =	ssettag $0x2  }
0x115: {  	s0 =	rddreg [dreg:$0x0];
	s2 =	stileid.u32  }
0x116: {  	s1 =	rddreg [dreg:$0x1];
	p0 =	sne.s32 s2, $0x0  }
0x117: {  	s3 =	rddreg [dreg:$0x2];
	[bflag:$0x3] =	sbarrier.arrive $0xFFFF;
	s2 =	simm.s32 @!p0 $0x1C0B  }
0x118: {  	[timem:s3], [sflag:s2] =	dma.local @!p0 [hbm:s0], s1  }
0x119: {  	s0 =	simm.s32 @!p0 $0xB  }
0x11a: {  	_ =	swait.ge @!p0 [sflag:s0], s1  }
0x11b: {  	s1 =	ssub.s32 @!p0 $0x0, s1;
	[sflag:s0] =	ssyncset.done @!p0 $0x0  }
0x11c: {  	[sflag:s0] =	ssyncadd.s32 @!p0 s1  }
0x11d: {  	[bflag:$0x3] =	sbarrier.arrive $0xFFFF  }
0x11e: {  	_ =	shalt  }

// kernel: kernel.9.cloned.1.call-start
scs
__scs_entry_jumppad:
0x0: {  	(pc) =	sbr.rel $0x88, $3  }
0x1: {  	(tag) =	ssettag $0x0;
	lr =	simm.s32 $0x1  }
0x2: {  	[smem:$0x3F9B] =	sst lr;
	_ =	strace $0xD0000000  }
0x3: {  	_ = 	snop  }
0x4: {  	_ = 	snop  }
0x5: {  	_ = 	snop  }
0x6: {  	_ = 	snop  }
0x7: {  	_ = 	snop  }
__scs_overlays_trampoline_lowered:
0x8: {  	[smem:$0x3FAA] =	sst s0  }
0x9: {  	[smem:$0x3FAB] =	sst s1  }
0xa: {  	[smem:$0x3FAC] =	sst s2  }
0xb: {  	[smem:$0x3FAD] =	sst s3  }
0xc: {  	[smem:$0x3FAE] =	sst s4  }
0xd: {  	[smem:$0x3FAF] =	sst s5  }
0xe: {  	[smem:$0x3FB0] =	sst s6  }
0xf: {  	[smem:$0x3FB1] =	sst s7  }
0x10: {  	[smem:$0x3FB2] =	sst s8  }
0x11: {  	[smem:$0x3FB3] =	sst s9;
	s0 =	simm.s32 @!p0 $0x0  }
0x12: {  	s1 =	sld [smem:$0x3F99];
	s0 =	simm.s32 @p0 $0x1  }
0x13: {  	[smem:$0x3FB4] =	sst s0;
	s0 =	simm.s32 @!p1 $0x0  }
0x14: {  	s2 =	sld [smem:$0x3F98];
	s0 =	simm.s32 @p1 $0x1  }
0x15: {  	[smem:$0x3FB5] =	sst s0;
	s0 =	simm.s32 @!p2 $0x0  }
0x16: {  	s3 =	sld [smem:$0x3FDB];
	s0 =	simm.s32 @p2 $0x1  }
0x17: {  	s4 =	simm.s32 $0x1BF5;
	[smem:$0x3FB7] =	sst s0  }
0x18: {  	s0 =	sld [smem:$0x3F9A];
	_ =	swait.ge [sflag:s4], $0x0  }
0x19: {  	s7 =	sld [smem:$0x3F9B]  }
0x1a: {  	s8 =	sadd.s32 $0xFFFFE003, lr  }
0x1b: {  	s9 =	sadd.s32 $0xFFFFFEF7, lr;
	s5 =	simm.s32 $0xFFFFFFFF;
	p2 =	slt.u32 s8, $0xFFFFF086  }
0x1c: {  	p1 =	slt.u32 s9, $0xF7A;
	s5 =	simm.s32 @!p2 $0x0  }
0x1d: {  	s5 =	simm.s32 @p1 $0x1;
	p0 =	seq.s32 s7, s2  }
0x1e: {  	s7 =	smul.u32 @!p0 $0xF7A, s2;
	p2 =	seq.s32 @!p0 s5, $0x0  }
0x1f: {  	s9 =	smul.u32 $0xF7A, s1;
	s8 =	simm.s32 @!p0 $0x1BF5;
	p2 =	por !p2, p0  }
0x20: {  	[sflag:s8] =	ssyncset.s32 @!p0 $0xFFFFF086;
	s6 =	sadd.s32 @!p0 s3, s7;
	s7 =	simm.s32 @!p0 $0x108  }
0x21: {  	s3 =	sadd.s32 s3, s9;
	s6 =	sadd.s32 @!p0 $0x88, s6;
	s7 =	simm.s32 @p2 $0x1082  }
0x22: {  	[simem:s7], [sflag:s8] =	dma.local @!p0 [hbm:s6], $0xF7A  }
0x23: {  	s9 =	sor.u32 $0xD0000000, s2;
	s6 =	simm.s32 $0x108;
	_ =	swait.ge @!p0 [sflag:s8], $0x0  }
0x24: {  	s3 =	sadd.s32 $0x88, s3;
	s6 =	simm.s32 @!p1 $0x1082;
	[sflag:s4] =	ssyncset.s32 $0xFFFFF086  }
0x25: {  	[simem:s6], [sflag:s4] =	dma.local [hbm:s3], $0xF7A  }
0x26: {  	[smem:$0x3F9B] =	sst s1;
	(tag) =	ssettag s2;
	_ =	strace s9  }
0x27: {  	s1 =	sld [smem:$0x3FAB]  }
0x28: {  	s2 =	sld [smem:$0x3FAC]  }
0x29: {  	s4 =	sld [smem:$0x3FAE]  }
0x2a: {  	p0 =	seq.s32 s5, $0x0;
	s5 =	sld [smem:$0x3FAF]  }
0x2b: {  	s6 =	sld [smem:$0x3FB0]  }
0x2c: {  	s7 =	sld [smem:$0x3FB1]  }
0x2d: {  	s3 =	simm.s32 $0x108;
	s8 =	sld [smem:$0x3FB2]  }
0x2e: {  	s3 =	simm.s32 @!p0 $0x1082;
	s9 =	sld [smem:$0x3FB3]  }
0x2f: {  	lr =	sadd.s32 s0, s3;
	s0 =	sld [smem:$0x3FAA]  }
0x30: {  	s3 =	sld [smem:$0x3FAD]  }
0x31: {  	[smem:$0x3FB6] =	sst s10  }
0x32: {  	s10 =	sld [smem:$0x3FB4];
	_ =	sdelay $0x3  }
0x33: {  	p0 =	seq.s32 s10, $0x1;
	s10 =	sld [smem:$0x3FB6];
	_ =	sdelay $0x3  }
0x34: {  	[smem:$0x3FB6] =	sst s10  }
0x35: {  	s10 =	sld [smem:$0x3FB5];
	_ =	sdelay $0x3  }
0x36: {  	p1 =	seq.s32 s10, $0x1;
	s10 =	sld [smem:$0x3FB6];
	_ =	sdelay $0x3  }
0x37: {  	[smem:$0x3FB6] =	sst s10  }
0x38: {  	s10 =	sld [smem:$0x3FB7]  }
0x39: {  	_ = 	snop;
	(pc) =	sbr.ind lr, $3  }
0x3a: {  	_ = 	snop  }
0x3b: {  	_ = 	snop  }
0x3c: {  	p2 =	seq.s32 s10, $0x1;
	s10 =	sld [smem:$0x3FB6]  }
0x3d: {  	_ =	shalt  }
0x3e: {  	_ =	shalt  }
0x3f: {  	_ =	shalt  }
0x40: {  	_ =	shalt  }
0x41: {  	_ =	shalt  }
0x42: {  	_ =	shalt  }
0x43: {  	_ =	shalt  }
0x44: {  	_ =	shalt  }
0x45: {  	_ =	shalt  }
0x46: {  	_ =	shalt  }
0x47: {  	_ =	shalt  }
0x48: {  	_ =	shalt  }
0x49: {  	_ =	shalt  }
0x4a: {  	_ =	shalt  }
0x4b: {  	_ =	shalt  }
0x4c: {  	_ =	shalt  }
0x4d: {  	_ =	shalt  }
0x4e: {  	_ =	shalt  }
0x4f: {  	_ =	shalt  }
0x50: {  	_ =	shalt  }
0x51: {  	_ =	shalt  }
0x52: {  	_ =	shalt  }
0x53: {  	_ =	shalt  }
0x54: {  	_ =	shalt  }
0x55: {  	_ =	shalt  }
0x56: {  	_ =	shalt  }
0x57: {  	_ =	shalt  }
0x58: {  	_ =	shalt  }
0x59: {  	_ =	shalt  }
0x5a: {  	_ =	shalt  }
0x5b: {  	_ =	shalt  }
0x5c: {  	_ =	shalt  }
0x5d: {  	_ =	shalt  }
0x5e: {  	_ =	shalt  }
0x5f: {  	_ =	shalt  }
0x60: {  	_ =	shalt  }
0x61: {  	_ =	shalt  }
0x62: {  	_ =	shalt  }
0x63: {  	_ =	shalt  }
0x64: {  	_ =	shalt  }
0x65: {  	_ =	shalt  }
0x66: {  	_ =	shalt  }
0x67: {  	_ =	shalt  }
0x68: {  	_ =	shalt  }
0x69: {  	_ =	shalt  }
0x6a: {  	_ =	shalt  }
0x6b: {  	_ =	shalt  }
0x6c: {  	_ =	shalt  }
0x6d: {  	_ =	shalt  }
0x6e: {  	_ =	shalt  }
0x6f: {  	_ =	shalt  }
0x70: {  	_ =	shalt  }
0x71: {  	_ =	shalt  }
0x72: {  	_ =	shalt  }
0x73: {  	_ =	shalt  }
0x74: {  	_ =	shalt  }
0x75: {  	_ =	shalt  }
0x76: {  	_ =	shalt  }
0x77: {  	_ =	shalt  }
0x78: {  	_ =	shalt  }
0x79: {  	_ =	shalt  }
0x7a: {  	_ =	shalt  }
0x7b: {  	_ =	shalt  }
0x7c: {  	_ =	shalt  }
0x7d: {  	_ =	shalt  }
0x7e: {  	_ =	shalt  }
0x7f: {  	_ =	shalt  }
0x80: {  	_ =	shalt  }
0x81: {  	_ =	shalt  }
0x82: {  	_ =	shalt  }
0x83: {  	_ =	shalt  }
0x84: {  	_ =	shalt  }
0x85: {  	_ =	shalt  }
0x86: {  	_ =	shalt  }
0x87: {  	_ =	shalt  }
.Lfunc_end0:
.L_simem_size_0:
called_computation_lowered:
.L_overlay_start_0:
0x88: {  	s2 =	sld [smem:$0x3FD9]  }
0x89: {  	s3 =	sld [smem:$0x3FFE];
	_ =	sdelay $0x1  }
0x8a: {  	s1 =	srdreg.scid  }
0x8b: {  	s0 =	sand.u32 $0x1, s1  }
0x8c: {  	s17 =	sshll.u32 s0, $0xA;
	s2 =	sadd.s32 s3, s2  }
0x8d: {  	s2 =	sadd.s32 s2, s17  }
0x8e: {  	[smem:$0x3FC2] =	sst s2  }
0x8f: {  	_ = 	snop  }
0x90: {  	s2 =	sld [smem:$0x3FD0];
	(tm) =	ssettm $0x1  }
0x91: {  	s18 =	sld [smem:$0x3FFB];
	_ =	sdelay $0x3  }
0x92: {  	_ =	strace s18  }
0x93: {  	s3 =	sld [smem:$0x3FFC];
	_ =	sdelay $0x3  }
0x94: {  	_ =	strace s3  }
0x95: {  	s3 =	sld [smem:$0x3FFD];
	_ =	sdelay $0x3  }
0x96: {  	_ =	strace s3  }
0x97: {  	_ =	strace $0x8FFFFFFF  }
0x98: {  	s19 =	sld [smem:$0x3FDB];
	_ =	sdelay $0x1  }
0x99: {  	s4 =	simm.s32 $_scs_section_size  }
0x9a: {  	s5 =	simm.s32 $_size__tile_overlayer_lowered;
	s6 =	simm.s32 $_tile_overlayer_lowered  }
0x9b: {  	s22 =	simm.s32 $0x1BFF;
	s21 =	sshll.u32 s6, $0x1;
	s3 =	sadd.s32 s4, s19  }
0x9c: {  	s7 =	simm.s32 $0x0;
	s20 =	sshll.u32 s5, $0x1;
	s5 =	sadd.s32 s21, s3  }
0x9d: {  	[timem:s7], [sflag:s22] =	dma.local [hbm:s5], s20  }
0x9e: {  	_ =	swait.ge [sflag:s22], s20  }
0x9f: {  	s4 =	ssub.s32 $0x0, s20;
	[sflag:s22] =	ssyncset.done $0x0  }
0xa0: {  	[sflag:s22] =	ssyncadd.s32 s4;
	_ =	sdelay $0x1  }
0xa1: {  	s23 =	simm.s32 $0x1B8B  }
0xa2: {  	_ =	swait.ge [sflag:s23], $0x1  }
0xa3: {  	[sflag:s23] =	ssyncset.done $0x0  }
0xa4: {  	s25 =	simm.s32 $0x1B8E;
	s24 =	sld [smem:$0x3FFE];
	[sflag:s23] =	ssyncadd.s32 $0xFFFFFFFF  }
0xa5: {  	s26 =	simm.s32 $execute0_lowered;
	[smem:$0x3FD2] =	sst s25  }
0xa6: {  	s5 =	sshll.u32 s26, $0x1;
	_ =	strace $0x80000046;
	[dreg:$0x1] =	wrdreg $0xFFFFFFFF  }
0xa7: {  	s28 =	simm.s32 $_size_execute0_lowered;
	s3 =	sadd.s32 s3, s5;
	[dreg:$0x0] =	wrdreg $0x0  }
0xa8: {  	s5 =	sshll.u32 s28, $0x1;
	[dreg:$0x2] =	wrdreg s3  }
0xa9: {  	[dreg:$0x3] =	wrdreg s5  }
0xaa: {  	[dreg:$0x4] =	wrdreg $0xC0  }
0xab: {  	_ =	task [dreg:s7], $0x5FFFF  }
0xac: {  	[dreg:$0x1] =	wrdreg $0xFFFFFFFF  }
0xad: {  	[dreg:$0x0] =	wrdreg $0x60  }
0xae: {  	[dreg:$0x2] =	wrdreg s24  }
0xaf: {  	[dreg:$0x3] =	wrdreg s2  }
0xb0: {  	[dreg:$0x4] =	wrdreg $0x9  }
0xb1: {  	_ =	task.clear_ibuf [dreg:s7], $0x5FFFF;
	_ =	strace $0x90000046  }
0xb2: {  	s29 =	simm.s32 $0x9;
	_ =	strace $0x80000048  }
0xb3: {  	_ =	swait.ge [sflag:s29], $0x1  }
0xb4: {  	[sflag:s29] =	ssyncadd.s32 $0xFFFFFFFF  }
0xb5: {  	_ =	strace $0x90000048  }
0xb6: {  	_ =	sfence  }
0xb7: {  	s30 =	sld [smem:$0x0];
	_ =	sdelay $0x2  }
0xb8: {  	s31 =	sshll.u32 s1, $0xD;
	s1 =	sshrl.u32 s1, $0x2  }
0xb9: {  	s3 =	sand.u32 $0x4000, s31;
	s1 =	sadd.s32 s1, s30  }
0xba: {  	s0 =	sor.u32 s3, s0;
	s1 =	sshll.u32 s1, $0x11  }
0xbb: {  	s0 =	sor.u32 s1, s0  }
0xbc: {  	s0 =	sadd.s32 $0x8F2B, s0  }
0xbd: {  	[sflag:s0] =	ssyncadd.remote.s32 $0x1  }
0xbe: {  	_ =	sfence.sel $0xFFFF  }
0xbf: {  	[dreg:$0x0] =	wrdreg $0xFFFFFFFF;
	(pc) =	sbr.abs _section_cstart, $3  }
0xc0: {  	[dreg:$0x1] =	wrdreg $0xFFFFFFFF  }
0xc1: {  	_ =	task.clear_ibuf [dreg:s7], $0x2FFFF;
	_ =	strace $0x9FFFFFFF  }
0xc2: {  	(tm) =	ssettm $0x7FFFFFFF  }
0xc3: {  	_ =	shalt  }
tec
execute0_lowered:
.L_overlay_start_1:
0x0: {  	(tag) =	ssettag $0x1  }
0x1: {  	s3 =	rddreg [dreg:$0x0]  }
0x2: {  	s0 =	srdreg.scid;
	s5 =	rddreg [dreg:$0x1]  }
0x3: {  	s2 =	simm.s32 $0x0;
	s4 =	sand.u32 $0x1, s0;
	s0 =	rddreg [dreg:$0x2]  }
0x4: {  	s1 =	stileid.u32;
	[smem:$0x7FF] =	sst s2;
	s6 =	sshll.u32 s4, $0x4  }
0x5: {  	s8 =	sshll.u32 s1, $0x7;
	_ =	strace $0x80000047;
	s6 =	sor.u32 s1, s6  }
0x6: {  	s4 =	ssub.s32 $0x2, s4;
	s7 =	smul.u32 $0x2710, s6;
	s6 =	sshrl.u32 s6, $0x3  }
0x7: {  	s8 =	sand.u32 $0x380, s8;
	s9 =	sshrl.u32 s4, $0x1;
	s6 =	smul.u32 $0x14000, s6  }
0x8: {  	s30 =	ssub.s32 s4, s9;
	s9 =	simm.s32 $0x400;
	s7 =	sshrl.u32 s7, $0x3  }
0x9: {  	s3 =	sadd.s32 s3, s7;
	s6 =	sor.u32 s8, s6;
	s7 =	simm.s32 $0x2780  }
0xa: {  	s8 =	simm.s32 $0x80;
	s3 =	sadd.s32 $0xC440, s3;
	s31 =	sshrl.u32 s6, $0x3  }
0xb: {  	v0 =	vimm.f32 $0.0e+00;
	v1 =	vimm.f32 $1.000000000e+00;
	s6 =	simm.s32 $0x1;
	s4 =	sadd.s32 s5, s31;
	s5 =	smax.u32 s30, $0x1  }
.LBB2_1:
0xc: {  	s10 =	simm.s32 $0x40;
	s11 =	simm.s32 $0x0  }
.LBB2_2:
0xd: {  	p0 =	sne.s32 s10, $0x9FC0;
	[tilespmem:s11+$0x2780] =	vst v0;
	s11 =	smov.u32 s10;
	s10 =	sadd.s32 $0x40, s10  }
.Ltmp0:
0xe: {  	(pc) =	sbr.rel @p0 .LBB2_2-.Ltmp0, $2  }
0xf: {  	_ =	sdelay $0x2  }
0x10: {  	s11 =	sshra.s32 s11, $0x2  }
0x11: {  	[tilespmem:s11+$0x2780] =	vst v0;
	s10 =	simm.s32 $0x0  }
0x12: {  	[tilespmem:s10], [sflag:$0x1] =	stream.linear.gather [hbm4b:s3+s10], $0x2710, $0x38;
	[tilespmem:$0x4F80] =	vst v63  }
0x13: {  	_ =	swait.ge [sflag:s6], $0x2710  }
0x14: {  	[sflag:s6] =	ssyncset.done $0x0  }
0x15: {  	s11 =	simm.s32 $0x0;
	s10 =	simm.s32 $0x40;
	[sflag:s6] =	ssyncadd.s32 $0xFFFFD8F0  }
.LBB2_4:
0x16: {  	p0 =	sne.s32 s10, $0x9C00;
	v2 =	vld [tilespmem:s11+$0x0];
	_ =	sdelay $0x3  }
.Ltmp1:
0x17: {  	(pc) =	sbr.rel @p0 .LBB2_4-.Ltmp1, $2  }
0x18: {  	_ =	sdelay $0x2  }
0x19: {  	s11 =	sshra.s32 s10, $0x2;
	s10 =	sadd.s32 $0x40, s10;
	[tilespmem:v2+s7+$0x0] =	vst.idx.add.f32.msk $0xffff, v1  }
0x1a: {  	v2 =	vld [tilespmem:s11+$0x0];
	_ =	sdelay $0x5  }
0x1b: {  	s2 =	sadd.s32 $0x1, s2  }
0x1c: {  	p0 =	sne.s32 s2, s5  }
.Ltmp2:
0x1d: {  	[tilespmem:v2+s7+$0x0] =	vst.idx.add.f32.msk $0xffff, v1;
	(pc) =	sbr.rel @p0 .LBB2_1-.Ltmp2, $4  }
0x1e: {  	[hbm4b:s4+s8] =	stream.strided.scatter [tilespmem:s7], [sflag:$0x1], $0x2800, s9, s8, $0x38;
	[tilespmem:$0x4F80] =	vst v63  }
0x1f: {  	_ =	swait.ge [sflag:s6], $0x2800  }
0x20: {  	[sflag:s6] =	ssyncset.done $0x0  }
0x21: {  	[sflag:s6] =	ssyncadd.s32 $0xFFFFD800  }
0x22: {  	_ =	sfence.sel $0x180000  }
0x23: {  	[bflag:$0x0] =	sbarrier.arrive $0xFFFF  }
0x24: {  	p0 =	sne.s32 s1, $0x0;
	_ =	strace $0x90000047  }
0x25: {  	s0 =	sadd.s32 @!p0 $0x100000, s0;
	[bflag:$0x2] =	sbarrier.arrive $0xFFFF  }
0x26: {  	[sflag:s0] =	ssyncadd.tile.s32 @!p0 $0x1;
	_ =	shalt  }
.Lfunc_end2:
_tile_overlayer_lowered:
.L_overlay_start_2:
0x27: {  	(tag) =	ssettag $0x2  }
0x28: {  	s0 =	rddreg [dreg:$0x0];
	s2 =	stileid.u32  }
0x29: {  	s1 =	rddreg [dreg:$0x1];
	p0 =	sne.s32 s2, $0x0  }
0x2a: {  	s3 =	rddreg [dreg:$0x2];
	[bflag:$0x3] =	sbarrier.arrive $0xFFFF;
	s2 =	simm.s32 @!p0 $0x1C01  }
0x2b: {  	[timem:s3], [sflag:s2] =	dma.local @!p0 [hbm:s0], s1  }
0x2c: {  	s0 =	simm.s32 @!p0 $0x1  }
0x2d: {  	_ =	swait.ge @!p0 [sflag:s0], s1  }
0x2e: {  	s1 =	ssub.s32 @!p0 $0x0, s1;
	[sflag:s0] =	ssyncset.done @!p0 $0x0  }
0x2f: {  	[sflag:s0] =	ssyncadd.s32 @!p0 s1  }
0x30: {  	[bflag:$0x3] =	sbarrier.arrive $0xFFFF  }
0x31: {  	_ =	shalt  }

</sc_bundles>
